<compile_context>
chip_gen: v7x
topology: tpu7x:2x2x1
jax: 0.10.2.dev20260603
libtpu: 0.0.44.dev20260713+nightly
codegen_flags: <defaults>
</compile_context>

<pallas_src>
import functools

import jax
import jax.numpy as jnp
from jax import lax
from jax.experimental import pallas as pl
from jax.experimental.pallas import tpu as pltpu
from jax.experimental.pallas import tpu_sc as plsc

BATCH = 16384
EMB_DIM = 32
LANES = 16
NUM_CORES = 2
NUM_SUBCORES = 16
NUM_WORKERS = NUM_CORES * NUM_SUBCORES
BPW = BATCH // NUM_WORKERS
IDX_CHUNK = 128
NCHUNK = BPW // IDX_CHUNK


def _make_kernel():
    mesh = plsc.VectorSubcoreMesh(core_axis_name="c", subcore_axis_name="s")

    @functools.partial(
        pl.kernel,
        out_type=jax.ShapeDtypeStruct((BATCH,), jnp.float32),
        mesh=mesh,
        compiler_params=pltpu.CompilerParams(
            needs_layout_passes=False, use_tc_tiling_on_sc=False),
        scratch_types=[
            pltpu.VMEM((NCHUNK, IDX_CHUNK), jnp.int32),
            pltpu.VMEM((NCHUNK, IDX_CHUNK), jnp.int32),
            pltpu.VMEM((BPW, EMB_DIM), jnp.float32),
            pltpu.VMEM((BPW, EMB_DIM), jnp.float32),
            pltpu.VMEM((BPW,), jnp.float32),
            pltpu.SemaphoreType.DMA,
            pltpu.SemaphoreType.DMA,
            [pltpu.SemaphoreType.DMA] * NCHUNK,
            [pltpu.SemaphoreType.DMA] * NCHUNK,
        ],
    )
    def cmf_kernel(users_hbm, items_hbm, uemb_hbm, iemb_hbm, out_hbm,
                   uidx_v, iidx_v, urows_v, irows_v, outv,
                   uisem, iisem, usems, isems):
        wid = lax.axis_index("s") * NUM_CORES + lax.axis_index("c")
        row0 = wid * NCHUNK
        ui_cp = pltpu.async_copy(
            users_hbm.at[pl.ds(row0, NCHUNK)], uidx_v, uisem)
        ii_cp = pltpu.async_copy(
            items_hbm.at[pl.ds(row0, NCHUNK)], iidx_v, iisem)

        ui_cp.wait()
        ucopies = [
            pltpu.async_copy(uemb_hbm.at[uidx_v.at[j]],
                             urows_v.at[pl.ds(j * IDX_CHUNK, IDX_CHUNK)],
                             usems[j])
            for j in range(NCHUNK)
        ]
        ii_cp.wait()
        icopies = [
            pltpu.async_copy(iemb_hbm.at[iidx_v.at[j]],
                             irows_v.at[pl.ds(j * IDX_CHUNK, IDX_CHUNK)],
                             isems[j])
            for j in range(NCHUNK)
        ]

        def group(g, carry):
            rows = g * LANES + lax.iota(jnp.int32, LANES)
            accs = [jnp.zeros((LANES,), jnp.float32) for _ in range(4)]
            for d in range(EMB_DIM):
                cols = jnp.full((LANES,), d, jnp.int32)
                u = plsc.load_gather(urows_v, [rows, cols])
                v = plsc.load_gather(irows_v, [rows, cols])
                accs[d % 4] = accs[d % 4] + u * v
            s = (accs[0] + accs[1]) + (accs[2] + accs[3])
            sig = 1.0 / (1.0 + jnp.exp(-s))
            outv[pl.ds(g * LANES, LANES)] = sig
            return carry

        groups_per_chunk = IDX_CHUNK // LANES
        for j in range(NCHUNK):
            ucopies[j].wait()
            icopies[j].wait()
            lax.fori_loop(j * groups_per_chunk, (j + 1) * groups_per_chunk,
                          group, 0)

        base = wid * BPW
        pltpu.sync_copy(outv, out_hbm.at[pl.ds(base, BPW)])

    return cmf_kernel


_cmf = _make_kernel()


def kernel(users, items, user_emb, item_emb):
    users2 = users.reshape(NUM_WORKERS * NCHUNK, IDX_CHUNK)
    items2 = items.reshape(NUM_WORKERS * NCHUNK, IDX_CHUNK)
    return _cmf(users2, items2, user_emb, item_emb)

# --- scband reference (transcript-rebuilt; emitter-appended) ---
"""Pipeline reference for scband-cmf-22960895164786 (READ-ONLY COPY).

The authoritative reference and input builder live on the scoring server;
editing this copy changes nothing except your own understanding.
"""

import jax, jax.numpy as jnp
import numpy as np

N_USERS = 1000000
N_ITEMS = 1000000
EMB_DIM = 32
BATCH = 16384


def setup_inputs(seed: int = 0) -> dict:
    key = jax.random.key(seed)
    k1, k2, k3, k4 = jax.random.split(key, 4)
    users = jax.random.randint(k1, (BATCH,), 0, N_USERS, dtype=jnp.int64 if jax.config.jax_enable_x64 else jnp.int32).astype(jnp.int32)
    items = jax.random.randint(k2, (BATCH,), 0, N_ITEMS, dtype=jnp.int64 if jax.config.jax_enable_x64 else jnp.int32).astype(jnp.int32)
    user_emb = jax.random.normal(k3, (N_USERS, EMB_DIM), dtype=jnp.float32) * 0.1
    item_emb = jax.random.normal(k4, (N_ITEMS, EMB_DIM), dtype=jnp.float32) * 0.1
    return {"users": users, "items": items, "user_emb": user_emb, "item_emb": item_emb}


def reference(users, items, user_emb, item_emb):
    # CMF.forward -> predict: gather both embeddings, elementwise mul, sum, sigmoid
    u = jnp.take(user_emb, users, axis=0)
    v = jnp.take(item_emb, items, axis=0)
    logits = jnp.sum(u * v, axis=-1)
    return jax.nn.sigmoid(logits)

if __name__ == "__main__":
    import jax
    _d = setup_inputs()
    print(jax.jit(kernel)(*tuple(_d.values())))

</pallas_src>

<mosaic_0001>
#map = affine_map<(d0, d1) -> (0, 0)>
#map1 = affine_map<(d0, d1) -> (0)>
module attributes {stable_mosaic.version = 14 : i64} {
  func.func @cmf_kernel(%arg0: i32, %arg1: i32, %arg2: memref<128x128xi32, #tpu.memory_space<hbm>>, %arg3: memref<128x128xi32, #tpu.memory_space<hbm>>, %arg4: memref<1000000x32xf32, #tpu.memory_space<hbm>>, %arg5: memref<1000000x32xf32, #tpu.memory_space<hbm>>, %arg6: memref<16384xf32, #tpu.memory_space<hbm>>, %arg7: memref<4x128xi32, #tpu.memory_space<vmem>>, %arg8: memref<4x128xi32, #tpu.memory_space<vmem>>, %arg9: memref<512x32xf32, #tpu.memory_space<vmem>>, %arg10: memref<512x32xf32, #tpu.memory_space<vmem>>, %arg11: memref<512xf32, #tpu.memory_space<vmem>>, %arg12: memref<!tpu.dma_semaphore, #tpu.memory_space<semaphore_mem>>, %arg13: memref<!tpu.dma_semaphore, #tpu.memory_space<semaphore_mem>>, %arg14: memref<!tpu.dma_semaphore, #tpu.memory_space<semaphore_mem>>, %arg15: memref<!tpu.dma_semaphore, #tpu.memory_space<semaphore_mem>>, %arg16: memref<!tpu.dma_semaphore, #tpu.memory_space<semaphore_mem>>, %arg17: memref<!tpu.dma_semaphore, #tpu.memory_space<semaphore_mem>>, %arg18: memref<!tpu.dma_semaphore, #tpu.memory_space<semaphore_mem>>, %arg19: memref<!tpu.dma_semaphore, #tpu.memory_space<semaphore_mem>>, %arg20: memref<!tpu.dma_semaphore, #tpu.memory_space<semaphore_mem>>, %arg21: memref<!tpu.dma_semaphore, #tpu.memory_space<semaphore_mem>>) attributes {dimension_semantics = [#tpu.dimension_semantics<core_parallel>, #tpu.dimension_semantics<subcore_parallel>], iteration_bounds = array<i64: 2, 16>, scalar_prefetch = 0 : i64, scratch_operands = 15 : i64, tpu.core_type = #tpu.core_type<sc_vector_subcore>, window_params = [{transform_indices = #map}, {transform_indices = #map}, {transform_indices = #map}, {transform_indices = #map}, {transform_indices = #map1}]} {
    %mul3A = arith.constant 2 : i32
    %mul3A_0 = arith.muli %arg1, %mul3A : i32
    %add3A = arith.addi %mul3A_0, %arg0 : i32
    %mul3A_1 = arith.constant 4 : i32
    %mul3A_2 = arith.muli %add3A, %mul3A_1 : i32
    %dma_start3A = arith.constant 0 : i32
    %dma_start3A_3 = tpu.memref_slice %arg2[%mul3A_2, %dma_start3A] : memref<128x128xi32, #tpu.memory_space<hbm>> -> memref<4x128xi32, #tpu.memory_space<hbm>>
    %dma_start3A_4 = arith.constant 0 : i32
    %dma_start3A_5 = tpu.memref_slice %arg2[%mul3A_2, %dma_start3A_4] : memref<128x128xi32, #tpu.memory_space<hbm>> -> memref<4x128xi32, #tpu.memory_space<hbm>>
    tpu.enqueue_dma source(%dma_start3A_5 : memref<4x128xi32, #tpu.memory_space<hbm>>) target(%arg7 : memref<4x128xi32, #tpu.memory_space<vmem>>) target_semaphore(%arg12 : memref<!tpu.dma_semaphore, #tpu.memory_space<semaphore_mem>>)
    %dma_start3A_6 = arith.constant 0 : i32
    %dma_start3A_7 = tpu.memref_slice %arg3[%mul3A_2, %dma_start3A_6] : memref<128x128xi32, #tpu.memory_space<hbm>> -> memref<4x128xi32, #tpu.memory_space<hbm>>
    %dma_start3A_8 = arith.constant 0 : i32
    %dma_start3A_9 = tpu.memref_slice %arg3[%mul3A_2, %dma_start3A_8] : memref<128x128xi32, #tpu.memory_space<hbm>> -> memref<4x128xi32, #tpu.memory_space<hbm>>
    tpu.enqueue_dma source(%dma_start3A_9 : memref<4x128xi32, #tpu.memory_space<hbm>>) target(%arg8 : memref<4x128xi32, #tpu.memory_space<vmem>>) target_semaphore(%arg13 : memref<!tpu.dma_semaphore, #tpu.memory_space<semaphore_mem>>)
    %dma_wait3A = arith.constant 0 : i32
    %dma_wait3A_10 = tpu.memref_slice %arg2[%mul3A_2, %dma_wait3A] : memref<128x128xi32, #tpu.memory_space<hbm>> -> memref<4x128xi32, #tpu.memory_space<hbm>>
    %dma_wait3A_11 = arith.constant 0 : i32
    %dma_wait3A_12 = tpu.memref_slice %arg2[%mul3A_2, %dma_wait3A_11] : memref<128x128xi32, #tpu.memory_space<hbm>> -> memref<4x128xi32, #tpu.memory_space<hbm>>
    tpu.wait_dma2 semaphore(%arg12 : memref<!tpu.dma_semaphore, #tpu.memory_space<semaphore_mem>>) src(%dma_wait3A_12 : memref<4x128xi32, #tpu.memory_space<hbm>>) dst(%arg7 : memref<4x128xi32, #tpu.memory_space<vmem>>)
    %dma_start3A_13 = arith.constant 0 : i32
    %dma_start3A_14 = arith.constant 0 : i32
    %dma_start3A_15 = arith.constant 0 : i32
    %dma_start3A_16 = tpu.memref_slice %arg9[%dma_start3A_14, %dma_start3A_15] : memref<512x32xf32, #tpu.memory_space<vmem>> -> memref<128x32xf32, #tpu.memory_space<vmem>>
    %dma_start3A_17 = arith.constant 0 : i32
    %dma_start3A_18 = tpu.memref_slice %arg7[%dma_start3A_13, %dma_start3A_17] : memref<4x128xi32, #tpu.memory_space<vmem>> -> memref<1x128xi32, #tpu.memory_space<vmem>>
    %dma_start3A_19 = tpu.memref_squeeze %dma_start3A_18 : memref<1x128xi32, #tpu.memory_space<vmem>> -> memref<128xi32, #tpu.memory_space<vmem>>
    %dma_start3A_20 = arith.constant 0 : i32
    %dma_start3A_21 = arith.constant 0 : i32
    %dma_start3A_22 = tpu.memref_slice %arg4[%dma_start3A_20, %dma_start3A_21] : memref<1000000x32xf32, #tpu.memory_space<hbm>> -> memref<1000000x32xf32, #tpu.memory_space<hbm>>
    tpu.enqueue_indirect_dma source(%dma_start3A_22 : memref<1000000x32xf32, #tpu.memory_space<hbm>>) target(%dma_start3A_16 : memref<128x32xf32, #tpu.memory_space<vmem>>) offsets(%dma_start3A_19 : memref<128xi32, #tpu.memory_space<vmem>>) semaphore(%arg14 : memref<!tpu.dma_semaphore, #tpu.memory_space<semaphore_mem>>)
    %dma_start3A_23 = arith.constant 1 : i32
    %dma_start3A_24 = arith.constant 128 : i32
    %dma_start3A_25 = arith.constant 0 : i32
    %dma_start3A_26 = tpu.memref_slice %arg9[%dma_start3A_24, %dma_start3A_25] : memref<512x32xf32, #tpu.memory_space<vmem>> -> memref<128x32xf32, #tpu.memory_space<vmem>>
    %dma_start3A_27 = arith.constant 0 : i32
    %dma_start3A_28 = tpu.memref_slice %arg7[%dma_start3A_23, %dma_start3A_27] : memref<4x128xi32, #tpu.memory_space<vmem>> -> memref<1x128xi32, #tpu.memory_space<vmem>>
    %dma_start3A_29 = tpu.memref_squeeze %dma_start3A_28 : memref<1x128xi32, #tpu.memory_space<vmem>> -> memref<128xi32, #tpu.memory_space<vmem>>
    %dma_start3A_30 = arith.constant 0 : i32
    %dma_start3A_31 = arith.constant 0 : i32
    %dma_start3A_32 = tpu.memref_slice %arg4[%dma_start3A_30, %dma_start3A_31] : memref<1000000x32xf32, #tpu.memory_space<hbm>> -> memref<1000000x32xf32, #tpu.memory_space<hbm>>
    tpu.enqueue_indirect_dma source(%dma_start3A_32 : memref<1000000x32xf32, #tpu.memory_space<hbm>>) target(%dma_start3A_26 : memref<128x32xf32, #tpu.memory_space<vmem>>) offsets(%dma_start3A_29 : memref<128xi32, #tpu.memory_space<vmem>>) semaphore(%arg15 : memref<!tpu.dma_semaphore, #tpu.memory_space<semaphore_mem>>)
    %dma_start3A_33 = arith.constant 2 : i32
    %dma_start3A_34 = arith.constant 256 : i32
    %dma_start3A_35 = arith.constant 0 : i32
    %dma_start3A_36 = tpu.memref_slice %arg9[%dma_start3A_34, %dma_start3A_35] : memref<512x32xf32, #tpu.memory_space<vmem>> -> memref<128x32xf32, #tpu.memory_space<vmem>>
    %dma_start3A_37 = arith.constant 0 : i32
    %dma_start3A_38 = tpu.memref_slice %arg7[%dma_start3A_33, %dma_start3A_37] : memref<4x128xi32, #tpu.memory_space<vmem>> -> memref<1x128xi32, #tpu.memory_space<vmem>>
    %dma_start3A_39 = tpu.memref_squeeze %dma_start3A_38 : memref<1x128xi32, #tpu.memory_space<vmem>> -> memref<128xi32, #tpu.memory_space<vmem>>
    %dma_start3A_40 = arith.constant 0 : i32
    %dma_start3A_41 = arith.constant 0 : i32
    %dma_start3A_42 = tpu.memref_slice %arg4[%dma_start3A_40, %dma_start3A_41] : memref<1000000x32xf32, #tpu.memory_space<hbm>> -> memref<1000000x32xf32, #tpu.memory_space<hbm>>
    tpu.enqueue_indirect_dma source(%dma_start3A_42 : memref<1000000x32xf32, #tpu.memory_space<hbm>>) target(%dma_start3A_36 : memref<128x32xf32, #tpu.memory_space<vmem>>) offsets(%dma_start3A_39 : memref<128xi32, #tpu.memory_space<vmem>>) semaphore(%arg16 : memref<!tpu.dma_semaphore, #tpu.memory_space<semaphore_mem>>)
    %dma_start3A_43 = arith.constant 3 : i32
    %dma_start3A_44 = arith.constant 384 : i32
    %dma_start3A_45 = arith.constant 0 : i32
    %dma_start3A_46 = tpu.memref_slice %arg9[%dma_start3A_44, %dma_start3A_45] : memref<512x32xf32, #tpu.memory_space<vmem>> -> memref<128x32xf32, #tpu.memory_space<vmem>>
    %dma_start3A_47 = arith.constant 0 : i32
    %dma_start3A_48 = tpu.memref_slice %arg7[%dma_start3A_43, %dma_start3A_47] : memref<4x128xi32, #tpu.memory_space<vmem>> -> memref<1x128xi32, #tpu.memory_space<vmem>>
    %dma_start3A_49 = tpu.memref_squeeze %dma_start3A_48 : memref<1x128xi32, #tpu.memory_space<vmem>> -> memref<128xi32, #tpu.memory_space<vmem>>
    %dma_start3A_50 = arith.constant 0 : i32
    %dma_start3A_51 = arith.constant 0 : i32
    %dma_start3A_52 = tpu.memref_slice %arg4[%dma_start3A_50, %dma_start3A_51] : memref<1000000x32xf32, #tpu.memory_space<hbm>> -> memref<1000000x32xf32, #tpu.memory_space<hbm>>
    tpu.enqueue_indirect_dma source(%dma_start3A_52 : memref<1000000x32xf32, #tpu.memory_space<hbm>>) target(%dma_start3A_46 : memref<128x32xf32, #tpu.memory_space<vmem>>) offsets(%dma_start3A_49 : memref<128xi32, #tpu.memory_space<vmem>>) semaphore(%arg17 : memref<!tpu.dma_semaphore, #tpu.memory_space<semaphore_mem>>)
    %dma_wait3A_53 = arith.constant 0 : i32
    %dma_wait3A_54 = tpu.memref_slice %arg3[%mul3A_2, %dma_wait3A_53] : memref<128x128xi32, #tpu.memory_space<hbm>> -> memref<4x128xi32, #tpu.memory_space<hbm>>
    %dma_wait3A_55 = arith.constant 0 : i32
    %dma_wait3A_56 = tpu.memref_slice %arg3[%mul3A_2, %dma_wait3A_55] : memref<128x128xi32, #tpu.memory_space<hbm>> -> memref<4x128xi32, #tpu.memory_space<hbm>>
    tpu.wait_dma2 semaphore(%arg13 : memref<!tpu.dma_semaphore, #tpu.memory_space<semaphore_mem>>) src(%dma_wait3A_56 : memref<4x128xi32, #tpu.memory_space<hbm>>) dst(%arg8 : memref<4x128xi32, #tpu.memory_space<vmem>>)
    %dma_start3A_57 = arith.constant 0 : i32
    %dma_start3A_58 = arith.constant 0 : i32
    %dma_start3A_59 = arith.constant 0 : i32
    %dma_start3A_60 = tpu.memref_slice %arg10[%dma_start3A_58, %dma_start3A_59] : memref<512x32xf32, #tpu.memory_space<vmem>> -> memref<128x32xf32, #tpu.memory_space<vmem>>
    %dma_start3A_61 = arith.constant 0 : i32
    %dma_start3A_62 = tpu.memref_slice %arg8[%dma_start3A_57, %dma_start3A_61] : memref<4x128xi32, #tpu.memory_space<vmem>> -> memref<1x128xi32, #tpu.memory_space<vmem>>
    %dma_start3A_63 = tpu.memref_squeeze %dma_start3A_62 : memref<1x128xi32, #tpu.memory_space<vmem>> -> memref<128xi32, #tpu.memory_space<vmem>>
    %dma_start3A_64 = arith.constant 0 : i32
    %dma_start3A_65 = arith.constant 0 : i32
    %dma_start3A_66 = tpu.memref_slice %arg5[%dma_start3A_64, %dma_start3A_65] : memref<1000000x32xf32, #tpu.memory_space<hbm>> -> memref<1000000x32xf32, #tpu.memory_space<hbm>>
    tpu.enqueue_indirect_dma source(%dma_start3A_66 : memref<1000000x32xf32, #tpu.memory_space<hbm>>) target(%dma_start3A_60 : memref<128x32xf32, #tpu.memory_space<vmem>>) offsets(%dma_start3A_63 : memref<128xi32, #tpu.memory_space<vmem>>) semaphore(%arg18 : memref<!tpu.dma_semaphore, #tpu.memory_space<semaphore_mem>>)
    %dma_start3A_67 = arith.constant 1 : i32
    %dma_start3A_68 = arith.constant 128 : i32
    %dma_start3A_69 = arith.constant 0 : i32
    %dma_start3A_70 = tpu.memref_slice %arg10[%dma_start3A_68, %dma_start3A_69] : memref<512x32xf32, #tpu.memory_space<vmem>> -> memref<128x32xf32, #tpu.memory_space<vmem>>
    %dma_start3A_71 = arith.constant 0 : i32
    %dma_start3A_72 = tpu.memref_slice %arg8[%dma_start3A_67, %dma_start3A_71] : memref<4x128xi32, #tpu.memory_space<vmem>> -> memref<1x128xi32, #tpu.memory_space<vmem>>
    %dma_start3A_73 = tpu.memref_squeeze %dma_start3A_72 : memref<1x128xi32, #tpu.memory_space<vmem>> -> memref<128xi32, #tpu.memory_space<vmem>>
    %dma_start3A_74 = arith.constant 0 : i32
    %dma_start3A_75 = arith.constant 0 : i32
    %dma_start3A_76 = tpu.memref_slice %arg5[%dma_start3A_74, %dma_start3A_75] : memref<1000000x32xf32, #tpu.memory_space<hbm>> -> memref<1000000x32xf32, #tpu.memory_space<hbm>>
    tpu.enqueue_indirect_dma source(%dma_start3A_76 : memref<1000000x32xf32, #tpu.memory_space<hbm>>) target(%dma_start3A_70 : memref<128x32xf32, #tpu.memory_space<vmem>>) offsets(%dma_start3A_73 : memref<128xi32, #tpu.memory_space<vmem>>) semaphore(%arg19 : memref<!tpu.dma_semaphore, #tpu.memory_space<semaphore_mem>>)
    %dma_start3A_77 = arith.constant 2 : i32
    %dma_start3A_78 = arith.constant 256 : i32
    %dma_start3A_79 = arith.constant 0 : i32
    %dma_start3A_80 = tpu.memref_slice %arg10[%dma_start3A_78, %dma_start3A_79] : memref<512x32xf32, #tpu.memory_space<vmem>> -> memref<128x32xf32, #tpu.memory_space<vmem>>
    %dma_start3A_81 = arith.constant 0 : i32
    %dma_start3A_82 = tpu.memref_slice %arg8[%dma_start3A_77, %dma_start3A_81] : memref<4x128xi32, #tpu.memory_space<vmem>> -> memref<1x128xi32, #tpu.memory_space<vmem>>
    %dma_start3A_83 = tpu.memref_squeeze %dma_start3A_82 : memref<1x128xi32, #tpu.memory_space<vmem>> -> memref<128xi32, #tpu.memory_space<vmem>>
    %dma_start3A_84 = arith.constant 0 : i32
    %dma_start3A_85 = arith.constant 0 : i32
    %dma_start3A_86 = tpu.memref_slice %arg5[%dma_start3A_84, %dma_start3A_85] : memref<1000000x32xf32, #tpu.memory_space<hbm>> -> memref<1000000x32xf32, #tpu.memory_space<hbm>>
    tpu.enqueue_indirect_dma source(%dma_start3A_86 : memref<1000000x32xf32, #tpu.memory_space<hbm>>) target(%dma_start3A_80 : memref<128x32xf32, #tpu.memory_space<vmem>>) offsets(%dma_start3A_83 : memref<128xi32, #tpu.memory_space<vmem>>) semaphore(%arg20 : memref<!tpu.dma_semaphore, #tpu.memory_space<semaphore_mem>>)
    %dma_start3A_87 = arith.constant 3 : i32
    %dma_start3A_88 = arith.constant 384 : i32
    %dma_start3A_89 = arith.constant 0 : i32
    %dma_start3A_90 = tpu.memref_slice %arg10[%dma_start3A_88, %dma_start3A_89] : memref<512x32xf32, #tpu.memory_space<vmem>> -> memref<128x32xf32, #tpu.memory_space<vmem>>
    %dma_start3A_91 = arith.constant 0 : i32
    %dma_start3A_92 = tpu.memref_slice %arg8[%dma_start3A_87, %dma_start3A_91] : memref<4x128xi32, #tpu.memory_space<vmem>> -> memref<1x128xi32, #tpu.memory_space<vmem>>
    %dma_start3A_93 = tpu.memref_squeeze %dma_start3A_92 : memref<1x128xi32, #tpu.memory_space<vmem>> -> memref<128xi32, #tpu.memory_space<vmem>>
    %dma_start3A_94 = arith.constant 0 : i32
    %dma_start3A_95 = arith.constant 0 : i32
    %dma_start3A_96 = tpu.memref_slice %arg5[%dma_start3A_94, %dma_start3A_95] : memref<1000000x32xf32, #tpu.memory_space<hbm>> -> memref<1000000x32xf32, #tpu.memory_space<hbm>>
    tpu.enqueue_indirect_dma source(%dma_start3A_96 : memref<1000000x32xf32, #tpu.memory_space<hbm>>) target(%dma_start3A_90 : memref<128x32xf32, #tpu.memory_space<vmem>>) offsets(%dma_start3A_93 : memref<128xi32, #tpu.memory_space<vmem>>) semaphore(%arg21 : memref<!tpu.dma_semaphore, #tpu.memory_space<semaphore_mem>>)
    %dma_wait3A_97 = arith.constant 0 : i32
    %dma_wait3A_98 = arith.constant 0 : i32
    %dma_wait3A_99 = arith.constant 0 : i32
    %dma_wait3A_100 = tpu.memref_slice %arg9[%dma_wait3A_98, %dma_wait3A_99] : memref<512x32xf32, #tpu.memory_space<vmem>> -> memref<128x32xf32, #tpu.memory_space<vmem>>
    %dma_wait3A_101 = arith.constant 0 : i32
    %dma_wait3A_102 = tpu.memref_slice %arg7[%dma_wait3A_97, %dma_wait3A_101] : memref<4x128xi32, #tpu.memory_space<vmem>> -> memref<1x128xi32, #tpu.memory_space<vmem>>
    %dma_wait3A_103 = tpu.memref_squeeze %dma_wait3A_102 : memref<1x128xi32, #tpu.memory_space<vmem>> -> memref<128xi32, #tpu.memory_space<vmem>>
    %dma_wait3A_104 = arith.constant 0 : i32
    %dma_wait3A_105 = arith.constant 0 : i32
    %dma_wait3A_106 = tpu.memref_slice %arg4[%dma_wait3A_104, %dma_wait3A_105] : memref<1000000x32xf32, #tpu.memory_space<hbm>> -> memref<1000000x32xf32, #tpu.memory_space<hbm>>
    tpu.wait_indirect_dma semaphore(%arg14 : memref<!tpu.dma_semaphore, #tpu.memory_space<semaphore_mem>>) src(%dma_wait3A_106 : memref<1000000x32xf32, #tpu.memory_space<hbm>>) dst(%dma_wait3A_100 : memref<128x32xf32, #tpu.memory_space<vmem>>)
    %dma_wait3A_107 = arith.constant 0 : i32
    %dma_wait3A_108 = arith.constant 0 : i32
    %dma_wait3A_109 = arith.constant 0 : i32
    %dma_wait3A_110 = tpu.memref_slice %arg10[%dma_wait3A_108, %dma_wait3A_109] : memref<512x32xf32, #tpu.memory_space<vmem>> -> memref<128x32xf32, #tpu.memory_space<vmem>>
    %dma_wait3A_111 = arith.constant 0 : i32
    %dma_wait3A_112 = tpu.memref_slice %arg8[%dma_wait3A_107, %dma_wait3A_111] : memref<4x128xi32, #tpu.memory_space<vmem>> -> memref<1x128xi32, #tpu.memory_space<vmem>>
    %dma_wait3A_113 = tpu.memref_squeeze %dma_wait3A_112 : memref<1x128xi32, #tpu.memory_space<vmem>> -> memref<128xi32, #tpu.memory_space<vmem>>
    %dma_wait3A_114 = arith.constant 0 : i32
    %dma_wait3A_115 = arith.constant 0 : i32
    %dma_wait3A_116 = tpu.memref_slice %arg5[%dma_wait3A_114, %dma_wait3A_115] : memref<1000000x32xf32, #tpu.memory_space<hbm>> -> memref<1000000x32xf32, #tpu.memory_space<hbm>>
    tpu.wait_indirect_dma semaphore(%arg18 : memref<!tpu.dma_semaphore, #tpu.memory_space<semaphore_mem>>) src(%dma_wait3A_116 : memref<1000000x32xf32, #tpu.memory_space<hbm>>) dst(%dma_wait3A_110 : memref<128x32xf32, #tpu.memory_space<vmem>>)
    %scan3A = arith.constant 0 : i32
    %scan3A_117 = arith.constant 0 : i32
    %scan3A_118 = arith.constant 8 : i32
    %scan3A_119 = arith.addi %scan3A_117, %scan3A_118 : i32
    %scan3A_120 = arith.constant 1 : i32
    scf.for %scan3A_202 = %scan3A_117 to %scan3A_119 step %scan3A_120  : i32 {
      %mul3A_203 = arith.constant 16 : i32
      %mul3A_204 = arith.muli %scan3A_202, %mul3A_203 : i32
      %iota3A = tpu.iota {dimensions = array<i32: 0>} : vector<16xi32>
      %add3A_205 = vector.broadcast %mul3A_204 : i32 to vector<16xi32>
      %add3A_206 = arith.addi %add3A_205, %iota3A : vector<16xi32>
      %broadcast_in_dim3A = arith.constant 0.000000e+00 : f32
      %broadcast_in_dim3A_207 = vector.broadcast %broadcast_in_dim3A : f32 to vector<16xf32>
      %broadcast_in_dim3A_208 = arith.constant 0.000000e+00 : f32
      %broadcast_in_dim3A_209 = vector.broadcast %broadcast_in_dim3A_208 : f32 to vector<16xf32>
      %broadcast_in_dim3A_210 = arith.constant 0.000000e+00 : f32
      %broadcast_in_dim3A_211 = vector.broadcast %broadcast_in_dim3A_210 : f32 to vector<16xf32>
      %broadcast_in_dim3A_212 = arith.constant 0.000000e+00 : f32
      %broadcast_in_dim3A_213 = vector.broadcast %broadcast_in_dim3A_212 : f32 to vector<16xf32>
      %broadcast_in_dim3A_214 = arith.constant 0 : i32
      %broadcast_in_dim3A_215 = vector.broadcast %broadcast_in_dim3A_214 : i32 to vector<16xi32>
      %gather3A = tpu.vector_load_idx %arg9[%add3A_206, %broadcast_in_dim3A_215] : memref<512x32xf32, #tpu.memory_space<vmem>>[vector<16xi32>, vector<16xi32>], vector<16xf32>,
      %gather3A_216 = tpu.vector_load_idx %arg10[%add3A_206, %broadcast_in_dim3A_215] : memref<512x32xf32, #tpu.memory_space<vmem>>[vector<16xi32>, vector<16xi32>], vector<16xf32>,
      %mul3A_217 = arith.mulf %gather3A, %gather3A_216 : vector<16xf32>
      %add3A_218 = arith.addf %broadcast_in_dim3A_207, %mul3A_217 : vector<16xf32>
      %broadcast_in_dim3A_219 = arith.constant 1 : i32
      %broadcast_in_dim3A_220 = vector.broadcast %broadcast_in_dim3A_219 : i32 to vector<16xi32>
      %gather3A_221 = tpu.vector_load_idx %arg9[%add3A_206, %broadcast_in_dim3A_220] : memref<512x32xf32, #tpu.memory_space<vmem>>[vector<16xi32>, vector<16xi32>], vector<16xf32>,
      %gather3A_222 = tpu.vector_load_idx %arg10[%add3A_206, %broadcast_in_dim3A_220] : memref<512x32xf32, #tpu.memory_space<vmem>>[vector<16xi32>, vector<16xi32>], vector<16xf32>,
      %mul3A_223 = arith.mulf %gather3A_221, %gather3A_222 : vector<16xf32>
      %add3A_224 = arith.addf %broadcast_in_dim3A_209, %mul3A_223 : vector<16xf32>
      %broadcast_in_dim3A_225 = arith.constant 2 : i32
      %broadcast_in_dim3A_226 = vector.broadcast %broadcast_in_dim3A_225 : i32 to vector<16xi32>
      %gather3A_227 = tpu.vector_load_idx %arg9[%add3A_206, %broadcast_in_dim3A_226] : memref<512x32xf32, #tpu.memory_space<vmem>>[vector<16xi32>, vector<16xi32>], vector<16xf32>,
      %gather3A_228 = tpu.vector_load_idx %arg10[%add3A_206, %broadcast_in_dim3A_226] : memref<512x32xf32, #tpu.memory_space<vmem>>[vector<16xi32>, vector<16xi32>], vector<16xf32>,
      %mul3A_229 = arith.mulf %gather3A_227, %gather3A_228 : vector<16xf32>
      %add3A_230 = arith.addf %broadcast_in_dim3A_211, %mul3A_229 : vector<16xf32>
      %broadcast_in_dim3A_231 = arith.constant 3 : i32
      %broadcast_in_dim3A_232 = vector.broadcast %broadcast_in_dim3A_231 : i32 to vector<16xi32>
      %gather3A_233 = tpu.vector_load_idx %arg9[%add3A_206, %broadcast_in_dim3A_232] : memref<512x32xf32, #tpu.memory_space<vmem>>[vector<16xi32>, vector<16xi32>], vector<16xf32>,
      %gather3A_234 = tpu.vector_load_idx %arg10[%add3A_206, %broadcast_in_dim3A_232] : memref<512x32xf32, #tpu.memory_space<vmem>>[vector<16xi32>, vector<16xi32>], vector<16xf32>,
      %mul3A_235 = arith.mulf %gather3A_233, %gather3A_234 : vector<16xf32>
      %add3A_236 = arith.addf %broadcast_in_dim3A_213, %mul3A_235 : vector<16xf32>
      %broadcast_in_dim3A_237 = arith.constant 4 : i32
      %broadcast_in_dim3A_238 = vector.broadcast %broadcast_in_dim3A_237 : i32 to vector<16xi32>
      %gather3A_239 = tpu.vector_load_idx %arg9[%add3A_206, %broadcast_in_dim3A_238] : memref<512x32xf32, #tpu.memory_space<vmem>>[vector<16xi32>, vector<16xi32>], vector<16xf32>,
      %gather3A_240 = tpu.vector_load_idx %arg10[%add3A_206, %broadcast_in_dim3A_238] : memref<512x32xf32, #tpu.memory_space<vmem>>[vector<16xi32>, vector<16xi32>], vector<16xf32>,
      %mul3A_241 = arith.mulf %gather3A_239, %gather3A_240 : vector<16xf32>
      %add3A_242 = arith.addf %add3A_218, %mul3A_241 : vector<16xf32>
      %broadcast_in_dim3A_243 = arith.constant 5 : i32
      %broadcast_in_dim3A_244 = vector.broadcast %broadcast_in_dim3A_243 : i32 to vector<16xi32>
      %gather3A_245 = tpu.vector_load_idx %arg9[%add3A_206, %broadcast_in_dim3A_244] : memref<512x32xf32, #tpu.memory_space<vmem>>[vector<16xi32>, vector<16xi32>], vector<16xf32>,
      %gather3A_246 = tpu.vector_load_idx %arg10[%add3A_206, %broadcast_in_dim3A_244] : memref<512x32xf32, #tpu.memory_space<vmem>>[vector<16xi32>, vector<16xi32>], vector<16xf32>,
      %mul3A_247 = arith.mulf %gather3A_245, %gather3A_246 : vector<16xf32>
      %add3A_248 = arith.addf %add3A_224, %mul3A_247 : vector<16xf32>
      %broadcast_in_dim3A_249 = arith.constant 6 : i32
      %broadcast_in_dim3A_250 = vector.broadcast %broadcast_in_dim3A_249 : i32 to vector<16xi32>
      %gather3A_251 = tpu.vector_load_idx %arg9[%add3A_206, %broadcast_in_dim3A_250] : memref<512x32xf32, #tpu.memory_space<vmem>>[vector<16xi32>, vector<16xi32>], vector<16xf32>,
      %gather3A_252 = tpu.vector_load_idx %arg10[%add3A_206, %broadcast_in_dim3A_250] : memref<512x32xf32, #tpu.memory_space<vmem>>[vector<16xi32>, vector<16xi32>], vector<16xf32>,
      %mul3A_253 = arith.mulf %gather3A_251, %gather3A_252 : vector<16xf32>
      %add3A_254 = arith.addf %add3A_230, %mul3A_253 : vector<16xf32>
      %broadcast_in_dim3A_255 = arith.constant 7 : i32
      %broadcast_in_dim3A_256 = vector.broadcast %broadcast_in_dim3A_255 : i32 to vector<16xi32>
      %gather3A_257 = tpu.vector_load_idx %arg9[%add3A_206, %broadcast_in_dim3A_256] : memref<512x32xf32, #tpu.memory_space<vmem>>[vector<16xi32>, vector<16xi32>], vector<16xf32>,
      %gather3A_258 = tpu.vector_load_idx %arg10[%add3A_206, %broadcast_in_dim3A_256] : memref<512x32xf32, #tpu.memory_space<vmem>>[vector<16xi32>, vector<16xi32>], vector<16xf32>,
      %mul3A_259 = arith.mulf %gather3A_257, %gather3A_258 : vector<16xf32>
      %add3A_260 = arith.addf %add3A_236, %mul3A_259 : vector<16xf32>
      %broadcast_in_dim3A_261 = arith.constant 8 : i32
      %broadcast_in_dim3A_262 = vector.broadcast %broadcast_in_dim3A_261 : i32 to vector<16xi32>
      %gather3A_263 = tpu.vector_load_idx %arg9[%add3A_206, %broadcast_in_dim3A_262] : memref<512x32xf32, #tpu.memory_space<vmem>>[vector<16xi32>, vector<16xi32>], vector<16xf32>,
      %gather3A_264 = tpu.vector_load_idx %arg10[%add3A_206, %broadcast_in_dim3A_262] : memref<512x32xf32, #tpu.memory_space<vmem>>[vector<16xi32>, vector<16xi32>], vector<16xf32>,
      %mul3A_265 = arith.mulf %gather3A_263, %gather3A_264 : vector<16xf32>
      %add3A_266 = arith.addf %add3A_242, %mul3A_265 : vector<16xf32>
      %broadcast_in_dim3A_267 = arith.constant 9 : i32
      %broadcast_in_dim3A_268 = vector.broadcast %broadcast_in_dim3A_267 : i32 to vector<16xi32>
      %gather3A_269 = tpu.vector_load_idx %arg9[%add3A_206, %broadcast_in_dim3A_268] : memref<512x32xf32, #tpu.memory_space<vmem>>[vector<16xi32>, vector<16xi32>], vector<16xf32>,
      %gather3A_270 = tpu.vector_load_idx %arg10[%add3A_206, %broadcast_in_dim3A_268] : memref<512x32xf32, #tpu.memory_space<vmem>>[vector<16xi32>, vector<16xi32>], vector<16xf32>,
      %mul3A_271 = arith.mulf %gather3A_269, %gather3A_270 : vector<16xf32>
      %add3A_272 = arith.addf %add3A_248, %mul3A_271 : vector<16xf32>
      %broadcast_in_dim3A_273 = arith.constant 10 : i32
      %broadcast_in_dim3A_274 = vector.broadcast %broadcast_in_dim3A_273 : i32 to vector<16xi32>
      %gather3A_275 = tpu.vector_load_idx %arg9[%add3A_206, %broadcast_in_dim3A_274] : memref<512x32xf32, #tpu.memory_space<vmem>>[vector<16xi32>, vector<16xi32>], vector<16xf32>,
      %gather3A_276 = tpu.vector_load_idx %arg10[%add3A_206, %broadcast_in_dim3A_274] : memref<512x32xf32, #tpu.memory_space<vmem>>[vector<16xi32>, vector<16xi32>], vector<16xf32>,
      %mul3A_277 = arith.mulf %gather3A_275, %gather3A_276 : vector<16xf32>
      %add3A_278 = arith.addf %add3A_254, %mul3A_277 : vector<16xf32>
      %broadcast_in_dim3A_279 = arith.constant 11 : i32
      %broadcast_in_dim3A_280 = vector.broadcast %broadcast_in_dim3A_279 : i32 to vector<16xi32>
      %gather3A_281 = tpu.vector_load_idx %arg9[%add3A_206, %broadcast_in_dim3A_280] : memref<512x32xf32, #tpu.memory_space<vmem>>[vector<16xi32>, vector<16xi32>], vector<16xf32>,
      %gather3A_282 = tpu.vector_load_idx %arg10[%add3A_206, %broadcast_in_dim3A_280] : memref<512x32xf32, #tpu.memory_space<vmem>>[vector<16xi32>, vector<16xi32>], vector<16xf32>,
      %mul3A_283 = arith.mulf %gather3A_281, %gather3A_282 : vector<16xf32>
      %add3A_284 = arith.addf %add3A_260, %mul3A_283 : vector<16xf32>
      %broadcast_in_dim3A_285 = arith.constant 12 : i32
      %broadcast_in_dim3A_286 = vector.broadcast %broadcast_in_dim3A_285 : i32 to vector<16xi32>
      %gather3A_287 = tpu.vector_load_idx %arg9[%add3A_206, %broadcast_in_dim3A_286] : memref<512x32xf32, #tpu.memory_space<vmem>>[vector<16xi32>, vector<16xi32>], vector<16xf32>,
      %gather3A_288 = tpu.vector_load_idx %arg10[%add3A_206, %broadcast_in_dim3A_286] : memref<512x32xf32, #tpu.memory_space<vmem>>[vector<16xi32>, vector<16xi32>], vector<16xf32>,
      %mul3A_289 = arith.mulf %gather3A_287, %gather3A_288 : vector<16xf32>
      %add3A_290 = arith.addf %add3A_266, %mul3A_289 : vector<16xf32>
      %broadcast_in_dim3A_291 = arith.constant 13 : i32
      %broadcast_in_dim3A_292 = vector.broadcast %broadcast_in_dim3A_291 : i32 to vector<16xi32>
      %gather3A_293 = tpu.vector_load_idx %arg9[%add3A_206, %broadcast_in_dim3A_292] : memref<512x32xf32, #tpu.memory_space<vmem>>[vector<16xi32>, vector<16xi32>], vector<16xf32>,
      %gather3A_294 = tpu.vector_load_idx %arg10[%add3A_206, %broadcast_in_dim3A_292] : memref<512x32xf32, #tpu.memory_space<vmem>>[vector<16xi32>, vector<16xi32>], vector<16xf32>,
      %mul3A_295 = arith.mulf %gather3A_293, %gather3A_294 : vector<16xf32>
      %add3A_296 = arith.addf %add3A_272, %mul3A_295 : vector<16xf32>
      %broadcast_in_dim3A_297 = arith.constant 14 : i32
      %broadcast_in_dim3A_298 = vector.broadcast %broadcast_in_dim3A_297 : i32 to vector<16xi32>
      %gather3A_299 = tpu.vector_load_idx %arg9[%add3A_206, %broadcast_in_dim3A_298] : memref<512x32xf32, #tpu.memory_space<vmem>>[vector<16xi32>, vector<16xi32>], vector<16xf32>,
      %gather3A_300 = tpu.vector_load_idx %arg10[%add3A_206, %broadcast_in_dim3A_298] : memref<512x32xf32, #tpu.memory_space<vmem>>[vector<16xi32>, vector<16xi32>], vector<16xf32>,
      %mul3A_301 = arith.mulf %gather3A_299, %gather3A_300 : vector<16xf32>
      %add3A_302 = arith.addf %add3A_278, %mul3A_301 : vector<16xf32>
      %broadcast_in_dim3A_303 = arith.constant 15 : i32
      %broadcast_in_dim3A_304 = vector.broadcast %broadcast_in_dim3A_303 : i32 to vector<16xi32>
      %gather3A_305 = tpu.vector_load_idx %arg9[%add3A_206, %broadcast_in_dim3A_304] : memref<512x32xf32, #tpu.memory_space<vmem>>[vector<16xi32>, vector<16xi32>], vector<16xf32>,
      %gather3A_306 = tpu.vector_load_idx %arg10[%add3A_206, %broadcast_in_dim3A_304] : memref<512x32xf32, #tpu.memory_space<vmem>>[vector<16xi32>, vector<16xi32>], vector<16xf32>,
      %mul3A_307 = arith.mulf %gather3A_305, %gather3A_306 : vector<16xf32>
      %add3A_308 = arith.addf %add3A_284, %mul3A_307 : vector<16xf32>
      %broadcast_in_dim3A_309 = arith.constant 16 : i32
      %broadcast_in_dim3A_310 = vector.broadcast %broadcast_in_dim3A_309 : i32 to vector<16xi32>
      %gather3A_311 = tpu.vector_load_idx %arg9[%add3A_206, %broadcast_in_dim3A_310] : memref<512x32xf32, #tpu.memory_space<vmem>>[vector<16xi32>, vector<16xi32>], vector<16xf32>,
      %gather3A_312 = tpu.vector_load_idx %arg10[%add3A_206, %broadcast_in_dim3A_310] : memref<512x32xf32, #tpu.memory_space<vmem>>[vector<16xi32>, vector<16xi32>], vector<16xf32>,
      %mul3A_313 = arith.mulf %gather3A_311, %gather3A_312 : vector<16xf32>
      %add3A_314 = arith.addf %add3A_290, %mul3A_313 : vector<16xf32>
      %broadcast_in_dim3A_315 = arith.constant 17 : i32
      %broadcast_in_dim3A_316 = vector.broadcast %broadcast_in_dim3A_315 : i32 to vector<16xi32>
      %gather3A_317 = tpu.vector_load_idx %arg9[%add3A_206, %broadcast_in_dim3A_316] : memref<512x32xf32, #tpu.memory_space<vmem>>[vector<16xi32>, vector<16xi32>], vector<16xf32>,
      %gather3A_318 = tpu.vector_load_idx %arg10[%add3A_206, %broadcast_in_dim3A_316] : memref<512x32xf32, #tpu.memory_space<vmem>>[vector<16xi32>, vector<16xi32>], vector<16xf32>,
      %mul3A_319 = arith.mulf %gather3A_317, %gather3A_318 : vector<16xf32>
      %add3A_320 = arith.addf %add3A_296, %mul3A_319 : vector<16xf32>
      %broadcast_in_dim3A_321 = arith.constant 18 : i32
      %broadcast_in_dim3A_322 = vector.broadcast %broadcast_in_dim3A_321 : i32 to vector<16xi32>
      %gather3A_323 = tpu.vector_load_idx %arg9[%add3A_206, %broadcast_in_dim3A_322] : memref<512x32xf32, #tpu.memory_space<vmem>>[vector<16xi32>, vector<16xi32>], vector<16xf32>,
      %gather3A_324 = tpu.vector_load_idx %arg10[%add3A_206, %broadcast_in_dim3A_322] : memref<512x32xf32, #tpu.memory_space<vmem>>[vector<16xi32>, vector<16xi32>], vector<16xf32>,
      %mul3A_325 = arith.mulf %gather3A_323, %gather3A_324 : vector<16xf32>
      %add3A_326 = arith.addf %add3A_302, %mul3A_325 : vector<16xf32>
      %broadcast_in_dim3A_327 = arith.constant 19 : i32
      %broadcast_in_dim3A_328 = vector.broadcast %broadcast_in_dim3A_327 : i32 to vector<16xi32>
      %gather3A_329 = tpu.vector_load_idx %arg9[%add3A_206, %broadcast_in_dim3A_328] : memref<512x32xf32, #tpu.memory_space<vmem>>[vector<16xi32>, vector<16xi32>], vector<16xf32>,
      %gather3A_330 = tpu.vector_load_idx %arg10[%add3A_206, %broadcast_in_dim3A_328] : memref<512x32xf32, #tpu.memory_space<vmem>>[vector<16xi32>, vector<16xi32>], vector<16xf32>,
      %mul3A_331 = arith.mulf %gather3A_329, %gather3A_330 : vector<16xf32>
      %add3A_332 = arith.addf %add3A_308, %mul3A_331 : vector<16xf32>
      %broadcast_in_dim3A_333 = arith.constant 20 : i32
      %broadcast_in_dim3A_334 = vector.broadcast %broadcast_in_dim3A_333 : i32 to vector<16xi32>
      %gather3A_335 = tpu.vector_load_idx %arg9[%add3A_206, %broadcast_in_dim3A_334] : memref<512x32xf32, #tpu.memory_space<vmem>>[vector<16xi32>, vector<16xi32>], vector<16xf32>,
      %gather3A_336 = tpu.vector_load_idx %arg10[%add3A_206, %broadcast_in_dim3A_334] : memref<512x32xf32, #tpu.memory_space<vmem>>[vector<16xi32>, vector<16xi32>], vector<16xf32>,
      %mul3A_337 = arith.mulf %gather3A_335, %gather3A_336 : vector<16xf32>
      %add3A_338 = arith.addf %add3A_314, %mul3A_337 : vector<16xf32>
      %broadcast_in_dim3A_339 = arith.constant 21 : i32
      %broadcast_in_dim3A_340 = vector.broadcast %broadcast_in_dim3A_339 : i32 to vector<16xi32>
      %gather3A_341 = tpu.vector_load_idx %arg9[%add3A_206, %broadcast_in_dim3A_340] : memref<512x32xf32, #tpu.memory_space<vmem>>[vector<16xi32>, vector<16xi32>], vector<16xf32>,
      %gather3A_342 = tpu.vector_load_idx %arg10[%add3A_206, %broadcast_in_dim3A_340] : memref<512x32xf32, #tpu.memory_space<vmem>>[vector<16xi32>, vector<16xi32>], vector<16xf32>,
      %mul3A_343 = arith.mulf %gather3A_341, %gather3A_342 : vector<16xf32>
      %add3A_344 = arith.addf %add3A_320, %mul3A_343 : vector<16xf32>
      %broadcast_in_dim3A_345 = arith.constant 22 : i32
      %broadcast_in_dim3A_346 = vector.broadcast %broadcast_in_dim3A_345 : i32 to vector<16xi32>
      %gather3A_347 = tpu.vector_load_idx %arg9[%add3A_206, %broadcast_in_dim3A_346] : memref<512x32xf32, #tpu.memory_space<vmem>>[vector<16xi32>, vector<16xi32>], vector<16xf32>,
      %gather3A_348 = tpu.vector_load_idx %arg10[%add3A_206, %broadcast_in_dim3A_346] : memref<512x32xf32, #tpu.memory_space<vmem>>[vector<16xi32>, vector<16xi32>], vector<16xf32>,
      %mul3A_349 = arith.mulf %gather3A_347, %gather3A_348 : vector<16xf32>
      %add3A_350 = arith.addf %add3A_326, %mul3A_349 : vector<16xf32>
      %broadcast_in_dim3A_351 = arith.constant 23 : i32
      %broadcast_in_dim3A_352 = vector.broadcast %broadcast_in_dim3A_351 : i32 to vector<16xi32>
      %gather3A_353 = tpu.vector_load_idx %arg9[%add3A_206, %broadcast_in_dim3A_352] : memref<512x32xf32, #tpu.memory_space<vmem>>[vector<16xi32>, vector<16xi32>], vector<16xf32>,
      %gather3A_354 = tpu.vector_load_idx %arg10[%add3A_206, %broadcast_in_dim3A_352] : memref<512x32xf32, #tpu.memory_space<vmem>>[vector<16xi32>, vector<16xi32>], vector<16xf32>,
      %mul3A_355 = arith.mulf %gather3A_353, %gather3A_354 : vector<16xf32>
      %add3A_356 = arith.addf %add3A_332, %mul3A_355 : vector<16xf32>
      %broadcast_in_dim3A_357 = arith.constant 24 : i32
      %broadcast_in_dim3A_358 = vector.broadcast %broadcast_in_dim3A_357 : i32 to vector<16xi32>
      %gather3A_359 = tpu.vector_load_idx %arg9[%add3A_206, %broadcast_in_dim3A_358] : memref<512x32xf32, #tpu.memory_space<vmem>>[vector<16xi32>, vector<16xi32>], vector<16xf32>,
      %gather3A_360 = tpu.vector_load_idx %arg10[%add3A_206, %broadcast_in_dim3A_358] : memref<512x32xf32, #tpu.memory_space<vmem>>[vector<16xi32>, vector<16xi32>], vector<16xf32>,
      %mul3A_361 = arith.mulf %gather3A_359, %gather3A_360 : vector<16xf32>
      %add3A_362 = arith.addf %add3A_338, %mul3A_361 : vector<16xf32>
      %broadcast_in_dim3A_363 = arith.constant 25 : i32
      %broadcast_in_dim3A_364 = vector.broadcast %broadcast_in_dim3A_363 : i32 to vector<16xi32>
      %gather3A_365 = tpu.vector_load_idx %arg9[%add3A_206, %broadcast_in_dim3A_364] : memref<512x32xf32, #tpu.memory_space<vmem>>[vector<16xi32>, vector<16xi32>], vector<16xf32>,
      %gather3A_366 = tpu.vector_load_idx %arg10[%add3A_206, %broadcast_in_dim3A_364] : memref<512x32xf32, #tpu.memory_space<vmem>>[vector<16xi32>, vector<16xi32>], vector<16xf32>,
      %mul3A_367 = arith.mulf %gather3A_365, %gather3A_366 : vector<16xf32>
      %add3A_368 = arith.addf %add3A_344, %mul3A_367 : vector<16xf32>
      %broadcast_in_dim3A_369 = arith.constant 26 : i32
      %broadcast_in_dim3A_370 = vector.broadcast %broadcast_in_dim3A_369 : i32 to vector<16xi32>
      %gather3A_371 = tpu.vector_load_idx %arg9[%add3A_206, %broadcast_in_dim3A_370] : memref<512x32xf32, #tpu.memory_space<vmem>>[vector<16xi32>, vector<16xi32>], vector<16xf32>,
      %gather3A_372 = tpu.vector_load_idx %arg10[%add3A_206, %broadcast_in_dim3A_370] : memref<512x32xf32, #tpu.memory_space<vmem>>[vector<16xi32>, vector<16xi32>], vector<16xf32>,
      %mul3A_373 = arith.mulf %gather3A_371, %gather3A_372 : vector<16xf32>
      %add3A_374 = arith.addf %add3A_350, %mul3A_373 : vector<16xf32>
      %broadcast_in_dim3A_375 = arith.constant 27 : i32
      %broadcast_in_dim3A_376 = vector.broadcast %broadcast_in_dim3A_375 : i32 to vector<16xi32>
      %gather3A_377 = tpu.vector_load_idx %arg9[%add3A_206, %broadcast_in_dim3A_376] : memref<512x32xf32, #tpu.memory_space<vmem>>[vector<16xi32>, vector<16xi32>], vector<16xf32>,
      %gather3A_378 = tpu.vector_load_idx %arg10[%add3A_206, %broadcast_in_dim3A_376] : memref<512x32xf32, #tpu.memory_space<vmem>>[vector<16xi32>, vector<16xi32>], vector<16xf32>,
      %mul3A_379 = arith.mulf %gather3A_377, %gather3A_378 : vector<16xf32>
      %add3A_380 = arith.addf %add3A_356, %mul3A_379 : vector<16xf32>
      %broadcast_in_dim3A_381 = arith.constant 28 : i32
      %broadcast_in_dim3A_382 = vector.broadcast %broadcast_in_dim3A_381 : i32 to vector<16xi32>
      %gather3A_383 = tpu.vector_load_idx %arg9[%add3A_206, %broadcast_in_dim3A_382] : memref<512x32xf32, #tpu.memory_space<vmem>>[vector<16xi32>, vector<16xi32>], vector<16xf32>,
      %gather3A_384 = tpu.vector_load_idx %arg10[%add3A_206, %broadcast_in_dim3A_382] : memref<512x32xf32, #tpu.memory_space<vmem>>[vector<16xi32>, vector<16xi32>], vector<16xf32>,
      %mul3A_385 = arith.mulf %gather3A_383, %gather3A_384 : vector<16xf32>
      %add3A_386 = arith.addf %add3A_362, %mul3A_385 : vector<16xf32>
      %broadcast_in_dim3A_387 = arith.constant 29 : i32
      %broadcast_in_dim3A_388 = vector.broadcast %broadcast_in_dim3A_387 : i32 to vector<16xi32>
      %gather3A_389 = tpu.vector_load_idx %arg9[%add3A_206, %broadcast_in_dim3A_388] : memref<512x32xf32, #tpu.memory_space<vmem>>[vector<16xi32>, vector<16xi32>], vector<16xf32>,
      %gather3A_390 = tpu.vector_load_idx %arg10[%add3A_206, %broadcast_in_dim3A_388] : memref<512x32xf32, #tpu.memory_space<vmem>>[vector<16xi32>, vector<16xi32>], vector<16xf32>,
      %mul3A_391 = arith.mulf %gather3A_389, %gather3A_390 : vector<16xf32>
      %add3A_392 = arith.addf %add3A_368, %mul3A_391 : vector<16xf32>
      %broadcast_in_dim3A_393 = arith.constant 30 : i32
      %broadcast_in_dim3A_394 = vector.broadcast %broadcast_in_dim3A_393 : i32 to vector<16xi32>
      %gather3A_395 = tpu.vector_load_idx %arg9[%add3A_206, %broadcast_in_dim3A_394] : memref<512x32xf32, #tpu.memory_space<vmem>>[vector<16xi32>, vector<16xi32>], vector<16xf32>,
      %gather3A_396 = tpu.vector_load_idx %arg10[%add3A_206, %broadcast_in_dim3A_394] : memref<512x32xf32, #tpu.memory_space<vmem>>[vector<16xi32>, vector<16xi32>], vector<16xf32>,
      %mul3A_397 = arith.mulf %gather3A_395, %gather3A_396 : vector<16xf32>
      %add3A_398 = arith.addf %add3A_374, %mul3A_397 : vector<16xf32>
      %broadcast_in_dim3A_399 = arith.constant 31 : i32
      %broadcast_in_dim3A_400 = vector.broadcast %broadcast_in_dim3A_399 : i32 to vector<16xi32>
      %gather3A_401 = tpu.vector_load_idx %arg9[%add3A_206, %broadcast_in_dim3A_400] : memref<512x32xf32, #tpu.memory_space<vmem>>[vector<16xi32>, vector<16xi32>], vector<16xf32>,
      %gather3A_402 = tpu.vector_load_idx %arg10[%add3A_206, %broadcast_in_dim3A_400] : memref<512x32xf32, #tpu.memory_space<vmem>>[vector<16xi32>, vector<16xi32>], vector<16xf32>,
      %mul3A_403 = arith.mulf %gather3A_401, %gather3A_402 : vector<16xf32>
      %add3A_404 = arith.addf %add3A_380, %mul3A_403 : vector<16xf32>
      %add3A_405 = arith.addf %add3A_386, %add3A_392 : vector<16xf32>
      %add3A_406 = arith.addf %add3A_398, %add3A_404 : vector<16xf32>
      %add3A_407 = arith.addf %add3A_405, %add3A_406 : vector<16xf32>
      %neg3A = arith.constant 0.000000e+00 : f32
      %neg3A_408 = vector.broadcast %neg3A : f32 to vector<16xf32>
      %neg3A_409 = arith.subf %neg3A_408, %add3A_407 : vector<16xf32>
      %exp3A = math.exp %neg3A_409 : vector<16xf32>
      %add3A_410 = arith.constant 1.000000e+00 : f32
      %add3A_411 = vector.broadcast %add3A_410 : f32 to vector<16xf32>
      %add3A_412 = arith.addf %add3A_411, %exp3A : vector<16xf32>
      %div3A = arith.constant 1.000000e+00 : f32
      %div3A_413 = vector.broadcast %div3A : f32 to vector<16xf32>
      %div3A_414 = arith.divf %div3A_413, %add3A_412 : vector<16xf32>
      %mul3A_415 = arith.constant 16 : i32
      %mul3A_416 = arith.muli %scan3A_202, %mul3A_415 : i32
      %swap3A = arith.index_cast %mul3A_416 : i32 to index
      %swap3A_417 = tpu.vector_load %arg11[%swap3A] {strides = array<i32>} : memref<512xf32, #tpu.memory_space<vmem>>, vector<16xf32>,
      tpu.vector_store %arg11[%swap3A], %div3A_414 {strides = array<i32>} : memref<512xf32, #tpu.memory_space<vmem>>, vector<16xf32>,
    }
    %scan3A_121 = arith.constant 8 : i32
    %dma_wait3A_122 = arith.constant 1 : i32
    %dma_wait3A_123 = arith.constant 128 : i32
    %dma_wait3A_124 = arith.constant 0 : i32
    %dma_wait3A_125 = tpu.memref_slice %arg9[%dma_wait3A_123, %dma_wait3A_124] : memref<512x32xf32, #tpu.memory_space<vmem>> -> memref<128x32xf32, #tpu.memory_space<vmem>>
    %dma_wait3A_126 = arith.constant 0 : i32
    %dma_wait3A_127 = tpu.memref_slice %arg7[%dma_wait3A_122, %dma_wait3A_126] : memref<4x128xi32, #tpu.memory_space<vmem>> -> memref<1x128xi32, #tpu.memory_space<vmem>>
    %dma_wait3A_128 = tpu.memref_squeeze %dma_wait3A_127 : memref<1x128xi32, #tpu.memory_space<vmem>> -> memref<128xi32, #tpu.memory_space<vmem>>
    %dma_wait3A_129 = arith.constant 0 : i32
    %dma_wait3A_130 = arith.constant 0 : i32
    %dma_wait3A_131 = tpu.memref_slice %arg4[%dma_wait3A_129, %dma_wait3A_130] : memref<1000000x32xf32, #tpu.memory_space<hbm>> -> memref<1000000x32xf32, #tpu.memory_space<hbm>>
    tpu.wait_indirect_dma semaphore(%arg15 : memref<!tpu.dma_semaphore, #tpu.memory_space<semaphore_mem>>) src(%dma_wait3A_131 : memref<1000000x32xf32, #tpu.memory_space<hbm>>) dst(%dma_wait3A_125 : memref<128x32xf32, #tpu.memory_space<vmem>>)
    %dma_wait3A_132 = arith.constant 1 : i32
    %dma_wait3A_133 = arith.constant 128 : i32
    %dma_wait3A_134 = arith.constant 0 : i32
    %dma_wait3A_135 = tpu.memref_slice %arg10[%dma_wait3A_133, %dma_wait3A_134] : memref<512x32xf32, #tpu.memory_space<vmem>> -> memref<128x32xf32, #tpu.memory_space<vmem>>
    %dma_wait3A_136 = arith.constant 0 : i32
    %dma_wait3A_137 = tpu.memref_slice %arg8[%dma_wait3A_132, %dma_wait3A_136] : memref<4x128xi32, #tpu.memory_space<vmem>> -> memref<1x128xi32, #tpu.memory_space<vmem>>
    %dma_wait3A_138 = tpu.memref_squeeze %dma_wait3A_137 : memref<1x128xi32, #tpu.memory_space<vmem>> -> memref<128xi32, #tpu.memory_space<vmem>>
    %dma_wait3A_139 = arith.constant 0 : i32
    %dma_wait3A_140 = arith.constant 0 : i32
    %dma_wait3A_141 = tpu.memref_slice %arg5[%dma_wait3A_139, %dma_wait3A_140] : memref<1000000x32xf32, #tpu.memory_space<hbm>> -> memref<1000000x32xf32, #tpu.memory_space<hbm>>
    tpu.wait_indirect_dma semaphore(%arg19 : memref<!tpu.dma_semaphore, #tpu.memory_space<semaphore_mem>>) src(%dma_wait3A_141 : memref<1000000x32xf32, #tpu.memory_space<hbm>>) dst(%dma_wait3A_135 : memref<128x32xf32, #tpu.memory_space<vmem>>)
    %scan3A_142 = arith.constant 0 : i32
    %scan3A_143 = arith.constant 8 : i32
    %scan3A_144 = arith.constant 8 : i32
    %scan3A_145 = arith.addi %scan3A_143, %scan3A_144 : i32
    %scan3A_146 = arith.constant 1 : i32
    scf.for %scan3A_202 = %scan3A_143 to %scan3A_145 step %scan3A_146  : i32 {
      %mul3A_203 = arith.constant 16 : i32
      %mul3A_204 = arith.muli %scan3A_202, %mul3A_203 : i32
      %iota3A = tpu.iota {dimensions = array<i32: 0>} : vector<16xi32>
      %add3A_205 = vector.broadcast %mul3A_204 : i32 to vector<16xi32>
      %add3A_206 = arith.addi %add3A_205, %iota3A : vector<16xi32>
      %broadcast_in_dim3A = arith.constant 0.000000e+00 : f32
      %broadcast_in_dim3A_207 = vector.broadcast %broadcast_in_dim3A : f32 to vector<16xf32>
      %broadcast_in_dim3A_208 = arith.constant 0.000000e+00 : f32
      %broadcast_in_dim3A_209 = vector.broadcast %broadcast_in_dim3A_208 : f32 to vector<16xf32>
      %broadcast_in_dim3A_210 = arith.constant 0.000000e+00 : f32
      %broadcast_in_dim3A_211 = vector.broadcast %broadcast_in_dim3A_210 : f32 to vector<16xf32>
      %broadcast_in_dim3A_212 = arith.constant 0.000000e+00 : f32
      %broadcast_in_dim3A_213 = vector.broadcast %broadcast_in_dim3A_212 : f32 to vector<16xf32>
      %broadcast_in_dim3A_214 = arith.constant 0 : i32
      %broadcast_in_dim3A_215 = vector.broadcast %broadcast_in_dim3A_214 : i32 to vector<16xi32>
      %gather3A = tpu.vector_load_idx %arg9[%add3A_206, %broadcast_in_dim3A_215] : memref<512x32xf32, #tpu.memory_space<vmem>>[vector<16xi32>, vector<16xi32>], vector<16xf32>,
      %gather3A_216 = tpu.vector_load_idx %arg10[%add3A_206, %broadcast_in_dim3A_215] : memref<512x32xf32, #tpu.memory_space<vmem>>[vector<16xi32>, vector<16xi32>], vector<16xf32>,
      %mul3A_217 = arith.mulf %gather3A, %gather3A_216 : vector<16xf32>
      %add3A_218 = arith.addf %broadcast_in_dim3A_207, %mul3A_217 : vector<16xf32>
      %broadcast_in_dim3A_219 = arith.constant 1 : i32
      %broadcast_in_dim3A_220 = vector.broadcast %broadcast_in_dim3A_219 : i32 to vector<16xi32>
      %gather3A_221 = tpu.vector_load_idx %arg9[%add3A_206, %broadcast_in_dim3A_220] : memref<512x32xf32, #tpu.memory_space<vmem>>[vector<16xi32>, vector<16xi32>], vector<16xf32>,
      %gather3A_222 = tpu.vector_load_idx %arg10[%add3A_206, %broadcast_in_dim3A_220] : memref<512x32xf32, #tpu.memory_space<vmem>>[vector<16xi32>, vector<16xi32>], vector<16xf32>,
      %mul3A_223 = arith.mulf %gather3A_221, %gather3A_222 : vector<16xf32>
      %add3A_224 = arith.addf %broadcast_in_dim3A_209, %mul3A_223 : vector<16xf32>
      %broadcast_in_dim3A_225 = arith.constant 2 : i32
      %broadcast_in_dim3A_226 = vector.broadcast %broadcast_in_dim3A_225 : i32 to vector<16xi32>
      %gather3A_227 = tpu.vector_load_idx %arg9[%add3A_206, %broadcast_in_dim3A_226] : memref<512x32xf32, #tpu.memory_space<vmem>>[vector<16xi32>, vector<16xi32>], vector<16xf32>,
      %gather3A_228 = tpu.vector_load_idx %arg10[%add3A_206, %broadcast_in_dim3A_226] : memref<512x32xf32, #tpu.memory_space<vmem>>[vector<16xi32>, vector<16xi32>], vector<16xf32>,
      %mul3A_229 = arith.mulf %gather3A_227, %gather3A_228 : vector<16xf32>
      %add3A_230 = arith.addf %broadcast_in_dim3A_211, %mul3A_229 : vector<16xf32>
      %broadcast_in_dim3A_231 = arith.constant 3 : i32
      %broadcast_in_dim3A_232 = vector.broadcast %broadcast_in_dim3A_231 : i32 to vector<16xi32>
      %gather3A_233 = tpu.vector_load_idx %arg9[%add3A_206, %broadcast_in_dim3A_232] : memref<512x32xf32, #tpu.memory_space<vmem>>[vector<16xi32>, vector<16xi32>], vector<16xf32>,
      %gather3A_234 = tpu.vector_load_idx %arg10[%add3A_206, %broadcast_in_dim3A_232] : memref<512x32xf32, #tpu.memory_space<vmem>>[vector<16xi32>, vector<16xi32>], vector<16xf32>,
      %mul3A_235 = arith.mulf %gather3A_233, %gather3A_234 : vector<16xf32>
      %add3A_236 = arith.addf %broadcast_in_dim3A_213, %mul3A_235 : vector<16xf32>
      %broadcast_in_dim3A_237 = arith.constant 4 : i32
      %broadcast_in_dim3A_238 = vector.broadcast %broadcast_in_dim3A_237 : i32 to vector<16xi32>
      %gather3A_239 = tpu.vector_load_idx %arg9[%add3A_206, %broadcast_in_dim3A_238] : memref<512x32xf32, #tpu.memory_space<vmem>>[vector<16xi32>, vector<16xi32>], vector<16xf32>,
      %gather3A_240 = tpu.vector_load_idx %arg10[%add3A_206, %broadcast_in_dim3A_238] : memref<512x32xf32, #tpu.memory_space<vmem>>[vector<16xi32>, vector<16xi32>], vector<16xf32>,
      %mul3A_241 = arith.mulf %gather3A_239, %gather3A_240 : vector<16xf32>
      %add3A_242 = arith.addf %add3A_218, %mul3A_241 : vector<16xf32>
      %broadcast_in_dim3A_243 = arith.constant 5 : i32
      %broadcast_in_dim3A_244 = vector.broadcast %broadcast_in_dim3A_243 : i32 to vector<16xi32>
      %gather3A_245 = tpu.vector_load_idx %arg9[%add3A_206, %broadcast_in_dim3A_244] : memref<512x32xf32, #tpu.memory_space<vmem>>[vector<16xi32>, vector<16xi32>], vector<16xf32>,
      %gather3A_246 = tpu.vector_load_idx %arg10[%add3A_206, %broadcast_in_dim3A_244] : memref<512x32xf32, #tpu.memory_space<vmem>>[vector<16xi32>, vector<16xi32>], vector<16xf32>,
      %mul3A_247 = arith.mulf %gather3A_245, %gather3A_246 : vector<16xf32>
      %add3A_248 = arith.addf %add3A_224, %mul3A_247 : vector<16xf32>
      %broadcast_in_dim3A_249 = arith.constant 6 : i32
      %broadcast_in_dim3A_250 = vector.broadcast %broadcast_in_dim3A_249 : i32 to vector<16xi32>
      %gather3A_251 = tpu.vector_load_idx %arg9[%add3A_206, %broadcast_in_dim3A_250] : memref<512x32xf32, #tpu.memory_space<vmem>>[vector<16xi32>, vector<16xi32>], vector<16xf32>,
      %gather3A_252 = tpu.vector_load_idx %arg10[%add3A_206, %broadcast_in_dim3A_250] : memref<512x32xf32, #tpu.memory_space<vmem>>[vector<16xi32>, vector<16xi32>], vector<16xf32>,
      %mul3A_253 = arith.mulf %gather3A_251, %gather3A_252 : vector<16xf32>
      %add3A_254 = arith.addf %add3A_230, %mul3A_253 : vector<16xf32>
      %broadcast_in_dim3A_255 = arith.constant 7 : i32
      %broadcast_in_dim3A_256 = vector.broadcast %broadcast_in_dim3A_255 : i32 to vector<16xi32>
      %gather3A_257 = tpu.vector_load_idx %arg9[%add3A_206, %broadcast_in_dim3A_256] : memref<512x32xf32, #tpu.memory_space<vmem>>[vector<16xi32>, vector<16xi32>], vector<16xf32>,
      %gather3A_258 = tpu.vector_load_idx %arg10[%add3A_206, %broadcast_in_dim3A_256] : memref<512x32xf32, #tpu.memory_space<vmem>>[vector<16xi32>, vector<16xi32>], vector<16xf32>,
      %mul3A_259 = arith.mulf %gather3A_257, %gather3A_258 : vector<16xf32>
      %add3A_260 = arith.addf %add3A_236, %mul3A_259 : vector<16xf32>
      %broadcast_in_dim3A_261 = arith.constant 8 : i32
      %broadcast_in_dim3A_262 = vector.broadcast %broadcast_in_dim3A_261 : i32 to vector<16xi32>
      %gather3A_263 = tpu.vector_load_idx %arg9[%add3A_206, %broadcast_in_dim3A_262] : memref<512x32xf32, #tpu.memory_space<vmem>>[vector<16xi32>, vector<16xi32>], vector<16xf32>,
      %gather3A_264 = tpu.vector_load_idx %arg10[%add3A_206, %broadcast_in_dim3A_262] : memref<512x32xf32, #tpu.memory_space<vmem>>[vector<16xi32>, vector<16xi32>], vector<16xf32>,
      %mul3A_265 = arith.mulf %gather3A_263, %gather3A_264 : vector<16xf32>
      %add3A_266 = arith.addf %add3A_242, %mul3A_265 : vector<16xf32>
      %broadcast_in_dim3A_267 = arith.constant 9 : i32
      %broadcast_in_dim3A_268 = vector.broadcast %broadcast_in_dim3A_267 : i32 to vector<16xi32>
      %gather3A_269 = tpu.vector_load_idx %arg9[%add3A_206, %broadcast_in_dim3A_268] : memref<512x32xf32, #tpu.memory_space<vmem>>[vector<16xi32>, vector<16xi32>], vector<16xf32>,
      %gather3A_270 = tpu.vector_load_idx %arg10[%add3A_206, %broadcast_in_dim3A_268] : memref<512x32xf32, #tpu.memory_space<vmem>>[vector<16xi32>, vector<16xi32>], vector<16xf32>,
      %mul3A_271 = arith.mulf %gather3A_269, %gather3A_270 : vector<16xf32>
      %add3A_272 = arith.addf %add3A_248, %mul3A_271 : vector<16xf32>
      %broadcast_in_dim3A_273 = arith.constant 10 : i32
      %broadcast_in_dim3A_274 = vector.broadcast %broadcast_in_dim3A_273 : i32 to vector<16xi32>
      %gather3A_275 = tpu.vector_load_idx %arg9[%add3A_206, %broadcast_in_dim3A_274] : memref<512x32xf32, #tpu.memory_space<vmem>>[vector<16xi32>, vector<16xi32>], vector<16xf32>,
      %gather3A_276 = tpu.vector_load_idx %arg10[%add3A_206, %broadcast_in_dim3A_274] : memref<512x32xf32, #tpu.memory_space<vmem>>[vector<16xi32>, vector<16xi32>], vector<16xf32>,
      %mul3A_277 = arith.mulf %gather3A_275, %gather3A_276 : vector<16xf32>
      %add3A_278 = arith.addf %add3A_254, %mul3A_277 : vector<16xf32>
      %broadcast_in_dim3A_279 = arith.constant 11 : i32
      %broadcast_in_dim3A_280 = vector.broadcast %broadcast_in_dim3A_279 : i32 to vector<16xi32>
      %gather3A_281 = tpu.vector_load_idx %arg9[%add3A_206, %broadcast_in_dim3A_280] : memref<512x32xf32, #tpu.memory_space<vmem>>[vector<16xi32>, vector<16xi32>], vector<16xf32>,
      %gather3A_282 = tpu.vector_load_idx %arg10[%add3A_206, %broadcast_in_dim3A_280] : memref<512x32xf32, #tpu.memory_space<vmem>>[vector<16xi32>, vector<16xi32>], vector<16xf32>,
      %mul3A_283 = arith.mulf %gather3A_281, %gather3A_282 : vector<16xf32>
      %add3A_284 = arith.addf %add3A_260, %mul3A_283 : vector<16xf32>
      %broadcast_in_dim3A_285 = arith.constant 12 : i32
      %broadcast_in_dim3A_286 = vector.broadcast %broadcast_in_dim3A_285 : i32 to vector<16xi32>
      %gather3A_287 = tpu.vector_load_idx %arg9[%add3A_206, %broadcast_in_dim3A_286] : memref<512x32xf32, #tpu.memory_space<vmem>>[vector<16xi32>, vector<16xi32>], vector<16xf32>,
      %gather3A_288 = tpu.vector_load_idx %arg10[%add3A_206, %broadcast_in_dim3A_286] : memref<512x32xf32, #tpu.memory_space<vmem>>[vector<16xi32>, vector<16xi32>], vector<16xf32>,
      %mul3A_289 = arith.mulf %gather3A_287, %gather3A_288 : vector<16xf32>
      %add3A_290 = arith.addf %add3A_266, %mul3A_289 : vector<16xf32>
      %broadcast_in_dim3A_291 = arith.constant 13 : i32
      %broadcast_in_dim3A_292 = vector.broadcast %broadcast_in_dim3A_291 : i32 to vector<16xi32>
      %gather3A_293 = tpu.vector_load_idx %arg9[%add3A_206, %broadcast_in_dim3A_292] : memref<512x32xf32, #tpu.memory_space<vmem>>[vector<16xi32>, vector<16xi32>], vector<16xf32>,
      %gather3A_294 = tpu.vector_load_idx %arg10[%add3A_206, %broadcast_in_dim3A_292] : memref<512x32xf32, #tpu.memory_space<vmem>>[vector<16xi32>, vector<16xi32>], vector<16xf32>,
      %mul3A_295 = arith.mulf %gather3A_293, %gather3A_294 : vector<16xf32>
      %add3A_296 = arith.addf %add3A_272, %mul3A_295 : vector<16xf32>
      %broadcast_in_dim3A_297 = arith.constant 14 : i32
      %broadcast_in_dim3A_298 = vector.broadcast %broadcast_in_dim3A_297 : i32 to vector<16xi32>
      %gather3A_299 = tpu.vector_load_idx %arg9[%add3A_206, %broadcast_in_dim3A_298] : memref<512x32xf32, #tpu.memory_space<vmem>>[vector<16xi32>, vector<16xi32>], vector<16xf32>,
      %gather3A_300 = tpu.vector_load_idx %arg10[%add3A_206, %broadcast_in_dim3A_298] : memref<512x32xf32, #tpu.memory_space<vmem>>[vector<16xi32>, vector<16xi32>], vector<16xf32>,
      %mul3A_301 = arith.mulf %gather3A_299, %gather3A_300 : vector<16xf32>
      %add3A_302 = arith.addf %add3A_278, %mul3A_301 : vector<16xf32>
      %broadcast_in_dim3A_303 = arith.constant 15 : i32
      %broadcast_in_dim3A_304 = vector.broadcast %broadcast_in_dim3A_303 : i32 to vector<16xi32>
      %gather3A_305 = tpu.vector_load_idx %arg9[%add3A_206, %broadcast_in_dim3A_304] : memref<512x32xf32, #tpu.memory_space<vmem>>[vector<16xi32>, vector<16xi32>], vector<16xf32>,
      %gather3A_306 = tpu.vector_load_idx %arg10[%add3A_206, %broadcast_in_dim3A_304] : memref<512x32xf32, #tpu.memory_space<vmem>>[vector<16xi32>, vector<16xi32>], vector<16xf32>,
      %mul3A_307 = arith.mulf %gather3A_305, %gather3A_306 : vector<16xf32>
      %add3A_308 = arith.addf %add3A_284, %mul3A_307 : vector<16xf32>
      %broadcast_in_dim3A_309 = arith.constant 16 : i32
      %broadcast_in_dim3A_310 = vector.broadcast %broadcast_in_dim3A_309 : i32 to vector<16xi32>
      %gather3A_311 = tpu.vector_load_idx %arg9[%add3A_206, %broadcast_in_dim3A_310] : memref<512x32xf32, #tpu.memory_space<vmem>>[vector<16xi32>, vector<16xi32>], vector<16xf32>,
      %gather3A_312 = tpu.vector_load_idx %arg10[%add3A_206, %broadcast_in_dim3A_310] : memref<512x32xf32, #tpu.memory_space<vmem>>[vector<16xi32>, vector<16xi32>], vector<16xf32>,
      %mul3A_313 = arith.mulf %gather3A_311, %gather3A_312 : vector<16xf32>
      %add3A_314 = arith.addf %add3A_290, %mul3A_313 : vector<16xf32>
      %broadcast_in_dim3A_315 = arith.constant 17 : i32
      %broadcast_in_dim3A_316 = vector.broadcast %broadcast_in_dim3A_315 : i32 to vector<16xi32>
      %gather3A_317 = tpu.vector_load_idx %arg9[%add3A_206, %broadcast_in_dim3A_316] : memref<512x32xf32, #tpu.memory_space<vmem>>[vector<16xi32>, vector<16xi32>], vector<16xf32>,
      %gather3A_318 = tpu.vector_load_idx %arg10[%add3A_206, %broadcast_in_dim3A_316] : memref<512x32xf32, #tpu.memory_space<vmem>>[vector<16xi32>, vector<16xi32>], vector<16xf32>,
      %mul3A_319 = arith.mulf %gather3A_317, %gather3A_318 : vector<16xf32>
      %add3A_320 = arith.addf %add3A_296, %mul3A_319 : vector<16xf32>
      %broadcast_in_dim3A_321 = arith.constant 18 : i32
      %broadcast_in_dim3A_322 = vector.broadcast %broadcast_in_dim3A_321 : i32 to vector<16xi32>
      %gather3A_323 = tpu.vector_load_idx %arg9[%add3A_206, %broadcast_in_dim3A_322] : memref<512x32xf32, #tpu.memory_space<vmem>>[vector<16xi32>, vector<16xi32>], vector<16xf32>,
      %gather3A_324 = tpu.vector_load_idx %arg10[%add3A_206, %broadcast_in_dim3A_322] : memref<512x32xf32, #tpu.memory_space<vmem>>[vector<16xi32>, vector<16xi32>], vector<16xf32>,
      %mul3A_325 = arith.mulf %gather3A_323, %gather3A_324 : vector<16xf32>
      %add3A_326 = arith.addf %add3A_302, %mul3A_325 : vector<16xf32>
      %broadcast_in_dim3A_327 = arith.constant 19 : i32
      %broadcast_in_dim3A_328 = vector.broadcast %broadcast_in_dim3A_327 : i32 to vector<16xi32>
      %gather3A_329 = tpu.vector_load_idx %arg9[%add3A_206, %broadcast_in_dim3A_328] : memref<512x32xf32, #tpu.memory_space<vmem>>[vector<16xi32>, vector<16xi32>], vector<16xf32>,
      %gather3A_330 = tpu.vector_load_idx %arg10[%add3A_206, %broadcast_in_dim3A_328] : memref<512x32xf32, #tpu.memory_space<vmem>>[vector<16xi32>, vector<16xi32>], vector<16xf32>,
      %mul3A_331 = arith.mulf %gather3A_329, %gather3A_330 : vector<16xf32>
      %add3A_332 = arith.addf %add3A_308, %mul3A_331 : vector<16xf32>
      %broadcast_in_dim3A_333 = arith.constant 20 : i32
      %broadcast_in_dim3A_334 = vector.broadcast %broadcast_in_dim3A_333 : i32 to vector<16xi32>
      %gather3A_335 = tpu.vector_load_idx %arg9[%add3A_206, %broadcast_in_dim3A_334] : memref<512x32xf32, #tpu.memory_space<vmem>>[vector<16xi32>, vector<16xi32>], vector<16xf32>,
      %gather3A_336 = tpu.vector_load_idx %arg10[%add3A_206, %broadcast_in_dim3A_334] : memref<512x32xf32, #tpu.memory_space<vmem>>[vector<16xi32>, vector<16xi32>], vector<16xf32>,
      %mul3A_337 = arith.mulf %gather3A_335, %gather3A_336 : vector<16xf32>
      %add3A_338 = arith.addf %add3A_314, %mul3A_337 : vector<16xf32>
      %broadcast_in_dim3A_339 = arith.constant 21 : i32
      %broadcast_in_dim3A_340 = vector.broadcast %broadcast_in_dim3A_339 : i32 to vector<16xi32>
      %gather3A_341 = tpu.vector_load_idx %arg9[%add3A_206, %broadcast_in_dim3A_340] : memref<512x32xf32, #tpu.memory_space<vmem>>[vector<16xi32>, vector<16xi32>], vector<16xf32>,
      %gather3A_342 = tpu.vector_load_idx %arg10[%add3A_206, %broadcast_in_dim3A_340] : memref<512x32xf32, #tpu.memory_space<vmem>>[vector<16xi32>, vector<16xi32>], vector<16xf32>,
      %mul3A_343 = arith.mulf %gather3A_341, %gather3A_342 : vector<16xf32>
      %add3A_344 = arith.addf %add3A_320, %mul3A_343 : vector<16xf32>
      %broadcast_in_dim3A_345 = arith.constant 22 : i32
      %broadcast_in_dim3A_346 = vector.broadcast %broadcast_in_dim3A_345 : i32 to vector<16xi32>
      %gather3A_347 = tpu.vector_load_idx %arg9[%add3A_206, %broadcast_in_dim3A_346] : memref<512x32xf32, #tpu.memory_space<vmem>>[vector<16xi32>, vector<16xi32>], vector<16xf32>,
      %gather3A_348 = tpu.vector_load_idx %arg10[%add3A_206, %broadcast_in_dim3A_346] : memref<512x32xf32, #tpu.memory_space<vmem>>[vector<16xi32>, vector<16xi32>], vector<16xf32>,
      %mul3A_349 = arith.mulf %gather3A_347, %gather3A_348 : vector<16xf32>
      %add3A_350 = arith.addf %add3A_326, %mul3A_349 : vector<16xf32>
      %broadcast_in_dim3A_351 = arith.constant 23 : i32
      %broadcast_in_dim3A_352 = vector.broadcast %broadcast_in_dim3A_351 : i32 to vector<16xi32>
      %gather3A_353 = tpu.vector_load_idx %arg9[%add3A_206, %broadcast_in_dim3A_352] : memref<512x32xf32, #tpu.memory_space<vmem>>[vector<16xi32>, vector<16xi32>], vector<16xf32>,
      %gather3A_354 = tpu.vector_load_idx %arg10[%add3A_206, %broadcast_in_dim3A_352] : memref<512x32xf32, #tpu.memory_space<vmem>>[vector<16xi32>, vector<16xi32>], vector<16xf32>,
      %mul3A_355 = arith.mulf %gather3A_353, %gather3A_354 : vector<16xf32>
      %add3A_356 = arith.addf %add3A_332, %mul3A_355 : vector<16xf32>
      %broadcast_in_dim3A_357 = arith.constant 24 : i32
      %broadcast_in_dim3A_358 = vector.broadcast %broadcast_in_dim3A_357 : i32 to vector<16xi32>
      %gather3A_359 = tpu.vector_load_idx %arg9[%add3A_206, %broadcast_in_dim3A_358] : memref<512x32xf32, #tpu.memory_space<vmem>>[vector<16xi32>, vector<16xi32>], vector<16xf32>,
      %gather3A_360 = tpu.vector_load_idx %arg10[%add3A_206, %broadcast_in_dim3A_358] : memref<512x32xf32, #tpu.memory_space<vmem>>[vector<16xi32>, vector<16xi32>], vector<16xf32>,
      %mul3A_361 = arith.mulf %gather3A_359, %gather3A_360 : vector<16xf32>
      %add3A_362 = arith.addf %add3A_338, %mul3A_361 : vector<16xf32>
      %broadcast_in_dim3A_363 = arith.constant 25 : i32
      %broadcast_in_dim3A_364 = vector.broadcast %broadcast_in_dim3A_363 : i32 to vector<16xi32>
      %gather3A_365 = tpu.vector_load_idx %arg9[%add3A_206, %broadcast_in_dim3A_364] : memref<512x32xf32, #tpu.memory_space<vmem>>[vector<16xi32>, vector<16xi32>], vector<16xf32>,
      %gather3A_366 = tpu.vector_load_idx %arg10[%add3A_206, %broadcast_in_dim3A_364] : memref<512x32xf32, #tpu.memory_space<vmem>>[vector<16xi32>, vector<16xi32>], vector<16xf32>,
      %mul3A_367 = arith.mulf %gather3A_365, %gather3A_366 : vector<16xf32>
      %add3A_368 = arith.addf %add3A_344, %mul3A_367 : vector<16xf32>
      %broadcast_in_dim3A_369 = arith.constant 26 : i32
      %broadcast_in_dim3A_370 = vector.broadcast %broadcast_in_dim3A_369 : i32 to vector<16xi32>
      %gather3A_371 = tpu.vector_load_idx %arg9[%add3A_206, %broadcast_in_dim3A_370] : memref<512x32xf32, #tpu.memory_space<vmem>>[vector<16xi32>, vector<16xi32>], vector<16xf32>,
      %gather3A_372 = tpu.vector_load_idx %arg10[%add3A_206, %broadcast_in_dim3A_370] : memref<512x32xf32, #tpu.memory_space<vmem>>[vector<16xi32>, vector<16xi32>], vector<16xf32>,
      %mul3A_373 = arith.mulf %gather3A_371, %gather3A_372 : vector<16xf32>
      %add3A_374 = arith.addf %add3A_350, %mul3A_373 : vector<16xf32>
      %broadcast_in_dim3A_375 = arith.constant 27 : i32
      %broadcast_in_dim3A_376 = vector.broadcast %broadcast_in_dim3A_375 : i32 to vector<16xi32>
      %gather3A_377 = tpu.vector_load_idx %arg9[%add3A_206, %broadcast_in_dim3A_376] : memref<512x32xf32, #tpu.memory_space<vmem>>[vector<16xi32>, vector<16xi32>], vector<16xf32>,
      %gather3A_378 = tpu.vector_load_idx %arg10[%add3A_206, %broadcast_in_dim3A_376] : memref<512x32xf32, #tpu.memory_space<vmem>>[vector<16xi32>, vector<16xi32>], vector<16xf32>,
      %mul3A_379 = arith.mulf %gather3A_377, %gather3A_378 : vector<16xf32>
      %add3A_380 = arith.addf %add3A_356, %mul3A_379 : vector<16xf32>
      %broadcast_in_dim3A_381 = arith.constant 28 : i32
      %broadcast_in_dim3A_382 = vector.broadcast %broadcast_in_dim3A_381 : i32 to vector<16xi32>
      %gather3A_383 = tpu.vector_load_idx %arg9[%add3A_206, %broadcast_in_dim3A_382] : memref<512x32xf32, #tpu.memory_space<vmem>>[vector<16xi32>, vector<16xi32>], vector<16xf32>,
      %gather3A_384 = tpu.vector_load_idx %arg10[%add3A_206, %broadcast_in_dim3A_382] : memref<512x32xf32, #tpu.memory_space<vmem>>[vector<16xi32>, vector<16xi32>], vector<16xf32>,
      %mul3A_385 = arith.mulf %gather3A_383, %gather3A_384 : vector<16xf32>
      %add3A_386 = arith.addf %add3A_362, %mul3A_385 : vector<16xf32>
      %broadcast_in_dim3A_387 = arith.constant 29 : i32
      %broadcast_in_dim3A_388 = vector.broadcast %broadcast_in_dim3A_387 : i32 to vector<16xi32>
      %gather3A_389 = tpu.vector_load_idx %arg9[%add3A_206, %broadcast_in_dim3A_388] : memref<512x32xf32, #tpu.memory_space<vmem>>[vector<16xi32>, vector<16xi32>], vector<16xf32>,
      %gather3A_390 = tpu.vector_load_idx %arg10[%add3A_206, %broadcast_in_dim3A_388] : memref<512x32xf32, #tpu.memory_space<vmem>>[vector<16xi32>, vector<16xi32>], vector<16xf32>,
      %mul3A_391 = arith.mulf %gather3A_389, %gather3A_390 : vector<16xf32>
      %add3A_392 = arith.addf %add3A_368, %mul3A_391 : vector<16xf32>
      %broadcast_in_dim3A_393 = arith.constant 30 : i32
      %broadcast_in_dim3A_394 = vector.broadcast %broadcast_in_dim3A_393 : i32 to vector<16xi32>
      %gather3A_395 = tpu.vector_load_idx %arg9[%add3A_206, %broadcast_in_dim3A_394] : memref<512x32xf32, #tpu.memory_space<vmem>>[vector<16xi32>, vector<16xi32>], vector<16xf32>,
      %gather3A_396 = tpu.vector_load_idx %arg10[%add3A_206, %broadcast_in_dim3A_394] : memref<512x32xf32, #tpu.memory_space<vmem>>[vector<16xi32>, vector<16xi32>], vector<16xf32>,
      %mul3A_397 = arith.mulf %gather3A_395, %gather3A_396 : vector<16xf32>
      %add3A_398 = arith.addf %add3A_374, %mul3A_397 : vector<16xf32>
      %broadcast_in_dim3A_399 = arith.constant 31 : i32
      %broadcast_in_dim3A_400 = vector.broadcast %broadcast_in_dim3A_399 : i32 to vector<16xi32>
      %gather3A_401 = tpu.vector_load_idx %arg9[%add3A_206, %broadcast_in_dim3A_400] : memref<512x32xf32, #tpu.memory_space<vmem>>[vector<16xi32>, vector<16xi32>], vector<16xf32>,
      %gather3A_402 = tpu.vector_load_idx %arg10[%add3A_206, %broadcast_in_dim3A_400] : memref<512x32xf32, #tpu.memory_space<vmem>>[vector<16xi32>, vector<16xi32>], vector<16xf32>,
      %mul3A_403 = arith.mulf %gather3A_401, %gather3A_402 : vector<16xf32>
      %add3A_404 = arith.addf %add3A_380, %mul3A_403 : vector<16xf32>
      %add3A_405 = arith.addf %add3A_386, %add3A_392 : vector<16xf32>
      %add3A_406 = arith.addf %add3A_398, %add3A_404 : vector<16xf32>
      %add3A_407 = arith.addf %add3A_405, %add3A_406 : vector<16xf32>
      %neg3A = arith.constant 0.000000e+00 : f32
      %neg3A_408 = vector.broadcast %neg3A : f32 to vector<16xf32>
      %neg3A_409 = arith.subf %neg3A_408, %add3A_407 : vector<16xf32>
      %exp3A = math.exp %neg3A_409 : vector<16xf32>
      %add3A_410 = arith.constant 1.000000e+00 : f32
      %add3A_411 = vector.broadcast %add3A_410 : f32 to vector<16xf32>
      %add3A_412 = arith.addf %add3A_411, %exp3A : vector<16xf32>
      %div3A = arith.constant 1.000000e+00 : f32
      %div3A_413 = vector.broadcast %div3A : f32 to vector<16xf32>
      %div3A_414 = arith.divf %div3A_413, %add3A_412 : vector<16xf32>
      %mul3A_415 = arith.constant 16 : i32
      %mul3A_416 = arith.muli %scan3A_202, %mul3A_415 : i32
      %swap3A = arith.index_cast %mul3A_416 : i32 to index
      %swap3A_417 = tpu.vector_load %arg11[%swap3A] {strides = array<i32>} : memref<512xf32, #tpu.memory_space<vmem>>, vector<16xf32>,
      tpu.vector_store %arg11[%swap3A], %div3A_414 {strides = array<i32>} : memref<512xf32, #tpu.memory_space<vmem>>, vector<16xf32>,
    }
    %scan3A_147 = arith.constant 8 : i32
    %dma_wait3A_148 = arith.constant 2 : i32
    %dma_wait3A_149 = arith.constant 256 : i32
    %dma_wait3A_150 = arith.constant 0 : i32
    %dma_wait3A_151 = tpu.memref_slice %arg9[%dma_wait3A_149, %dma_wait3A_150] : memref<512x32xf32, #tpu.memory_space<vmem>> -> memref<128x32xf32, #tpu.memory_space<vmem>>
    %dma_wait3A_152 = arith.constant 0 : i32
    %dma_wait3A_153 = tpu.memref_slice %arg7[%dma_wait3A_148, %dma_wait3A_152] : memref<4x128xi32, #tpu.memory_space<vmem>> -> memref<1x128xi32, #tpu.memory_space<vmem>>
    %dma_wait3A_154 = tpu.memref_squeeze %dma_wait3A_153 : memref<1x128xi32, #tpu.memory_space<vmem>> -> memref<128xi32, #tpu.memory_space<vmem>>
    %dma_wait3A_155 = arith.constant 0 : i32
    %dma_wait3A_156 = arith.constant 0 : i32
    %dma_wait3A_157 = tpu.memref_slice %arg4[%dma_wait3A_155, %dma_wait3A_156] : memref<1000000x32xf32, #tpu.memory_space<hbm>> -> memref<1000000x32xf32, #tpu.memory_space<hbm>>
    tpu.wait_indirect_dma semaphore(%arg16 : memref<!tpu.dma_semaphore, #tpu.memory_space<semaphore_mem>>) src(%dma_wait3A_157 : memref<1000000x32xf32, #tpu.memory_space<hbm>>) dst(%dma_wait3A_151 : memref<128x32xf32, #tpu.memory_space<vmem>>)
    %dma_wait3A_158 = arith.constant 2 : i32
    %dma_wait3A_159 = arith.constant 256 : i32
    %dma_wait3A_160 = arith.constant 0 : i32
    %dma_wait3A_161 = tpu.memref_slice %arg10[%dma_wait3A_159, %dma_wait3A_160] : memref<512x32xf32, #tpu.memory_space<vmem>> -> memref<128x32xf32, #tpu.memory_space<vmem>>
    %dma_wait3A_162 = arith.constant 0 : i32
    %dma_wait3A_163 = tpu.memref_slice %arg8[%dma_wait3A_158, %dma_wait3A_162] : memref<4x128xi32, #tpu.memory_space<vmem>> -> memref<1x128xi32, #tpu.memory_space<vmem>>
    %dma_wait3A_164 = tpu.memref_squeeze %dma_wait3A_163 : memref<1x128xi32, #tpu.memory_space<vmem>> -> memref<128xi32, #tpu.memory_space<vmem>>
    %dma_wait3A_165 = arith.constant 0 : i32
    %dma_wait3A_166 = arith.constant 0 : i32
    %dma_wait3A_167 = tpu.memref_slice %arg5[%dma_wait3A_165, %dma_wait3A_166] : memref<1000000x32xf32, #tpu.memory_space<hbm>> -> memref<1000000x32xf32, #tpu.memory_space<hbm>>
    tpu.wait_indirect_dma semaphore(%arg20 : memref<!tpu.dma_semaphore, #tpu.memory_space<semaphore_mem>>) src(%dma_wait3A_167 : memref<1000000x32xf32, #tpu.memory_space<hbm>>) dst(%dma_wait3A_161 : memref<128x32xf32, #tpu.memory_space<vmem>>)
    %scan3A_168 = arith.constant 0 : i32
    %scan3A_169 = arith.constant 16 : i32
    %scan3A_170 = arith.constant 8 : i32
    %scan3A_171 = arith.addi %scan3A_169, %scan3A_170 : i32
    %scan3A_172 = arith.constant 1 : i32
    scf.for %scan3A_202 = %scan3A_169 to %scan3A_171 step %scan3A_172  : i32 {
      %mul3A_203 = arith.constant 16 : i32
      %mul3A_204 = arith.muli %scan3A_202, %mul3A_203 : i32
      %iota3A = tpu.iota {dimensions = array<i32: 0>} : vector<16xi32>
      %add3A_205 = vector.broadcast %mul3A_204 : i32 to vector<16xi32>
      %add3A_206 = arith.addi %add3A_205, %iota3A : vector<16xi32>
      %broadcast_in_dim3A = arith.constant 0.000000e+00 : f32
      %broadcast_in_dim3A_207 = vector.broadcast %broadcast_in_dim3A : f32 to vector<16xf32>
      %broadcast_in_dim3A_208 = arith.constant 0.000000e+00 : f32
      %broadcast_in_dim3A_209 = vector.broadcast %broadcast_in_dim3A_208 : f32 to vector<16xf32>
      %broadcast_in_dim3A_210 = arith.constant 0.000000e+00 : f32
      %broadcast_in_dim3A_211 = vector.broadcast %broadcast_in_dim3A_210 : f32 to vector<16xf32>
      %broadcast_in_dim3A_212 = arith.constant 0.000000e+00 : f32
      %broadcast_in_dim3A_213 = vector.broadcast %broadcast_in_dim3A_212 : f32 to vector<16xf32>
      %broadcast_in_dim3A_214 = arith.constant 0 : i32
      %broadcast_in_dim3A_215 = vector.broadcast %broadcast_in_dim3A_214 : i32 to vector<16xi32>
      %gather3A = tpu.vector_load_idx %arg9[%add3A_206, %broadcast_in_dim3A_215] : memref<512x32xf32, #tpu.memory_space<vmem>>[vector<16xi32>, vector<16xi32>], vector<16xf32>,
      %gather3A_216 = tpu.vector_load_idx %arg10[%add3A_206, %broadcast_in_dim3A_215] : memref<512x32xf32, #tpu.memory_space<vmem>>[vector<16xi32>, vector<16xi32>], vector<16xf32>,
      %mul3A_217 = arith.mulf %gather3A, %gather3A_216 : vector<16xf32>
      %add3A_218 = arith.addf %broadcast_in_dim3A_207, %mul3A_217 : vector<16xf32>
      %broadcast_in_dim3A_219 = arith.constant 1 : i32
      %broadcast_in_dim3A_220 = vector.broadcast %broadcast_in_dim3A_219 : i32 to vector<16xi32>
      %gather3A_221 = tpu.vector_load_idx %arg9[%add3A_206, %broadcast_in_dim3A_220] : memref<512x32xf32, #tpu.memory_space<vmem>>[vector<16xi32>, vector<16xi32>], vector<16xf32>,
      %gather3A_222 = tpu.vector_load_idx %arg10[%add3A_206, %broadcast_in_dim3A_220] : memref<512x32xf32, #tpu.memory_space<vmem>>[vector<16xi32>, vector<16xi32>], vector<16xf32>,
      %mul3A_223 = arith.mulf %gather3A_221, %gather3A_222 : vector<16xf32>
      %add3A_224 = arith.addf %broadcast_in_dim3A_209, %mul3A_223 : vector<16xf32>
      %broadcast_in_dim3A_225 = arith.constant 2 : i32
      %broadcast_in_dim3A_226 = vector.broadcast %broadcast_in_dim3A_225 : i32 to vector<16xi32>
      %gather3A_227 = tpu.vector_load_idx %arg9[%add3A_206, %broadcast_in_dim3A_226] : memref<512x32xf32, #tpu.memory_space<vmem>>[vector<16xi32>, vector<16xi32>], vector<16xf32>,
      %gather3A_228 = tpu.vector_load_idx %arg10[%add3A_206, %broadcast_in_dim3A_226] : memref<512x32xf32, #tpu.memory_space<vmem>>[vector<16xi32>, vector<16xi32>], vector<16xf32>,
      %mul3A_229 = arith.mulf %gather3A_227, %gather3A_228 : vector<16xf32>
      %add3A_230 = arith.addf %broadcast_in_dim3A_211, %mul3A_229 : vector<16xf32>
      %broadcast_in_dim3A_231 = arith.constant 3 : i32
      %broadcast_in_dim3A_232 = vector.broadcast %broadcast_in_dim3A_231 : i32 to vector<16xi32>
      %gather3A_233 = tpu.vector_load_idx %arg9[%add3A_206, %broadcast_in_dim3A_232] : memref<512x32xf32, #tpu.memory_space<vmem>>[vector<16xi32>, vector<16xi32>], vector<16xf32>,
      %gather3A_234 = tpu.vector_load_idx %arg10[%add3A_206, %broadcast_in_dim3A_232] : memref<512x32xf32, #tpu.memory_space<vmem>>[vector<16xi32>, vector<16xi32>], vector<16xf32>,
      %mul3A_235 = arith.mulf %gather3A_233, %gather3A_234 : vector<16xf32>
      %add3A_236 = arith.addf %broadcast_in_dim3A_213, %mul3A_235 : vector<16xf32>
      %broadcast_in_dim3A_237 = arith.constant 4 : i32
      %broadcast_in_dim3A_238 = vector.broadcast %broadcast_in_dim3A_237 : i32 to vector<16xi32>
      %gather3A_239 = tpu.vector_load_idx %arg9[%add3A_206, %broadcast_in_dim3A_238] : memref<512x32xf32, #tpu.memory_space<vmem>>[vector<16xi32>, vector<16xi32>], vector<16xf32>,
      %gather3A_240 = tpu.vector_load_idx %arg10[%add3A_206, %broadcast_in_dim3A_238] : memref<512x32xf32, #tpu.memory_space<vmem>>[vector<16xi32>, vector<16xi32>], vector<16xf32>,
      %mul3A_241 = arith.mulf %gather3A_239, %gather3A_240 : vector<16xf32>
      %add3A_242 = arith.addf %add3A_218, %mul3A_241 : vector<16xf32>
      %broadcast_in_dim3A_243 = arith.constant 5 : i32
      %broadcast_in_dim3A_244 = vector.broadcast %broadcast_in_dim3A_243 : i32 to vector<16xi32>
      %gather3A_245 = tpu.vector_load_idx %arg9[%add3A_206, %broadcast_in_dim3A_244] : memref<512x32xf32, #tpu.memory_space<vmem>>[vector<16xi32>, vector<16xi32>], vector<16xf32>,
      %gather3A_246 = tpu.vector_load_idx %arg10[%add3A_206, %broadcast_in_dim3A_244] : memref<512x32xf32, #tpu.memory_space<vmem>>[vector<16xi32>, vector<16xi32>], vector<16xf32>,
      %mul3A_247 = arith.mulf %gather3A_245, %gather3A_246 : vector<16xf32>
      %add3A_248 = arith.addf %add3A_224, %mul3A_247 : vector<16xf32>
      %broadcast_in_dim3A_249 = arith.constant 6 : i32
      %broadcast_in_dim3A_250 = vector.broadcast %broadcast_in_dim3A_249 : i32 to vector<16xi32>
      %gather3A_251 = tpu.vector_load_idx %arg9[%add3A_206, %broadcast_in_dim3A_250] : memref<512x32xf32, #tpu.memory_space<vmem>>[vector<16xi32>, vector<16xi32>], vector<16xf32>,
      %gather3A_252 = tpu.vector_load_idx %arg10[%add3A_206, %broadcast_in_dim3A_250] : memref<512x32xf32, #tpu.memory_space<vmem>>[vector<16xi32>, vector<16xi32>], vector<16xf32>,
      %mul3A_253 = arith.mulf %gather3A_251, %gather3A_252 : vector<16xf32>
      %add3A_254 = arith.addf %add3A_230, %mul3A_253 : vector<16xf32>
      %broadcast_in_dim3A_255 = arith.constant 7 : i32
      %broadcast_in_dim3A_256 = vector.broadcast %broadcast_in_dim3A_255 : i32 to vector<16xi32>
      %gather3A_257 = tpu.vector_load_idx %arg9[%add3A_206, %broadcast_in_dim3A_256] : memref<512x32xf32, #tpu.memory_space<vmem>>[vector<16xi32>, vector<16xi32>], vector<16xf32>,
      %gather3A_258 = tpu.vector_load_idx %arg10[%add3A_206, %broadcast_in_dim3A_256] : memref<512x32xf32, #tpu.memory_space<vmem>>[vector<16xi32>, vector<16xi32>], vector<16xf32>,
      %mul3A_259 = arith.mulf %gather3A_257, %gather3A_258 : vector<16xf32>
      %add3A_260 = arith.addf %add3A_236, %mul3A_259 : vector<16xf32>
      %broadcast_in_dim3A_261 = arith.constant 8 : i32
      %broadcast_in_dim3A_262 = vector.broadcast %broadcast_in_dim3A_261 : i32 to vector<16xi32>
      %gather3A_263 = tpu.vector_load_idx %arg9[%add3A_206, %broadcast_in_dim3A_262] : memref<512x32xf32, #tpu.memory_space<vmem>>[vector<16xi32>, vector<16xi32>], vector<16xf32>,
      %gather3A_264 = tpu.vector_load_idx %arg10[%add3A_206, %broadcast_in_dim3A_262] : memref<512x32xf32, #tpu.memory_space<vmem>>[vector<16xi32>, vector<16xi32>], vector<16xf32>,
      %mul3A_265 = arith.mulf %gather3A_263, %gather3A_264 : vector<16xf32>
      %add3A_266 = arith.addf %add3A_242, %mul3A_265 : vector<16xf32>
      %broadcast_in_dim3A_267 = arith.constant 9 : i32
      %broadcast_in_dim3A_268 = vector.broadcast %broadcast_in_dim3A_267 : i32 to vector<16xi32>
      %gather3A_269 = tpu.vector_load_idx %arg9[%add3A_206, %broadcast_in_dim3A_268] : memref<512x32xf32, #tpu.memory_space<vmem>>[vector<16xi32>, vector<16xi32>], vector<16xf32>,
      %gather3A_270 = tpu.vector_load_idx %arg10[%add3A_206, %broadcast_in_dim3A_268] : memref<512x32xf32, #tpu.memory_space<vmem>>[vector<16xi32>, vector<16xi32>], vector<16xf32>,
      %mul3A_271 = arith.mulf %gather3A_269, %gather3A_270 : vector<16xf32>
      %add3A_272 = arith.addf %add3A_248, %mul3A_271 : vector<16xf32>
      %broadcast_in_dim3A_273 = arith.constant 10 : i32
      %broadcast_in_dim3A_274 = vector.broadcast %broadcast_in_dim3A_273 : i32 to vector<16xi32>
      %gather3A_275 = tpu.vector_load_idx %arg9[%add3A_206, %broadcast_in_dim3A_274] : memref<512x32xf32, #tpu.memory_space<vmem>>[vector<16xi32>, vector<16xi32>], vector<16xf32>,
      %gather3A_276 = tpu.vector_load_idx %arg10[%add3A_206, %broadcast_in_dim3A_274] : memref<512x32xf32, #tpu.memory_space<vmem>>[vector<16xi32>, vector<16xi32>], vector<16xf32>,
      %mul3A_277 = arith.mulf %gather3A_275, %gather3A_276 : vector<16xf32>
      %add3A_278 = arith.addf %add3A_254, %mul3A_277 : vector<16xf32>
      %broadcast_in_dim3A_279 = arith.constant 11 : i32
      %broadcast_in_dim3A_280 = vector.broadcast %broadcast_in_dim3A_279 : i32 to vector<16xi32>
      %gather3A_281 = tpu.vector_load_idx %arg9[%add3A_206, %broadcast_in_dim3A_280] : memref<512x32xf32, #tpu.memory_space<vmem>>[vector<16xi32>, vector<16xi32>], vector<16xf32>,
      %gather3A_282 = tpu.vector_load_idx %arg10[%add3A_206, %broadcast_in_dim3A_280] : memref<512x32xf32, #tpu.memory_space<vmem>>[vector<16xi32>, vector<16xi32>], vector<16xf32>,
      %mul3A_283 = arith.mulf %gather3A_281, %gather3A_282 : vector<16xf32>
      %add3A_284 = arith.addf %add3A_260, %mul3A_283 : vector<16xf32>
      %broadcast_in_dim3A_285 = arith.constant 12 : i32
      %broadcast_in_dim3A_286 = vector.broadcast %broadcast_in_dim3A_285 : i32 to vector<16xi32>
      %gather3A_287 = tpu.vector_load_idx %arg9[%add3A_206, %broadcast_in_dim3A_286] : memref<512x32xf32, #tpu.memory_space<vmem>>[vector<16xi32>, vector<16xi32>], vector<16xf32>,
      %gather3A_288 = tpu.vector_load_idx %arg10[%add3A_206, %broadcast_in_dim3A_286] : memref<512x32xf32, #tpu.memory_space<vmem>>[vector<16xi32>, vector<16xi32>], vector<16xf32>,
      %mul3A_289 = arith.mulf %gather3A_287, %gather3A_288 : vector<16xf32>
      %add3A_290 = arith.addf %add3A_266, %mul3A_289 : vector<16xf32>
      %broadcast_in_dim3A_291 = arith.constant 13 : i32
      %broadcast_in_dim3A_292 = vector.broadcast %broadcast_in_dim3A_291 : i32 to vector<16xi32>
      %gather3A_293 = tpu.vector_load_idx %arg9[%add3A_206, %broadcast_in_dim3A_292] : memref<512x32xf32, #tpu.memory_space<vmem>>[vector<16xi32>, vector<16xi32>], vector<16xf32>,
      %gather3A_294 = tpu.vector_load_idx %arg10[%add3A_206, %broadcast_in_dim3A_292] : memref<512x32xf32, #tpu.memory_space<vmem>>[vector<16xi32>, vector<16xi32>], vector<16xf32>,
      %mul3A_295 = arith.mulf %gather3A_293, %gather3A_294 : vector<16xf32>
      %add3A_296 = arith.addf %add3A_272, %mul3A_295 : vector<16xf32>
      %broadcast_in_dim3A_297 = arith.constant 14 : i32
      %broadcast_in_dim3A_298 = vector.broadcast %broadcast_in_dim3A_297 : i32 to vector<16xi32>
      %gather3A_299 = tpu.vector_load_idx %arg9[%add3A_206, %broadcast_in_dim3A_298] : memref<512x32xf32, #tpu.memory_space<vmem>>[vector<16xi32>, vector<16xi32>], vector<16xf32>,
      %gather3A_300 = tpu.vector_load_idx %arg10[%add3A_206, %broadcast_in_dim3A_298] : memref<512x32xf32, #tpu.memory_space<vmem>>[vector<16xi32>, vector<16xi32>], vector<16xf32>,
      %mul3A_301 = arith.mulf %gather3A_299, %gather3A_300 : vector<16xf32>
      %add3A_302 = arith.addf %add3A_278, %mul3A_301 : vector<16xf32>
      %broadcast_in_dim3A_303 = arith.constant 15 : i32
      %broadcast_in_dim3A_304 = vector.broadcast %broadcast_in_dim3A_303 : i32 to vector<16xi32>
      %gather3A_305 = tpu.vector_load_idx %arg9[%add3A_206, %broadcast_in_dim3A_304] : memref<512x32xf32, #tpu.memory_space<vmem>>[vector<16xi32>, vector<16xi32>], vector<16xf32>,
      %gather3A_306 = tpu.vector_load_idx %arg10[%add3A_206, %broadcast_in_dim3A_304] : memref<512x32xf32, #tpu.memory_space<vmem>>[vector<16xi32>, vector<16xi32>], vector<16xf32>,
      %mul3A_307 = arith.mulf %gather3A_305, %gather3A_306 : vector<16xf32>
      %add3A_308 = arith.addf %add3A_284, %mul3A_307 : vector<16xf32>
      %broadcast_in_dim3A_309 = arith.constant 16 : i32
      %broadcast_in_dim3A_310 = vector.broadcast %broadcast_in_dim3A_309 : i32 to vector<16xi32>
      %gather3A_311 = tpu.vector_load_idx %arg9[%add3A_206, %broadcast_in_dim3A_310] : memref<512x32xf32, #tpu.memory_space<vmem>>[vector<16xi32>, vector<16xi32>], vector<16xf32>,
      %gather3A_312 = tpu.vector_load_idx %arg10[%add3A_206, %broadcast_in_dim3A_310] : memref<512x32xf32, #tpu.memory_space<vmem>>[vector<16xi32>, vector<16xi32>], vector<16xf32>,
      %mul3A_313 = arith.mulf %gather3A_311, %gather3A_312 : vector<16xf32>
      %add3A_314 = arith.addf %add3A_290, %mul3A_313 : vector<16xf32>
      %broadcast_in_dim3A_315 = arith.constant 17 : i32
      %broadcast_in_dim3A_316 = vector.broadcast %broadcast_in_dim3A_315 : i32 to vector<16xi32>
      %gather3A_317 = tpu.vector_load_idx %arg9[%add3A_206, %broadcast_in_dim3A_316] : memref<512x32xf32, #tpu.memory_space<vmem>>[vector<16xi32>, vector<16xi32>], vector<16xf32>,
      %gather3A_318 = tpu.vector_load_idx %arg10[%add3A_206, %broadcast_in_dim3A_316] : memref<512x32xf32, #tpu.memory_space<vmem>>[vector<16xi32>, vector<16xi32>], vector<16xf32>,
      %mul3A_319 = arith.mulf %gather3A_317, %gather3A_318 : vector<16xf32>
      %add3A_320 = arith.addf %add3A_296, %mul3A_319 : vector<16xf32>
      %broadcast_in_dim3A_321 = arith.constant 18 : i32
      %broadcast_in_dim3A_322 = vector.broadcast %broadcast_in_dim3A_321 : i32 to vector<16xi32>
      %gather3A_323 = tpu.vector_load_idx %arg9[%add3A_206, %broadcast_in_dim3A_322] : memref<512x32xf32, #tpu.memory_space<vmem>>[vector<16xi32>, vector<16xi32>], vector<16xf32>,
      %gather3A_324 = tpu.vector_load_idx %arg10[%add3A_206, %broadcast_in_dim3A_322] : memref<512x32xf32, #tpu.memory_space<vmem>>[vector<16xi32>, vector<16xi32>], vector<16xf32>,
      %mul3A_325 = arith.mulf %gather3A_323, %gather3A_324 : vector<16xf32>
      %add3A_326 = arith.addf %add3A_302, %mul3A_325 : vector<16xf32>
      %broadcast_in_dim3A_327 = arith.constant 19 : i32
      %broadcast_in_dim3A_328 = vector.broadcast %broadcast_in_dim3A_327 : i32 to vector<16xi32>
      %gather3A_329 = tpu.vector_load_idx %arg9[%add3A_206, %broadcast_in_dim3A_328] : memref<512x32xf32, #tpu.memory_space<vmem>>[vector<16xi32>, vector<16xi32>], vector<16xf32>,
      %gather3A_330 = tpu.vector_load_idx %arg10[%add3A_206, %broadcast_in_dim3A_328] : memref<512x32xf32, #tpu.memory_space<vmem>>[vector<16xi32>, vector<16xi32>], vector<16xf32>,
      %mul3A_331 = arith.mulf %gather3A_329, %gather3A_330 : vector<16xf32>
      %add3A_332 = arith.addf %add3A_308, %mul3A_331 : vector<16xf32>
      %broadcast_in_dim3A_333 = arith.constant 20 : i32
      %broadcast_in_dim3A_334 = vector.broadcast %broadcast_in_dim3A_333 : i32 to vector<16xi32>
      %gather3A_335 = tpu.vector_load_idx %arg9[%add3A_206, %broadcast_in_dim3A_334] : memref<512x32xf32, #tpu.memory_space<vmem>>[vector<16xi32>, vector<16xi32>], vector<16xf32>,
      %gather3A_336 = tpu.vector_load_idx %arg10[%add3A_206, %broadcast_in_dim3A_334] : memref<512x32xf32, #tpu.memory_space<vmem>>[vector<16xi32>, vector<16xi32>], vector<16xf32>,
      %mul3A_337 = arith.mulf %gather3A_335, %gather3A_336 : vector<16xf32>
      %add3A_338 = arith.addf %add3A_314, %mul3A_337 : vector<16xf32>
      %broadcast_in_dim3A_339 = arith.constant 21 : i32
      %broadcast_in_dim3A_340 = vector.broadcast %broadcast_in_dim3A_339 : i32 to vector<16xi32>
      %gather3A_341 = tpu.vector_load_idx %arg9[%add3A_206, %broadcast_in_dim3A_340] : memref<512x32xf32, #tpu.memory_space<vmem>>[vector<16xi32>, vector<16xi32>], vector<16xf32>,
      %gather3A_342 = tpu.vector_load_idx %arg10[%add3A_206, %broadcast_in_dim3A_340] : memref<512x32xf32, #tpu.memory_space<vmem>>[vector<16xi32>, vector<16xi32>], vector<16xf32>,
      %mul3A_343 = arith.mulf %gather3A_341, %gather3A_342 : vector<16xf32>
      %add3A_344 = arith.addf %add3A_320, %mul3A_343 : vector<16xf32>
      %broadcast_in_dim3A_345 = arith.constant 22 : i32
      %broadcast_in_dim3A_346 = vector.broadcast %broadcast_in_dim3A_345 : i32 to vector<16xi32>
      %gather3A_347 = tpu.vector_load_idx %arg9[%add3A_206, %broadcast_in_dim3A_346] : memref<512x32xf32, #tpu.memory_space<vmem>>[vector<16xi32>, vector<16xi32>], vector<16xf32>,
      %gather3A_348 = tpu.vector_load_idx %arg10[%add3A_206, %broadcast_in_dim3A_346] : memref<512x32xf32, #tpu.memory_space<vmem>>[vector<16xi32>, vector<16xi32>], vector<16xf32>,
      %mul3A_349 = arith.mulf %gather3A_347, %gather3A_348 : vector<16xf32>
      %add3A_350 = arith.addf %add3A_326, %mul3A_349 : vector<16xf32>
      %broadcast_in_dim3A_351 = arith.constant 23 : i32
      %broadcast_in_dim3A_352 = vector.broadcast %broadcast_in_dim3A_351 : i32 to vector<16xi32>
      %gather3A_353 = tpu.vector_load_idx %arg9[%add3A_206, %broadcast_in_dim3A_352] : memref<512x32xf32, #tpu.memory_space<vmem>>[vector<16xi32>, vector<16xi32>], vector<16xf32>,
      %gather3A_354 = tpu.vector_load_idx %arg10[%add3A_206, %broadcast_in_dim3A_352] : memref<512x32xf32, #tpu.memory_space<vmem>>[vector<16xi32>, vector<16xi32>], vector<16xf32>,
      %mul3A_355 = arith.mulf %gather3A_353, %gather3A_354 : vector<16xf32>
      %add3A_356 = arith.addf %add3A_332, %mul3A_355 : vector<16xf32>
      %broadcast_in_dim3A_357 = arith.constant 24 : i32
      %broadcast_in_dim3A_358 = vector.broadcast %broadcast_in_dim3A_357 : i32 to vector<16xi32>
      %gather3A_359 = tpu.vector_load_idx %arg9[%add3A_206, %broadcast_in_dim3A_358] : memref<512x32xf32, #tpu.memory_space<vmem>>[vector<16xi32>, vector<16xi32>], vector<16xf32>,
      %gather3A_360 = tpu.vector_load_idx %arg10[%add3A_206, %broadcast_in_dim3A_358] : memref<512x32xf32, #tpu.memory_space<vmem>>[vector<16xi32>, vector<16xi32>], vector<16xf32>,
      %mul3A_361 = arith.mulf %gather3A_359, %gather3A_360 : vector<16xf32>
      %add3A_362 = arith.addf %add3A_338, %mul3A_361 : vector<16xf32>
      %broadcast_in_dim3A_363 = arith.constant 25 : i32
      %broadcast_in_dim3A_364 = vector.broadcast %broadcast_in_dim3A_363 : i32 to vector<16xi32>
      %gather3A_365 = tpu.vector_load_idx %arg9[%add3A_206, %broadcast_in_dim3A_364] : memref<512x32xf32, #tpu.memory_space<vmem>>[vector<16xi32>, vector<16xi32>], vector<16xf32>,
      %gather3A_366 = tpu.vector_load_idx %arg10[%add3A_206, %broadcast_in_dim3A_364] : memref<512x32xf32, #tpu.memory_space<vmem>>[vector<16xi32>, vector<16xi32>], vector<16xf32>,
      %mul3A_367 = arith.mulf %gather3A_365, %gather3A_366 : vector<16xf32>
      %add3A_368 = arith.addf %add3A_344, %mul3A_367 : vector<16xf32>
      %broadcast_in_dim3A_369 = arith.constant 26 : i32
      %broadcast_in_dim3A_370 = vector.broadcast %broadcast_in_dim3A_369 : i32 to vector<16xi32>
      %gather3A_371 = tpu.vector_load_idx %arg9[%add3A_206, %broadcast_in_dim3A_370] : memref<512x32xf32, #tpu.memory_space<vmem>>[vector<16xi32>, vector<16xi32>], vector<16xf32>,
      %gather3A_372 = tpu.vector_load_idx %arg10[%add3A_206, %broadcast_in_dim3A_370] : memref<512x32xf32, #tpu.memory_space<vmem>>[vector<16xi32>, vector<16xi32>], vector<16xf32>,
      %mul3A_373 = arith.mulf %gather3A_371, %gather3A_372 : vector<16xf32>
      %add3A_374 = arith.addf %add3A_350, %mul3A_373 : vector<16xf32>
      %broadcast_in_dim3A_375 = arith.constant 27 : i32
      %broadcast_in_dim3A_376 = vector.broadcast %broadcast_in_dim3A_375 : i32 to vector<16xi32>
      %gather3A_377 = tpu.vector_load_idx %arg9[%add3A_206, %broadcast_in_dim3A_376] : memref<512x32xf32, #tpu.memory_space<vmem>>[vector<16xi32>, vector<16xi32>], vector<16xf32>,
      %gather3A_378 = tpu.vector_load_idx %arg10[%add3A_206, %broadcast_in_dim3A_376] : memref<512x32xf32, #tpu.memory_space<vmem>>[vector<16xi32>, vector<16xi32>], vector<16xf32>,
      %mul3A_379 = arith.mulf %gather3A_377, %gather3A_378 : vector<16xf32>
      %add3A_380 = arith.addf %add3A_356, %mul3A_379 : vector<16xf32>
      %broadcast_in_dim3A_381 = arith.constant 28 : i32
      %broadcast_in_dim3A_382 = vector.broadcast %broadcast_in_dim3A_381 : i32 to vector<16xi32>
      %gather3A_383 = tpu.vector_load_idx %arg9[%add3A_206, %broadcast_in_dim3A_382] : memref<512x32xf32, #tpu.memory_space<vmem>>[vector<16xi32>, vector<16xi32>], vector<16xf32>,
      %gather3A_384 = tpu.vector_load_idx %arg10[%add3A_206, %broadcast_in_dim3A_382] : memref<512x32xf32, #tpu.memory_space<vmem>>[vector<16xi32>, vector<16xi32>], vector<16xf32>,
      %mul3A_385 = arith.mulf %gather3A_383, %gather3A_384 : vector<16xf32>
      %add3A_386 = arith.addf %add3A_362, %mul3A_385 : vector<16xf32>
      %broadcast_in_dim3A_387 = arith.constant 29 : i32
      %broadcast_in_dim3A_388 = vector.broadcast %broadcast_in_dim3A_387 : i32 to vector<16xi32>
      %gather3A_389 = tpu.vector_load_idx %arg9[%add3A_206, %broadcast_in_dim3A_388] : memref<512x32xf32, #tpu.memory_space<vmem>>[vector<16xi32>, vector<16xi32>], vector<16xf32>,
      %gather3A_390 = tpu.vector_load_idx %arg10[%add3A_206, %broadcast_in_dim3A_388] : memref<512x32xf32, #tpu.memory_space<vmem>>[vector<16xi32>, vector<16xi32>], vector<16xf32>,
      %mul3A_391 = arith.mulf %gather3A_389, %gather3A_390 : vector<16xf32>
      %add3A_392 = arith.addf %add3A_368, %mul3A_391 : vector<16xf32>
      %broadcast_in_dim3A_393 = arith.constant 30 : i32
      %broadcast_in_dim3A_394 = vector.broadcast %broadcast_in_dim3A_393 : i32 to vector<16xi32>
      %gather3A_395 = tpu.vector_load_idx %arg9[%add3A_206, %broadcast_in_dim3A_394] : memref<512x32xf32, #tpu.memory_space<vmem>>[vector<16xi32>, vector<16xi32>], vector<16xf32>,
      %gather3A_396 = tpu.vector_load_idx %arg10[%add3A_206, %broadcast_in_dim3A_394] : memref<512x32xf32, #tpu.memory_space<vmem>>[vector<16xi32>, vector<16xi32>], vector<16xf32>,
      %mul3A_397 = arith.mulf %gather3A_395, %gather3A_396 : vector<16xf32>
      %add3A_398 = arith.addf %add3A_374, %mul3A_397 : vector<16xf32>
      %broadcast_in_dim3A_399 = arith.constant 31 : i32
      %broadcast_in_dim3A_400 = vector.broadcast %broadcast_in_dim3A_399 : i32 to vector<16xi32>
      %gather3A_401 = tpu.vector_load_idx %arg9[%add3A_206, %broadcast_in_dim3A_400] : memref<512x32xf32, #tpu.memory_space<vmem>>[vector<16xi32>, vector<16xi32>], vector<16xf32>,
      %gather3A_402 = tpu.vector_load_idx %arg10[%add3A_206, %broadcast_in_dim3A_400] : memref<512x32xf32, #tpu.memory_space<vmem>>[vector<16xi32>, vector<16xi32>], vector<16xf32>,
      %mul3A_403 = arith.mulf %gather3A_401, %gather3A_402 : vector<16xf32>
      %add3A_404 = arith.addf %add3A_380, %mul3A_403 : vector<16xf32>
      %add3A_405 = arith.addf %add3A_386, %add3A_392 : vector<16xf32>
      %add3A_406 = arith.addf %add3A_398, %add3A_404 : vector<16xf32>
      %add3A_407 = arith.addf %add3A_405, %add3A_406 : vector<16xf32>
      %neg3A = arith.constant 0.000000e+00 : f32
      %neg3A_408 = vector.broadcast %neg3A : f32 to vector<16xf32>
      %neg3A_409 = arith.subf %neg3A_408, %add3A_407 : vector<16xf32>
      %exp3A = math.exp %neg3A_409 : vector<16xf32>
      %add3A_410 = arith.constant 1.000000e+00 : f32
      %add3A_411 = vector.broadcast %add3A_410 : f32 to vector<16xf32>
      %add3A_412 = arith.addf %add3A_411, %exp3A : vector<16xf32>
      %div3A = arith.constant 1.000000e+00 : f32
      %div3A_413 = vector.broadcast %div3A : f32 to vector<16xf32>
      %div3A_414 = arith.divf %div3A_413, %add3A_412 : vector<16xf32>
      %mul3A_415 = arith.constant 16 : i32
      %mul3A_416 = arith.muli %scan3A_202, %mul3A_415 : i32
      %swap3A = arith.index_cast %mul3A_416 : i32 to index
      %swap3A_417 = tpu.vector_load %arg11[%swap3A] {strides = array<i32>} : memref<512xf32, #tpu.memory_space<vmem>>, vector<16xf32>,
      tpu.vector_store %arg11[%swap3A], %div3A_414 {strides = array<i32>} : memref<512xf32, #tpu.memory_space<vmem>>, vector<16xf32>,
    }
    %scan3A_173 = arith.constant 8 : i32
    %dma_wait3A_174 = arith.constant 3 : i32
    %dma_wait3A_175 = arith.constant 384 : i32
    %dma_wait3A_176 = arith.constant 0 : i32
    %dma_wait3A_177 = tpu.memref_slice %arg9[%dma_wait3A_175, %dma_wait3A_176] : memref<512x32xf32, #tpu.memory_space<vmem>> -> memref<128x32xf32, #tpu.memory_space<vmem>>
    %dma_wait3A_178 = arith.constant 0 : i32
    %dma_wait3A_179 = tpu.memref_slice %arg7[%dma_wait3A_174, %dma_wait3A_178] : memref<4x128xi32, #tpu.memory_space<vmem>> -> memref<1x128xi32, #tpu.memory_space<vmem>>
    %dma_wait3A_180 = tpu.memref_squeeze %dma_wait3A_179 : memref<1x128xi32, #tpu.memory_space<vmem>> -> memref<128xi32, #tpu.memory_space<vmem>>
    %dma_wait3A_181 = arith.constant 0 : i32
    %dma_wait3A_182 = arith.constant 0 : i32
    %dma_wait3A_183 = tpu.memref_slice %arg4[%dma_wait3A_181, %dma_wait3A_182] : memref<1000000x32xf32, #tpu.memory_space<hbm>> -> memref<1000000x32xf32, #tpu.memory_space<hbm>>
    tpu.wait_indirect_dma semaphore(%arg17 : memref<!tpu.dma_semaphore, #tpu.memory_space<semaphore_mem>>) src(%dma_wait3A_183 : memref<1000000x32xf32, #tpu.memory_space<hbm>>) dst(%dma_wait3A_177 : memref<128x32xf32, #tpu.memory_space<vmem>>)
    %dma_wait3A_184 = arith.constant 3 : i32
    %dma_wait3A_185 = arith.constant 384 : i32
    %dma_wait3A_186 = arith.constant 0 : i32
    %dma_wait3A_187 = tpu.memref_slice %arg10[%dma_wait3A_185, %dma_wait3A_186] : memref<512x32xf32, #tpu.memory_space<vmem>> -> memref<128x32xf32, #tpu.memory_space<vmem>>
    %dma_wait3A_188 = arith.constant 0 : i32
    %dma_wait3A_189 = tpu.memref_slice %arg8[%dma_wait3A_184, %dma_wait3A_188] : memref<4x128xi32, #tpu.memory_space<vmem>> -> memref<1x128xi32, #tpu.memory_space<vmem>>
    %dma_wait3A_190 = tpu.memref_squeeze %dma_wait3A_189 : memref<1x128xi32, #tpu.memory_space<vmem>> -> memref<128xi32, #tpu.memory_space<vmem>>
    %dma_wait3A_191 = arith.constant 0 : i32
    %dma_wait3A_192 = arith.constant 0 : i32
    %dma_wait3A_193 = tpu.memref_slice %arg5[%dma_wait3A_191, %dma_wait3A_192] : memref<1000000x32xf32, #tpu.memory_space<hbm>> -> memref<1000000x32xf32, #tpu.memory_space<hbm>>
    tpu.wait_indirect_dma semaphore(%arg21 : memref<!tpu.dma_semaphore, #tpu.memory_space<semaphore_mem>>) src(%dma_wait3A_193 : memref<1000000x32xf32, #tpu.memory_space<hbm>>) dst(%dma_wait3A_187 : memref<128x32xf32, #tpu.memory_space<vmem>>)
    %scan3A_194 = arith.constant 0 : i32
    %scan3A_195 = arith.constant 24 : i32
    %scan3A_196 = arith.constant 8 : i32
    %scan3A_197 = arith.addi %scan3A_195, %scan3A_196 : i32
    %scan3A_198 = arith.constant 1 : i32
    scf.for %scan3A_202 = %scan3A_195 to %scan3A_197 step %scan3A_198  : i32 {
      %mul3A_203 = arith.constant 16 : i32
      %mul3A_204 = arith.muli %scan3A_202, %mul3A_203 : i32
      %iota3A = tpu.iota {dimensions = array<i32: 0>} : vector<16xi32>
      %add3A_205 = vector.broadcast %mul3A_204 : i32 to vector<16xi32>
      %add3A_206 = arith.addi %add3A_205, %iota3A : vector<16xi32>
      %broadcast_in_dim3A = arith.constant 0.000000e+00 : f32
      %broadcast_in_dim3A_207 = vector.broadcast %broadcast_in_dim3A : f32 to vector<16xf32>
      %broadcast_in_dim3A_208 = arith.constant 0.000000e+00 : f32
      %broadcast_in_dim3A_209 = vector.broadcast %broadcast_in_dim3A_208 : f32 to vector<16xf32>
      %broadcast_in_dim3A_210 = arith.constant 0.000000e+00 : f32
      %broadcast_in_dim3A_211 = vector.broadcast %broadcast_in_dim3A_210 : f32 to vector<16xf32>
      %broadcast_in_dim3A_212 = arith.constant 0.000000e+00 : f32
      %broadcast_in_dim3A_213 = vector.broadcast %broadcast_in_dim3A_212 : f32 to vector<16xf32>
      %broadcast_in_dim3A_214 = arith.constant 0 : i32
      %broadcast_in_dim3A_215 = vector.broadcast %broadcast_in_dim3A_214 : i32 to vector<16xi32>
      %gather3A = tpu.vector_load_idx %arg9[%add3A_206, %broadcast_in_dim3A_215] : memref<512x32xf32, #tpu.memory_space<vmem>>[vector<16xi32>, vector<16xi32>], vector<16xf32>,
      %gather3A_216 = tpu.vector_load_idx %arg10[%add3A_206, %broadcast_in_dim3A_215] : memref<512x32xf32, #tpu.memory_space<vmem>>[vector<16xi32>, vector<16xi32>], vector<16xf32>,
      %mul3A_217 = arith.mulf %gather3A, %gather3A_216 : vector<16xf32>
      %add3A_218 = arith.addf %broadcast_in_dim3A_207, %mul3A_217 : vector<16xf32>
      %broadcast_in_dim3A_219 = arith.constant 1 : i32
      %broadcast_in_dim3A_220 = vector.broadcast %broadcast_in_dim3A_219 : i32 to vector<16xi32>
      %gather3A_221 = tpu.vector_load_idx %arg9[%add3A_206, %broadcast_in_dim3A_220] : memref<512x32xf32, #tpu.memory_space<vmem>>[vector<16xi32>, vector<16xi32>], vector<16xf32>,
      %gather3A_222 = tpu.vector_load_idx %arg10[%add3A_206, %broadcast_in_dim3A_220] : memref<512x32xf32, #tpu.memory_space<vmem>>[vector<16xi32>, vector<16xi32>], vector<16xf32>,
      %mul3A_223 = arith.mulf %gather3A_221, %gather3A_222 : vector<16xf32>
      %add3A_224 = arith.addf %broadcast_in_dim3A_209, %mul3A_223 : vector<16xf32>
      %broadcast_in_dim3A_225 = arith.constant 2 : i32
      %broadcast_in_dim3A_226 = vector.broadcast %broadcast_in_dim3A_225 : i32 to vector<16xi32>
      %gather3A_227 = tpu.vector_load_idx %arg9[%add3A_206, %broadcast_in_dim3A_226] : memref<512x32xf32, #tpu.memory_space<vmem>>[vector<16xi32>, vector<16xi32>], vector<16xf32>,
      %gather3A_228 = tpu.vector_load_idx %arg10[%add3A_206, %broadcast_in_dim3A_226] : memref<512x32xf32, #tpu.memory_space<vmem>>[vector<16xi32>, vector<16xi32>], vector<16xf32>,
      %mul3A_229 = arith.mulf %gather3A_227, %gather3A_228 : vector<16xf32>
      %add3A_230 = arith.addf %broadcast_in_dim3A_211, %mul3A_229 : vector<16xf32>
      %broadcast_in_dim3A_231 = arith.constant 3 : i32
      %broadcast_in_dim3A_232 = vector.broadcast %broadcast_in_dim3A_231 : i32 to vector<16xi32>
      %gather3A_233 = tpu.vector_load_idx %arg9[%add3A_206, %broadcast_in_dim3A_232] : memref<512x32xf32, #tpu.memory_space<vmem>>[vector<16xi32>, vector<16xi32>], vector<16xf32>,
      %gather3A_234 = tpu.vector_load_idx %arg10[%add3A_206, %broadcast_in_dim3A_232] : memref<512x32xf32, #tpu.memory_space<vmem>>[vector<16xi32>, vector<16xi32>], vector<16xf32>,
      %mul3A_235 = arith.mulf %gather3A_233, %gather3A_234 : vector<16xf32>
      %add3A_236 = arith.addf %broadcast_in_dim3A_213, %mul3A_235 : vector<16xf32>
      %broadcast_in_dim3A_237 = arith.constant 4 : i32
      %broadcast_in_dim3A_238 = vector.broadcast %broadcast_in_dim3A_237 : i32 to vector<16xi32>
      %gather3A_239 = tpu.vector_load_idx %arg9[%add3A_206, %broadcast_in_dim3A_238] : memref<512x32xf32, #tpu.memory_space<vmem>>[vector<16xi32>, vector<16xi32>], vector<16xf32>,
      %gather3A_240 = tpu.vector_load_idx %arg10[%add3A_206, %broadcast_in_dim3A_238] : memref<512x32xf32, #tpu.memory_space<vmem>>[vector<16xi32>, vector<16xi32>], vector<16xf32>,
      %mul3A_241 = arith.mulf %gather3A_239, %gather3A_240 : vector<16xf32>
      %add3A_242 = arith.addf %add3A_218, %mul3A_241 : vector<16xf32>
      %broadcast_in_dim3A_243 = arith.constant 5 : i32
      %broadcast_in_dim3A_244 = vector.broadcast %broadcast_in_dim3A_243 : i32 to vector<16xi32>
      %gather3A_245 = tpu.vector_load_idx %arg9[%add3A_206, %broadcast_in_dim3A_244] : memref<512x32xf32, #tpu.memory_space<vmem>>[vector<16xi32>, vector<16xi32>], vector<16xf32>,
      %gather3A_246 = tpu.vector_load_idx %arg10[%add3A_206, %broadcast_in_dim3A_244] : memref<512x32xf32, #tpu.memory_space<vmem>>[vector<16xi32>, vector<16xi32>], vector<16xf32>,
      %mul3A_247 = arith.mulf %gather3A_245, %gather3A_246 : vector<16xf32>
      %add3A_248 = arith.addf %add3A_224, %mul3A_247 : vector<16xf32>
      %broadcast_in_dim3A_249 = arith.constant 6 : i32
      %broadcast_in_dim3A_250 = vector.broadcast %broadcast_in_dim3A_249 : i32 to vector<16xi32>
      %gather3A_251 = tpu.vector_load_idx %arg9[%add3A_206, %broadcast_in_dim3A_250] : memref<512x32xf32, #tpu.memory_space<vmem>>[vector<16xi32>, vector<16xi32>], vector<16xf32>,
      %gather3A_252 = tpu.vector_load_idx %arg10[%add3A_206, %broadcast_in_dim3A_250] : memref<512x32xf32, #tpu.memory_space<vmem>>[vector<16xi32>, vector<16xi32>], vector<16xf32>,
      %mul3A_253 = arith.mulf %gather3A_251, %gather3A_252 : vector<16xf32>
      %add3A_254 = arith.addf %add3A_230, %mul3A_253 : vector<16xf32>
      %broadcast_in_dim3A_255 = arith.constant 7 : i32
      %broadcast_in_dim3A_256 = vector.broadcast %broadcast_in_dim3A_255 : i32 to vector<16xi32>
      %gather3A_257 = tpu.vector_load_idx %arg9[%add3A_206, %broadcast_in_dim3A_256] : memref<512x32xf32, #tpu.memory_space<vmem>>[vector<16xi32>, vector<16xi32>], vector<16xf32>,
      %gather3A_258 = tpu.vector_load_idx %arg10[%add3A_206, %broadcast_in_dim3A_256] : memref<512x32xf32, #tpu.memory_space<vmem>>[vector<16xi32>, vector<16xi32>], vector<16xf32>,
      %mul3A_259 = arith.mulf %gather3A_257, %gather3A_258 : vector<16xf32>
      %add3A_260 = arith.addf %add3A_236, %mul3A_259 : vector<16xf32>
      %broadcast_in_dim3A_261 = arith.constant 8 : i32
      %broadcast_in_dim3A_262 = vector.broadcast %broadcast_in_dim3A_261 : i32 to vector<16xi32>
      %gather3A_263 = tpu.vector_load_idx %arg9[%add3A_206, %broadcast_in_dim3A_262] : memref<512x32xf32, #tpu.memory_space<vmem>>[vector<16xi32>, vector<16xi32>], vector<16xf32>,
      %gather3A_264 = tpu.vector_load_idx %arg10[%add3A_206, %broadcast_in_dim3A_262] : memref<512x32xf32, #tpu.memory_space<vmem>>[vector<16xi32>, vector<16xi32>], vector<16xf32>,
      %mul3A_265 = arith.mulf %gather3A_263, %gather3A_264 : vector<16xf32>
      %add3A_266 = arith.addf %add3A_242, %mul3A_265 : vector<16xf32>
      %broadcast_in_dim3A_267 = arith.constant 9 : i32
      %broadcast_in_dim3A_268 = vector.broadcast %broadcast_in_dim3A_267 : i32 to vector<16xi32>
      %gather3A_269 = tpu.vector_load_idx %arg9[%add3A_206, %broadcast_in_dim3A_268] : memref<512x32xf32, #tpu.memory_space<vmem>>[vector<16xi32>, vector<16xi32>], vector<16xf32>,
      %gather3A_270 = tpu.vector_load_idx %arg10[%add3A_206, %broadcast_in_dim3A_268] : memref<512x32xf32, #tpu.memory_space<vmem>>[vector<16xi32>, vector<16xi32>], vector<16xf32>,
      %mul3A_271 = arith.mulf %gather3A_269, %gather3A_270 : vector<16xf32>
      %add3A_272 = arith.addf %add3A_248, %mul3A_271 : vector<16xf32>
      %broadcast_in_dim3A_273 = arith.constant 10 : i32
      %broadcast_in_dim3A_274 = vector.broadcast %broadcast_in_dim3A_273 : i32 to vector<16xi32>
      %gather3A_275 = tpu.vector_load_idx %arg9[%add3A_206, %broadcast_in_dim3A_274] : memref<512x32xf32, #tpu.memory_space<vmem>>[vector<16xi32>, vector<16xi32>], vector<16xf32>,
      %gather3A_276 = tpu.vector_load_idx %arg10[%add3A_206, %broadcast_in_dim3A_274] : memref<512x32xf32, #tpu.memory_space<vmem>>[vector<16xi32>, vector<16xi32>], vector<16xf32>,
      %mul3A_277 = arith.mulf %gather3A_275, %gather3A_276 : vector<16xf32>
      %add3A_278 = arith.addf %add3A_254, %mul3A_277 : vector<16xf32>
      %broadcast_in_dim3A_279 = arith.constant 11 : i32
      %broadcast_in_dim3A_280 = vector.broadcast %broadcast_in_dim3A_279 : i32 to vector<16xi32>
      %gather3A_281 = tpu.vector_load_idx %arg9[%add3A_206, %broadcast_in_dim3A_280] : memref<512x32xf32, #tpu.memory_space<vmem>>[vector<16xi32>, vector<16xi32>], vector<16xf32>,
      %gather3A_282 = tpu.vector_load_idx %arg10[%add3A_206, %broadcast_in_dim3A_280] : memref<512x32xf32, #tpu.memory_space<vmem>>[vector<16xi32>, vector<16xi32>], vector<16xf32>,
      %mul3A_283 = arith.mulf %gather3A_281, %gather3A_282 : vector<16xf32>
      %add3A_284 = arith.addf %add3A_260, %mul3A_283 : vector<16xf32>
      %broadcast_in_dim3A_285 = arith.constant 12 : i32
      %broadcast_in_dim3A_286 = vector.broadcast %broadcast_in_dim3A_285 : i32 to vector<16xi32>
      %gather3A_287 = tpu.vector_load_idx %arg9[%add3A_206, %broadcast_in_dim3A_286] : memref<512x32xf32, #tpu.memory_space<vmem>>[vector<16xi32>, vector<16xi32>], vector<16xf32>,
      %gather3A_288 = tpu.vector_load_idx %arg10[%add3A_206, %broadcast_in_dim3A_286] : memref<512x32xf32, #tpu.memory_space<vmem>>[vector<16xi32>, vector<16xi32>], vector<16xf32>,
      %mul3A_289 = arith.mulf %gather3A_287, %gather3A_288 : vector<16xf32>
      %add3A_290 = arith.addf %add3A_266, %mul3A_289 : vector<16xf32>
      %broadcast_in_dim3A_291 = arith.constant 13 : i32
      %broadcast_in_dim3A_292 = vector.broadcast %broadcast_in_dim3A_291 : i32 to vector<16xi32>
      %gather3A_293 = tpu.vector_load_idx %arg9[%add3A_206, %broadcast_in_dim3A_292] : memref<512x32xf32, #tpu.memory_space<vmem>>[vector<16xi32>, vector<16xi32>], vector<16xf32>,
      %gather3A_294 = tpu.vector_load_idx %arg10[%add3A_206, %broadcast_in_dim3A_292] : memref<512x32xf32, #tpu.memory_space<vmem>>[vector<16xi32>, vector<16xi32>], vector<16xf32>,
      %mul3A_295 = arith.mulf %gather3A_293, %gather3A_294 : vector<16xf32>
      %add3A_296 = arith.addf %add3A_272, %mul3A_295 : vector<16xf32>
      %broadcast_in_dim3A_297 = arith.constant 14 : i32
      %broadcast_in_dim3A_298 = vector.broadcast %broadcast_in_dim3A_297 : i32 to vector<16xi32>
      %gather3A_299 = tpu.vector_load_idx %arg9[%add3A_206, %broadcast_in_dim3A_298] : memref<512x32xf32, #tpu.memory_space<vmem>>[vector<16xi32>, vector<16xi32>], vector<16xf32>,
      %gather3A_300 = tpu.vector_load_idx %arg10[%add3A_206, %broadcast_in_dim3A_298] : memref<512x32xf32, #tpu.memory_space<vmem>>[vector<16xi32>, vector<16xi32>], vector<16xf32>,
      %mul3A_301 = arith.mulf %gather3A_299, %gather3A_300 : vector<16xf32>
      %add3A_302 = arith.addf %add3A_278, %mul3A_301 : vector<16xf32>
      %broadcast_in_dim3A_303 = arith.constant 15 : i32
      %broadcast_in_dim3A_304 = vector.broadcast %broadcast_in_dim3A_303 : i32 to vector<16xi32>
      %gather3A_305 = tpu.vector_load_idx %arg9[%add3A_206, %broadcast_in_dim3A_304] : memref<512x32xf32, #tpu.memory_space<vmem>>[vector<16xi32>, vector<16xi32>], vector<16xf32>,
      %gather3A_306 = tpu.vector_load_idx %arg10[%add3A_206, %broadcast_in_dim3A_304] : memref<512x32xf32, #tpu.memory_space<vmem>>[vector<16xi32>, vector<16xi32>], vector<16xf32>,
      %mul3A_307 = arith.mulf %gather3A_305, %gather3A_306 : vector<16xf32>
      %add3A_308 = arith.addf %add3A_284, %mul3A_307 : vector<16xf32>
      %broadcast_in_dim3A_309 = arith.constant 16 : i32
      %broadcast_in_dim3A_310 = vector.broadcast %broadcast_in_dim3A_309 : i32 to vector<16xi32>
      %gather3A_311 = tpu.vector_load_idx %arg9[%add3A_206, %broadcast_in_dim3A_310] : memref<512x32xf32, #tpu.memory_space<vmem>>[vector<16xi32>, vector<16xi32>], vector<16xf32>,
      %gather3A_312 = tpu.vector_load_idx %arg10[%add3A_206, %broadcast_in_dim3A_310] : memref<512x32xf32, #tpu.memory_space<vmem>>[vector<16xi32>, vector<16xi32>], vector<16xf32>,
      %mul3A_313 = arith.mulf %gather3A_311, %gather3A_312 : vector<16xf32>
      %add3A_314 = arith.addf %add3A_290, %mul3A_313 : vector<16xf32>
      %broadcast_in_dim3A_315 = arith.constant 17 : i32
      %broadcast_in_dim3A_316 = vector.broadcast %broadcast_in_dim3A_315 : i32 to vector<16xi32>
      %gather3A_317 = tpu.vector_load_idx %arg9[%add3A_206, %broadcast_in_dim3A_316] : memref<512x32xf32, #tpu.memory_space<vmem>>[vector<16xi32>, vector<16xi32>], vector<16xf32>,
      %gather3A_318 = tpu.vector_load_idx %arg10[%add3A_206, %broadcast_in_dim3A_316] : memref<512x32xf32, #tpu.memory_space<vmem>>[vector<16xi32>, vector<16xi32>], vector<16xf32>,
      %mul3A_319 = arith.mulf %gather3A_317, %gather3A_318 : vector<16xf32>
      %add3A_320 = arith.addf %add3A_296, %mul3A_319 : vector<16xf32>
      %broadcast_in_dim3A_321 = arith.constant 18 : i32
      %broadcast_in_dim3A_322 = vector.broadcast %broadcast_in_dim3A_321 : i32 to vector<16xi32>
      %gather3A_323 = tpu.vector_load_idx %arg9[%add3A_206, %broadcast_in_dim3A_322] : memref<512x32xf32, #tpu.memory_space<vmem>>[vector<16xi32>, vector<16xi32>], vector<16xf32>,
      %gather3A_324 = tpu.vector_load_idx %arg10[%add3A_206, %broadcast_in_dim3A_322] : memref<512x32xf32, #tpu.memory_space<vmem>>[vector<16xi32>, vector<16xi32>], vector<16xf32>,
      %mul3A_325 = arith.mulf %gather3A_323, %gather3A_324 : vector<16xf32>
      %add3A_326 = arith.addf %add3A_302, %mul3A_325 : vector<16xf32>
      %broadcast_in_dim3A_327 = arith.constant 19 : i32
      %broadcast_in_dim3A_328 = vector.broadcast %broadcast_in_dim3A_327 : i32 to vector<16xi32>
      %gather3A_329 = tpu.vector_load_idx %arg9[%add3A_206, %broadcast_in_dim3A_328] : memref<512x32xf32, #tpu.memory_space<vmem>>[vector<16xi32>, vector<16xi32>], vector<16xf32>,
      %gather3A_330 = tpu.vector_load_idx %arg10[%add3A_206, %broadcast_in_dim3A_328] : memref<512x32xf32, #tpu.memory_space<vmem>>[vector<16xi32>, vector<16xi32>], vector<16xf32>,
      %mul3A_331 = arith.mulf %gather3A_329, %gather3A_330 : vector<16xf32>
      %add3A_332 = arith.addf %add3A_308, %mul3A_331 : vector<16xf32>
      %broadcast_in_dim3A_333 = arith.constant 20 : i32
      %broadcast_in_dim3A_334 = vector.broadcast %broadcast_in_dim3A_333 : i32 to vector<16xi32>
      %gather3A_335 = tpu.vector_load_idx %arg9[%add3A_206, %broadcast_in_dim3A_334] : memref<512x32xf32, #tpu.memory_space<vmem>>[vector<16xi32>, vector<16xi32>], vector<16xf32>,
      %gather3A_336 = tpu.vector_load_idx %arg10[%add3A_206, %broadcast_in_dim3A_334] : memref<512x32xf32, #tpu.memory_space<vmem>>[vector<16xi32>, vector<16xi32>], vector<16xf32>,
      %mul3A_337 = arith.mulf %gather3A_335, %gather3A_336 : vector<16xf32>
      %add3A_338 = arith.addf %add3A_314, %mul3A_337 : vector<16xf32>
      %broadcast_in_dim3A_339 = arith.constant 21 : i32
      %broadcast_in_dim3A_340 = vector.broadcast %broadcast_in_dim3A_339 : i32 to vector<16xi32>
      %gather3A_341 = tpu.vector_load_idx %arg9[%add3A_206, %broadcast_in_dim3A_340] : memref<512x32xf32, #tpu.memory_space<vmem>>[vector<16xi32>, vector<16xi32>], vector<16xf32>,
      %gather3A_342 = tpu.vector_load_idx %arg10[%add3A_206, %broadcast_in_dim3A_340] : memref<512x32xf32, #tpu.memory_space<vmem>>[vector<16xi32>, vector<16xi32>], vector<16xf32>,
      %mul3A_343 = arith.mulf %gather3A_341, %gather3A_342 : vector<16xf32>
      %add3A_344 = arith.addf %add3A_320, %mul3A_343 : vector<16xf32>
      %broadcast_in_dim3A_345 = arith.constant 22 : i32
      %broadcast_in_dim3A_346 = vector.broadcast %broadcast_in_dim3A_345 : i32 to vector<16xi32>
      %gather3A_347 = tpu.vector_load_idx %arg9[%add3A_206, %broadcast_in_dim3A_346] : memref<512x32xf32, #tpu.memory_space<vmem>>[vector<16xi32>, vector<16xi32>], vector<16xf32>,
      %gather3A_348 = tpu.vector_load_idx %arg10[%add3A_206, %broadcast_in_dim3A_346] : memref<512x32xf32, #tpu.memory_space<vmem>>[vector<16xi32>, vector<16xi32>], vector<16xf32>,
      %mul3A_349 = arith.mulf %gather3A_347, %gather3A_348 : vector<16xf32>
      %add3A_350 = arith.addf %add3A_326, %mul3A_349 : vector<16xf32>
      %broadcast_in_dim3A_351 = arith.constant 23 : i32
      %broadcast_in_dim3A_352 = vector.broadcast %broadcast_in_dim3A_351 : i32 to vector<16xi32>
      %gather3A_353 = tpu.vector_load_idx %arg9[%add3A_206, %broadcast_in_dim3A_352] : memref<512x32xf32, #tpu.memory_space<vmem>>[vector<16xi32>, vector<16xi32>], vector<16xf32>,
      %gather3A_354 = tpu.vector_load_idx %arg10[%add3A_206, %broadcast_in_dim3A_352] : memref<512x32xf32, #tpu.memory_space<vmem>>[vector<16xi32>, vector<16xi32>], vector<16xf32>,
      %mul3A_355 = arith.mulf %gather3A_353, %gather3A_354 : vector<16xf32>
      %add3A_356 = arith.addf %add3A_332, %mul3A_355 : vector<16xf32>
      %broadcast_in_dim3A_357 = arith.constant 24 : i32
      %broadcast_in_dim3A_358 = vector.broadcast %broadcast_in_dim3A_357 : i32 to vector<16xi32>
      %gather3A_359 = tpu.vector_load_idx %arg9[%add3A_206, %broadcast_in_dim3A_358] : memref<512x32xf32, #tpu.memory_space<vmem>>[vector<16xi32>, vector<16xi32>], vector<16xf32>,
      %gather3A_360 = tpu.vector_load_idx %arg10[%add3A_206, %broadcast_in_dim3A_358] : memref<512x32xf32, #tpu.memory_space<vmem>>[vector<16xi32>, vector<16xi32>], vector<16xf32>,
      %mul3A_361 = arith.mulf %gather3A_359, %gather3A_360 : vector<16xf32>
      %add3A_362 = arith.addf %add3A_338, %mul3A_361 : vector<16xf32>
      %broadcast_in_dim3A_363 = arith.constant 25 : i32
      %broadcast_in_dim3A_364 = vector.broadcast %broadcast_in_dim3A_363 : i32 to vector<16xi32>
      %gather3A_365 = tpu.vector_load_idx %arg9[%add3A_206, %broadcast_in_dim3A_364] : memref<512x32xf32, #tpu.memory_space<vmem>>[vector<16xi32>, vector<16xi32>], vector<16xf32>,
      %gather3A_366 = tpu.vector_load_idx %arg10[%add3A_206, %broadcast_in_dim3A_364] : memref<512x32xf32, #tpu.memory_space<vmem>>[vector<16xi32>, vector<16xi32>], vector<16xf32>,
      %mul3A_367 = arith.mulf %gather3A_365, %gather3A_366 : vector<16xf32>
      %add3A_368 = arith.addf %add3A_344, %mul3A_367 : vector<16xf32>
      %broadcast_in_dim3A_369 = arith.constant 26 : i32
      %broadcast_in_dim3A_370 = vector.broadcast %broadcast_in_dim3A_369 : i32 to vector<16xi32>
      %gather3A_371 = tpu.vector_load_idx %arg9[%add3A_206, %broadcast_in_dim3A_370] : memref<512x32xf32, #tpu.memory_space<vmem>>[vector<16xi32>, vector<16xi32>], vector<16xf32>,
      %gather3A_372 = tpu.vector_load_idx %arg10[%add3A_206, %broadcast_in_dim3A_370] : memref<512x32xf32, #tpu.memory_space<vmem>>[vector<16xi32>, vector<16xi32>], vector<16xf32>,
      %mul3A_373 = arith.mulf %gather3A_371, %gather3A_372 : vector<16xf32>
      %add3A_374 = arith.addf %add3A_350, %mul3A_373 : vector<16xf32>
      %broadcast_in_dim3A_375 = arith.constant 27 : i32
      %broadcast_in_dim3A_376 = vector.broadcast %broadcast_in_dim3A_375 : i32 to vector<16xi32>
      %gather3A_377 = tpu.vector_load_idx %arg9[%add3A_206, %broadcast_in_dim3A_376] : memref<512x32xf32, #tpu.memory_space<vmem>>[vector<16xi32>, vector<16xi32>], vector<16xf32>,
      %gather3A_378 = tpu.vector_load_idx %arg10[%add3A_206, %broadcast_in_dim3A_376] : memref<512x32xf32, #tpu.memory_space<vmem>>[vector<16xi32>, vector<16xi32>], vector<16xf32>,
      %mul3A_379 = arith.mulf %gather3A_377, %gather3A_378 : vector<16xf32>
      %add3A_380 = arith.addf %add3A_356, %mul3A_379 : vector<16xf32>
      %broadcast_in_dim3A_381 = arith.constant 28 : i32
      %broadcast_in_dim3A_382 = vector.broadcast %broadcast_in_dim3A_381 : i32 to vector<16xi32>
      %gather3A_383 = tpu.vector_load_idx %arg9[%add3A_206, %broadcast_in_dim3A_382] : memref<512x32xf32, #tpu.memory_space<vmem>>[vector<16xi32>, vector<16xi32>], vector<16xf32>,
      %gather3A_384 = tpu.vector_load_idx %arg10[%add3A_206, %broadcast_in_dim3A_382] : memref<512x32xf32, #tpu.memory_space<vmem>>[vector<16xi32>, vector<16xi32>], vector<16xf32>,
      %mul3A_385 = arith.mulf %gather3A_383, %gather3A_384 : vector<16xf32>
      %add3A_386 = arith.addf %add3A_362, %mul3A_385 : vector<16xf32>
      %broadcast_in_dim3A_387 = arith.constant 29 : i32
      %broadcast_in_dim3A_388 = vector.broadcast %broadcast_in_dim3A_387 : i32 to vector<16xi32>
      %gather3A_389 = tpu.vector_load_idx %arg9[%add3A_206, %broadcast_in_dim3A_388] : memref<512x32xf32, #tpu.memory_space<vmem>>[vector<16xi32>, vector<16xi32>], vector<16xf32>,
      %gather3A_390 = tpu.vector_load_idx %arg10[%add3A_206, %broadcast_in_dim3A_388] : memref<512x32xf32, #tpu.memory_space<vmem>>[vector<16xi32>, vector<16xi32>], vector<16xf32>,
      %mul3A_391 = arith.mulf %gather3A_389, %gather3A_390 : vector<16xf32>
      %add3A_392 = arith.addf %add3A_368, %mul3A_391 : vector<16xf32>
      %broadcast_in_dim3A_393 = arith.constant 30 : i32
      %broadcast_in_dim3A_394 = vector.broadcast %broadcast_in_dim3A_393 : i32 to vector<16xi32>
      %gather3A_395 = tpu.vector_load_idx %arg9[%add3A_206, %broadcast_in_dim3A_394] : memref<512x32xf32, #tpu.memory_space<vmem>>[vector<16xi32>, vector<16xi32>], vector<16xf32>,
      %gather3A_396 = tpu.vector_load_idx %arg10[%add3A_206, %broadcast_in_dim3A_394] : memref<512x32xf32, #tpu.memory_space<vmem>>[vector<16xi32>, vector<16xi32>], vector<16xf32>,
      %mul3A_397 = arith.mulf %gather3A_395, %gather3A_396 : vector<16xf32>
      %add3A_398 = arith.addf %add3A_374, %mul3A_397 : vector<16xf32>
      %broadcast_in_dim3A_399 = arith.constant 31 : i32
      %broadcast_in_dim3A_400 = vector.broadcast %broadcast_in_dim3A_399 : i32 to vector<16xi32>
      %gather3A_401 = tpu.vector_load_idx %arg9[%add3A_206, %broadcast_in_dim3A_400] : memref<512x32xf32, #tpu.memory_space<vmem>>[vector<16xi32>, vector<16xi32>], vector<16xf32>,
      %gather3A_402 = tpu.vector_load_idx %arg10[%add3A_206, %broadcast_in_dim3A_400] : memref<512x32xf32, #tpu.memory_space<vmem>>[vector<16xi32>, vector<16xi32>], vector<16xf32>,
      %mul3A_403 = arith.mulf %gather3A_401, %gather3A_402 : vector<16xf32>
      %add3A_404 = arith.addf %add3A_380, %mul3A_403 : vector<16xf32>
      %add3A_405 = arith.addf %add3A_386, %add3A_392 : vector<16xf32>
      %add3A_406 = arith.addf %add3A_398, %add3A_404 : vector<16xf32>
      %add3A_407 = arith.addf %add3A_405, %add3A_406 : vector<16xf32>
      %neg3A = arith.constant 0.000000e+00 : f32
      %neg3A_408 = vector.broadcast %neg3A : f32 to vector<16xf32>
      %neg3A_409 = arith.subf %neg3A_408, %add3A_407 : vector<16xf32>
      %exp3A = math.exp %neg3A_409 : vector<16xf32>
      %add3A_410 = arith.constant 1.000000e+00 : f32
      %add3A_411 = vector.broadcast %add3A_410 : f32 to vector<16xf32>
      %add3A_412 = arith.addf %add3A_411, %exp3A : vector<16xf32>
      %div3A = arith.constant 1.000000e+00 : f32
      %div3A_413 = vector.broadcast %div3A : f32 to vector<16xf32>
      %div3A_414 = arith.divf %div3A_413, %add3A_412 : vector<16xf32>
      %mul3A_415 = arith.constant 16 : i32
      %mul3A_416 = arith.muli %scan3A_202, %mul3A_415 : i32
      %swap3A = arith.index_cast %mul3A_416 : i32 to index
      %swap3A_417 = tpu.vector_load %arg11[%swap3A] {strides = array<i32>} : memref<512xf32, #tpu.memory_space<vmem>>, vector<16xf32>,
      tpu.vector_store %arg11[%swap3A], %div3A_414 {strides = array<i32>} : memref<512xf32, #tpu.memory_space<vmem>>, vector<16xf32>,
    }
    %scan3A_199 = arith.constant 8 : i32
    %mul3A_200 = arith.constant 512 : i32
    %mul3A_201 = arith.muli %add3A, %mul3A_200 : i32
    "tpu.region"() ({
      %run_scoped3A = tpu.sem_alloc : memref<!tpu.dma_semaphore, #tpu.memory_space<semaphore_mem>>
      %dma_start3A_202 = tpu.memref_slice %arg6[%mul3A_201] : memref<16384xf32, #tpu.memory_space<hbm>> -> memref<512xf32, #tpu.memory_space<hbm>>
      %dma_start3A_203 = tpu.memref_slice %arg6[%mul3A_201] : memref<16384xf32, #tpu.memory_space<hbm>> -> memref<512xf32, #tpu.memory_space<hbm>>
      tpu.enqueue_dma source(%arg11 : memref<512xf32, #tpu.memory_space<vmem>>) target(%dma_start3A_203 : memref<512xf32, #tpu.memory_space<hbm>>) target_semaphore(%run_scoped3A : memref<!tpu.dma_semaphore, #tpu.memory_space<semaphore_mem>>)
      %dma_wait3A_204 = tpu.memref_slice %arg6[%mul3A_201] : memref<16384xf32, #tpu.memory_space<hbm>> -> memref<512xf32, #tpu.memory_space<hbm>>
      %dma_wait3A_205 = tpu.memref_slice %arg6[%mul3A_201] : memref<16384xf32, #tpu.memory_space<hbm>> -> memref<512xf32, #tpu.memory_space<hbm>>
      tpu.wait_dma2 semaphore(%run_scoped3A : memref<!tpu.dma_semaphore, #tpu.memory_space<semaphore_mem>>) src(%arg11 : memref<512xf32, #tpu.memory_space<vmem>>) dst(%dma_wait3A_205 : memref<512xf32, #tpu.memory_space<hbm>>)
      tpu.yield
    }) : () -> ()
    return
  }
}

</mosaic_0001>

<sc_bundles>
// kernel: kernel.3.cloned.1.call-start
scs
__scs_entry_jumppad:
0x0: {  	(pc) =	sbr.rel $0x88, $3  }
0x1: {  	(tag) =	ssettag $0x0;
	lr =	simm.s32 $0x1  }
0x2: {  	[smem:$0x3F9D] =	sst lr;
	_ =	strace $0xD0000000  }
0x3: {  	_ = 	snop  }
0x4: {  	_ = 	snop  }
0x5: {  	_ = 	snop  }
0x6: {  	_ = 	snop  }
0x7: {  	_ = 	snop  }
__scs_overlays_trampoline_lowered:
0x8: {  	[smem:$0x3FAC] =	sst s0  }
0x9: {  	[smem:$0x3FAD] =	sst s1  }
0xa: {  	[smem:$0x3FAE] =	sst s2  }
0xb: {  	[smem:$0x3FAF] =	sst s3  }
0xc: {  	[smem:$0x3FB0] =	sst s4  }
0xd: {  	[smem:$0x3FB1] =	sst s5  }
0xe: {  	[smem:$0x3FB2] =	sst s6  }
0xf: {  	[smem:$0x3FB3] =	sst s7  }
0x10: {  	[smem:$0x3FB4] =	sst s8  }
0x11: {  	[smem:$0x3FB5] =	sst s9;
	s0 =	simm.s32 @!p0 $0x0  }
0x12: {  	s1 =	sld [smem:$0x3F9B];
	s0 =	simm.s32 @p0 $0x1  }
0x13: {  	[smem:$0x3FB6] =	sst s0;
	s0 =	simm.s32 @!p1 $0x0  }
0x14: {  	s2 =	sld [smem:$0x3F9A];
	s0 =	simm.s32 @p1 $0x1  }
0x15: {  	[smem:$0x3FB7] =	sst s0;
	s0 =	simm.s32 @!p2 $0x0  }
0x16: {  	s3 =	sld [smem:$0x3FDB];
	s0 =	simm.s32 @p2 $0x1  }
0x17: {  	s4 =	simm.s32 $0x1BF5;
	[smem:$0x3FB9] =	sst s0  }
0x18: {  	s0 =	sld [smem:$0x3F9C];
	_ =	swait.ge [sflag:s4], $0x0  }
0x19: {  	s7 =	sld [smem:$0x3F9D]  }
0x1a: {  	s8 =	sadd.s32 $0xFFFFE003, lr  }
0x1b: {  	s9 =	sadd.s32 $0xFFFFFEF7, lr;
	s5 =	simm.s32 $0xFFFFFFFF;
	p2 =	slt.u32 s8, $0xFFFFF086  }
0x1c: {  	p1 =	slt.u32 s9, $0xF7A;
	s5 =	simm.s32 @!p2 $0x0  }
0x1d: {  	s5 =	simm.s32 @p1 $0x1;
	p0 =	seq.s32 s7, s2  }
0x1e: {  	s7 =	smul.u32 @!p0 $0xF7A, s2;
	p2 =	seq.s32 @!p0 s5, $0x0  }
0x1f: {  	s9 =	smul.u32 $0xF7A, s1;
	s8 =	simm.s32 @!p0 $0x1BF5;
	p2 =	por !p2, p0  }
0x20: {  	[sflag:s8] =	ssyncset.s32 @!p0 $0xFFFFF086;
	s6 =	sadd.s32 @!p0 s3, s7;
	s7 =	simm.s32 @!p0 $0x108  }
0x21: {  	s3 =	sadd.s32 s3, s9;
	s6 =	sadd.s32 @!p0 $0x88, s6;
	s7 =	simm.s32 @p2 $0x1082  }
0x22: {  	[simem:s7], [sflag:s8] =	dma.local @!p0 [hbm:s6], $0xF7A  }
0x23: {  	s9 =	sor.u32 $0xD0000000, s2;
	s6 =	simm.s32 $0x108;
	_ =	swait.ge @!p0 [sflag:s8], $0x0  }
0x24: {  	s3 =	sadd.s32 $0x88, s3;
	s6 =	simm.s32 @!p1 $0x1082;
	[sflag:s4] =	ssyncset.s32 $0xFFFFF086  }
0x25: {  	[simem:s6], [sflag:s4] =	dma.local [hbm:s3], $0xF7A  }
0x26: {  	[smem:$0x3F9D] =	sst s1;
	(tag) =	ssettag s2;
	_ =	strace s9  }
0x27: {  	s1 =	sld [smem:$0x3FAD]  }
0x28: {  	s2 =	sld [smem:$0x3FAE]  }
0x29: {  	s4 =	sld [smem:$0x3FB0]  }
0x2a: {  	p0 =	seq.s32 s5, $0x0;
	s5 =	sld [smem:$0x3FB1]  }
0x2b: {  	s6 =	sld [smem:$0x3FB2]  }
0x2c: {  	s7 =	sld [smem:$0x3FB3]  }
0x2d: {  	s3 =	simm.s32 $0x108;
	s8 =	sld [smem:$0x3FB4]  }
0x2e: {  	s3 =	simm.s32 @!p0 $0x1082;
	s9 =	sld [smem:$0x3FB5]  }
0x2f: {  	lr =	sadd.s32 s0, s3;
	s0 =	sld [smem:$0x3FAC]  }
0x30: {  	s3 =	sld [smem:$0x3FAF]  }
0x31: {  	[smem:$0x3FB8] =	sst s10  }
0x32: {  	s10 =	sld [smem:$0x3FB6];
	_ =	sdelay $0x3  }
0x33: {  	p0 =	seq.s32 s10, $0x1;
	s10 =	sld [smem:$0x3FB8];
	_ =	sdelay $0x3  }
0x34: {  	[smem:$0x3FB8] =	sst s10  }
0x35: {  	s10 =	sld [smem:$0x3FB7];
	_ =	sdelay $0x3  }
0x36: {  	p1 =	seq.s32 s10, $0x1;
	s10 =	sld [smem:$0x3FB8];
	_ =	sdelay $0x3  }
0x37: {  	[smem:$0x3FB8] =	sst s10  }
0x38: {  	s10 =	sld [smem:$0x3FB9]  }
0x39: {  	_ = 	snop;
	(pc) =	sbr.ind lr, $3  }
0x3a: {  	_ = 	snop  }
0x3b: {  	_ = 	snop  }
0x3c: {  	p2 =	seq.s32 s10, $0x1;
	s10 =	sld [smem:$0x3FB8]  }
0x3d: {  	_ =	shalt  }
0x3e: {  	_ =	shalt  }
0x3f: {  	_ =	shalt  }
0x40: {  	_ =	shalt  }
0x41: {  	_ =	shalt  }
0x42: {  	_ =	shalt  }
0x43: {  	_ =	shalt  }
0x44: {  	_ =	shalt  }
0x45: {  	_ =	shalt  }
0x46: {  	_ =	shalt  }
0x47: {  	_ =	shalt  }
0x48: {  	_ =	shalt  }
0x49: {  	_ =	shalt  }
0x4a: {  	_ =	shalt  }
0x4b: {  	_ =	shalt  }
0x4c: {  	_ =	shalt  }
0x4d: {  	_ =	shalt  }
0x4e: {  	_ =	shalt  }
0x4f: {  	_ =	shalt  }
0x50: {  	_ =	shalt  }
0x51: {  	_ =	shalt  }
0x52: {  	_ =	shalt  }
0x53: {  	_ =	shalt  }
0x54: {  	_ =	shalt  }
0x55: {  	_ =	shalt  }
0x56: {  	_ =	shalt  }
0x57: {  	_ =	shalt  }
0x58: {  	_ =	shalt  }
0x59: {  	_ =	shalt  }
0x5a: {  	_ =	shalt  }
0x5b: {  	_ =	shalt  }
0x5c: {  	_ =	shalt  }
0x5d: {  	_ =	shalt  }
0x5e: {  	_ =	shalt  }
0x5f: {  	_ =	shalt  }
0x60: {  	_ =	shalt  }
0x61: {  	_ =	shalt  }
0x62: {  	_ =	shalt  }
0x63: {  	_ =	shalt  }
0x64: {  	_ =	shalt  }
0x65: {  	_ =	shalt  }
0x66: {  	_ =	shalt  }
0x67: {  	_ =	shalt  }
0x68: {  	_ =	shalt  }
0x69: {  	_ =	shalt  }
0x6a: {  	_ =	shalt  }
0x6b: {  	_ =	shalt  }
0x6c: {  	_ =	shalt  }
0x6d: {  	_ =	shalt  }
0x6e: {  	_ =	shalt  }
0x6f: {  	_ =	shalt  }
0x70: {  	_ =	shalt  }
0x71: {  	_ =	shalt  }
0x72: {  	_ =	shalt  }
0x73: {  	_ =	shalt  }
0x74: {  	_ =	shalt  }
0x75: {  	_ =	shalt  }
0x76: {  	_ =	shalt  }
0x77: {  	_ =	shalt  }
0x78: {  	_ =	shalt  }
0x79: {  	_ =	shalt  }
0x7a: {  	_ =	shalt  }
0x7b: {  	_ =	shalt  }
0x7c: {  	_ =	shalt  }
0x7d: {  	_ =	shalt  }
0x7e: {  	_ =	shalt  }
0x7f: {  	_ =	shalt  }
0x80: {  	_ =	shalt  }
0x81: {  	_ =	shalt  }
0x82: {  	_ =	shalt  }
0x83: {  	_ =	shalt  }
0x84: {  	_ =	shalt  }
0x85: {  	_ =	shalt  }
0x86: {  	_ =	shalt  }
0x87: {  	_ =	shalt  }
.Lfunc_end0:
.L_simem_size_0:
called_computation_lowered:
.L_overlay_start_0:
0x88: {  	s2 =	sld [smem:$0x3FD9]  }
0x89: {  	s3 =	sld [smem:$0x3FFE];
	_ =	sdelay $0x1  }
0x8a: {  	s1 =	srdreg.scid  }
0x8b: {  	s0 =	sand.u32 $0x1, s1  }
0x8c: {  	s17 =	sshll.u32 s0, $0xA;
	s2 =	sadd.s32 s3, s2  }
0x8d: {  	s2 =	sadd.s32 s2, s17  }
0x8e: {  	[smem:$0x3FC4] =	sst s2  }
0x8f: {  	_ = 	snop  }
0x90: {  	s2 =	sld [smem:$0x3FC9]  }
0x91: {  	s18 =	sld [smem:$0x3FC8]  }
0x92: {  	s4 =	sld [smem:$0x3FD0];
	(tm) =	ssettm $0x1  }
0x93: {  	s5 =	sld [smem:$0x3FFB];
	_ =	sdelay $0x3  }
0x94: {  	_ =	strace s5  }
0x95: {  	s5 =	sld [smem:$0x3FFC];
	_ =	sdelay $0x3  }
0x96: {  	_ =	strace s5  }
0x97: {  	s5 =	sld [smem:$0x3FFD];
	_ =	sdelay $0x3  }
0x98: {  	_ =	strace s5  }
0x99: {  	_ =	strace $0x8FFFFFFF  }
0x9a: {  	s19 =	sld [smem:$0x3FDB];
	_ =	sdelay $0x1  }
0x9b: {  	s6 =	simm.s32 $_scs_section_size  }
0x9c: {  	s7 =	simm.s32 $_size__tile_overlayer_lowered;
	s8 =	simm.s32 $_tile_overlayer_lowered  }
0x9d: {  	s22 =	simm.s32 $0x1BFF;
	s21 =	sshll.u32 s8, $0x1;
	s5 =	sadd.s32 s6, s19  }
0x9e: {  	s9 =	simm.s32 $0x0;
	s20 =	sshll.u32 s7, $0x1;
	s7 =	sadd.s32 s21, s5  }
0x9f: {  	[timem:s9], [sflag:s22] =	dma.local [hbm:s7], s20  }
0xa0: {  	_ =	swait.ge [sflag:s22], s20  }
0xa1: {  	s6 =	ssub.s32 $0x0, s20;
	[sflag:s22] =	ssyncset.done $0x0  }
0xa2: {  	[sflag:s22] =	ssyncadd.s32 s6;
	_ =	sdelay $0x1  }
0xa3: {  	s23 =	simm.s32 $0x1B8B  }
0xa4: {  	_ =	swait.ge [sflag:s23], $0x1  }
0xa5: {  	[sflag:s23] =	ssyncset.done $0x0  }
0xa6: {  	s25 =	simm.s32 $0x1B8E;
	s24 =	sld [smem:$0x3FFE];
	[sflag:s23] =	ssyncadd.s32 $0xFFFFFFFF  }
0xa7: {  	s26 =	simm.s32 $execute0_lowered;
	[smem:$0x3FD2] =	sst s25  }
0xa8: {  	s7 =	sshll.u32 s26, $0x1;
	_ =	strace $0x80000046;
	[dreg:$0x1] =	wrdreg $0xFFFFFFFF  }
0xa9: {  	s28 =	simm.s32 $_size_execute0_lowered;
	s5 =	sadd.s32 s5, s7;
	[dreg:$0x0] =	wrdreg $0x0  }
0xaa: {  	s7 =	sshll.u32 s28, $0x1;
	[dreg:$0x2] =	wrdreg s5  }
0xab: {  	[dreg:$0x3] =	wrdreg s7  }
0xac: {  	[dreg:$0x4] =	wrdreg $0xC0  }
0xad: {  	_ =	task [dreg:s9], $0x5FFFF  }
0xae: {  	[dreg:$0x1] =	wrdreg $0xFFFFFFFF  }
0xaf: {  	[dreg:$0x0] =	wrdreg $0x60  }
0xb0: {  	[dreg:$0x2] =	wrdreg s2  }
0xb1: {  	[dreg:$0x3] =	wrdreg s18  }
0xb2: {  	[dreg:$0x4] =	wrdreg s24  }
0xb3: {  	[dreg:$0x5] =	wrdreg s4  }
0xb4: {  	[dreg:$0x6] =	wrdreg $0x9  }
0xb5: {  	_ =	task.clear_ibuf [dreg:s9], $0x7FFFF;
	_ =	strace $0x90000046  }
0xb6: {  	s29 =	simm.s32 $0x9;
	_ =	strace $0x80000048  }
0xb7: {  	_ =	swait.ge [sflag:s29], $0x1  }
0xb8: {  	[sflag:s29] =	ssyncadd.s32 $0xFFFFFFFF  }
0xb9: {  	_ =	strace $0x90000048  }
0xba: {  	_ =	sfence  }
0xbb: {  	s30 =	sld [smem:$0x0];
	_ =	sdelay $0x2  }
0xbc: {  	s31 =	sshll.u32 s1, $0xD;
	s1 =	sshrl.u32 s1, $0x2  }
0xbd: {  	s3 =	sand.u32 $0x4000, s31;
	s1 =	sadd.s32 s1, s30  }
0xbe: {  	s0 =	sor.u32 s3, s0;
	s1 =	sshll.u32 s1, $0x11  }
0xbf: {  	s0 =	sor.u32 s1, s0  }
0xc0: {  	s0 =	sadd.s32 $0x8F2B, s0  }
0xc1: {  	[sflag:s0] =	ssyncadd.remote.s32 $0x1  }
0xc2: {  	_ =	sfence.sel $0xFFFF  }
0xc3: {  	[dreg:$0x0] =	wrdreg $0xFFFFFFFF;
	(pc) =	sbr.abs _section_cstart, $3  }
0xc4: {  	[dreg:$0x1] =	wrdreg $0xFFFFFFFF  }
0xc5: {  	_ =	task.clear_ibuf [dreg:s9], $0x2FFFF;
	_ =	strace $0x9FFFFFFF  }
0xc6: {  	(tm) =	ssettm $0x7FFFFFFF  }
0xc7: {  	_ =	shalt  }
tec
execute0_lowered:
.L_overlay_start_1:
0x0: {  	(tag) =	ssettag $0x1  }
0x1: {  	s0 =	rddreg [dreg:$0x0]  }
0x2: {  	s2 =	rddreg [dreg:$0x1]  }
0x3: {  	s4 =	rddreg [dreg:$0x2]  }
0x4: {  	s7 =	rddreg [dreg:$0x3];
	s1 =	simm.s32 $0x0  }
0x5: {  	s5 =	srdreg.scid;
	s8 =	stileid.u32;
	s10 =	simm.s32 $0x1  }
0x6: {  	s11 =	simm.s32 $0x80;
	s12 =	simm.s32 $0x400;
	s18 =	simm.s32 $0x2  }
0x7: {  	s19 =	simm.s32 $0x4400;
	s21 =	simm.s32 $0x5400;
	s22 =	simm.s32 $0x300  }
0x8: {  	s23 =	simm.s32 $0x6400;
	s24 =	simm.s32 $0x380;
	s25 =	simm.s32 $0x7400  }
0x9: {  	s26 =	simm.s32 $0x3;
	s28 =	simm.s32 $0x7;
	s29 =	simm.s32 $0x4  }
0xa: {  	s30 =	simm.s32 $0x8;
	s31 =	simm.s32 $0x5;
	s13 =	simm.s32 $0xA  }
0xb: {  	s14 =	simm.s32 $0x8400;
	s15 =	simm.s32 $0xB;
	s16 =	simm.s32 $0x0  }
0xc: {  	[smem:$0x7FF] =	sst s1;
	s3 =	sadd.s32 $0xF42800, s4;
	s5 =	sand.u32 $0x1, s5  }
0xd: {  	s8 =	sshll.u32 s8, $0x7;
	s6 =	ssub.s32 $0x2, s5;
	s5 =	sshll.u32 s5, $0x6  }
0xe: {  	s4 =	sadd.s32 $0x1313200, s4;
	s9 =	sshrl.u32 s6, $0x1;
	s8 =	sor.u32 s5, s8  }
0xf: {  	_ =	strace $0x80000047;
	s9 =	ssub.s32 s6, s9;
	s5 =	sadd.s32 s0, s8  }
0x10: {  	v0 =	vlaneseq.u32;
	s6 =	sadd.s32 s2, s8;
	s7 =	sadd.s32 s7, s8;
	s0 =	simm.s32 $0x9  }
0x11: {  	v0 =	vmul.u32 $0x20, v0;
	s2 =	simm.s32 $0x6;
	s8 =	smax.u32 s9, $0x1;
	s9 =	simm.s32 $0x200  }
.LBB2_1:
0x12: {  	[tilespmem:s1], [sflag:$0x1] =	stream.linear.gather [hbm4b:s5+s1], $0x200, $0x38;
	[tilespmem:$0x8600] =	vst v63  }
0x13: {  	_ = 	snop  }
0x14: {  	[tilespmem:s9], [sflag:$0x2] =	stream.linear.gather [hbm4b:s6+s1], $0x200, $0x38;
	[tilespmem:$0x8600] =	vst v63  }
0x15: {  	_ =	swait.ge [sflag:s10], $0x200  }
0x16: {  	[sflag:s10] =	ssyncset.done $0x0  }
0x17: {  	[sflag:s10] =	ssyncadd.s32 $0xFFFFFE00  }
0x18: {  	[tilespmem:s12], [sflag:$0x3] =	stream.indirect.gather [hbm4b:s3+s11], $0x20, s1, s11, $0xb8;
	[tilespmem:$0x8600] =	vst v63  }
0x19: {  	s17 =	simm.s32 $0x1400  }
0x1a: {  	[tilespmem:s17], [sflag:$0x4] =	stream.indirect.gather [hbm4b:s3+s11], $0x20, s11, s11, $0xb8;
	[tilespmem:$0x8600] =	vst v63  }
0x1b: {  	s20 =	simm.s32 $0x2400;
	s17 =	simm.s32 $0x100  }
0x1c: {  	[tilespmem:s20], [sflag:$0x5] =	stream.indirect.gather [hbm4b:s3+s11], $0x20, s17, s11, $0xb8;
	[tilespmem:$0x8600] =	vst v63  }
0x1d: {  	s17 =	simm.s32 $0x180;
	s20 =	simm.s32 $0x3400  }
0x1e: {  	[tilespmem:s20], [sflag:$0x6] =	stream.indirect.gather [hbm4b:s3+s11], $0x20, s17, s11, $0xb8;
	[tilespmem:$0x8600] =	vst v63  }
0x1f: {  	_ =	swait.ge [sflag:s18], $0x200  }
0x20: {  	[sflag:s18] =	ssyncset.done $0x0  }
0x21: {  	[sflag:s18] =	ssyncadd.s32 $0xFFFFFE00  }
0x22: {  	[tilespmem:s19], [sflag:$0x7] =	stream.indirect.gather [hbm4b:s4+s11], $0x20, s9, s11, $0xb8;
	[tilespmem:$0x8600] =	vst v63  }
0x23: {  	s20 =	simm.s32 $0x280  }
0x24: {  	[tilespmem:s21], [sflag:$0x8] =	stream.indirect.gather [hbm4b:s4+s11], $0x20, s20, s11, $0xb8;
	[tilespmem:$0x8600] =	vst v63  }
0x25: {  	_ = 	snop  }
0x26: {  	[tilespmem:s23], [sflag:$0x9] =	stream.indirect.gather [hbm4b:s4+s11], $0x20, s22, s11, $0xb8;
	[tilespmem:$0x8600] =	vst v63  }
0x27: {  	v1 =	vmov s1  }
0x28: {  	v1 =	vshll.u32 v1, $0x5;
	[tilespmem:s25], [sflag:$0xA] =	stream.indirect.gather [hbm4b:s4+s11], $0x20, s24, s11, $0xb8;
	[tilespmem:$0x8600] =	vst v63  }
0x29: {  	v3 =	vor.u32 v0, v1;
	_ =	swait.ge [sflag:s26], $0x1000  }
0x2a: {  	v1 =	vor.u32 $0x1C, v3;
	[sflag:s26] =	ssyncset.done $0x0  }
0x2b: {  	[sflag:s26] =	ssyncadd.s32 $0xFFFFF000  }
0x2c: {  	v2 =	vor.u32 $0x1D, v3;
	_ =	swait.ge [sflag:s28], $0x1000  }
0x2d: {  	[sflag:s28] =	ssyncset.done $0x0  }
0x2e: {  	v4 =	vor.u32 $0x1E, v3;
	[sflag:s28] =	ssyncadd.s32 $0xFFFFF000  }
0x2f: {  	v5 =	vld.idx.msk [tilespmem:v1+s12+$0x0], $0xffff  }
0x30: {  	v6 =	vor.u32 $0x18, v3;
	v7 =	vld.idx.msk [tilespmem:v1+s19+$0x0], $0xffff  }
0x31: {  	v8 =	vld.idx.msk [tilespmem:v2+s12+$0x0], $0xffff  }
0x32: {  	v9 =	vor.u32 $0x19, v3;
	v10 =	vld.idx.msk [tilespmem:v2+s19+$0x0], $0xffff  }
0x33: {  	v1 =	vld.idx.msk [tilespmem:v4+s12+$0x0], $0xffff  }
0x34: {  	v11 =	vor.u32 $0x1A, v3;
	v2 =	vld.idx.msk [tilespmem:v4+s19+$0x0], $0xffff  }
0x35: {  	v4 =	vld.idx.msk [tilespmem:v6+s12+$0x0], $0xffff  }
0x36: {  	v12 =	vor.u32 $0x14, v3;
	v6 =	vld.idx.msk [tilespmem:v6+s19+$0x0], $0xffff  }
0x37: {  	v13 =	vld.idx.msk [tilespmem:v9+s12+$0x0], $0xffff  }
0x38: {  	v14 =	vor.u32 $0x15, v3;
	v9 =	vld.idx.msk [tilespmem:v9+s19+$0x0], $0xffff  }
0x39: {  	v15 =	vld.idx.msk [tilespmem:v11+s12+$0x0], $0xffff  }
0x3a: {  	v16 =	vor.u32 $0x16, v3;
	v11 =	vld.idx.msk [tilespmem:v11+s19+$0x0], $0xffff  }
0x3b: {  	v17 =	vld.idx.msk [tilespmem:v12+s12+$0x0], $0xffff  }
0x3c: {  	v18 =	vor.u32 $0x10, v3;
	v12 =	vld.idx.msk [tilespmem:v12+s19+$0x0], $0xffff  }
0x3d: {  	v19 =	vld.idx.msk [tilespmem:v14+s12+$0x0], $0xffff  }
0x3e: {  	v20 =	vor.u32 $0x11, v3;
	v14 =	vld.idx.msk [tilespmem:v14+s19+$0x0], $0xffff  }
0x3f: {  	v21 =	vld.idx.msk [tilespmem:v16+s12+$0x0], $0xffff  }
0x40: {  	v22 =	vor.u32 $0x12, v3;
	v16 =	vld.idx.msk [tilespmem:v16+s19+$0x0], $0xffff  }
0x41: {  	v23 =	vld.idx.msk [tilespmem:v18+s12+$0x0], $0xffff  }
0x42: {  	v24 =	vor.u32 $0xC, v3;
	v18 =	vld.idx.msk [tilespmem:v18+s19+$0x0], $0xffff  }
0x43: {  	v25 =	vld.idx.msk [tilespmem:v20+s12+$0x0], $0xffff  }
0x44: {  	v26 =	vor.u32 $0xD, v3;
	v20 =	vld.idx.msk [tilespmem:v20+s19+$0x0], $0xffff  }
0x45: {  	v27 =	vld.idx.msk [tilespmem:v22+s12+$0x0], $0xffff  }
0x46: {  	v28 =	vor.u32 $0xE, v3;
	v22 =	vld.idx.msk [tilespmem:v22+s19+$0x0], $0xffff  }
0x47: {  	v29 =	vld.idx.msk [tilespmem:v24+s12+$0x0], $0xffff  }
0x48: {  	v30 =	vor.u32 $0x8, v3;
	v24 =	vld.idx.msk [tilespmem:v24+s19+$0x0], $0xffff  }
0x49: {  	v31 =	vld.idx.msk [tilespmem:v26+s12+$0x0], $0xffff  }
0x4a: {  	v32 =	vor.u32 $0x9, v3;
	v26 =	vld.idx.msk [tilespmem:v26+s19+$0x0], $0xffff  }
0x4b: {  	v33 =	vld.idx.msk [tilespmem:v28+s12+$0x0], $0xffff  }
0x4c: {  	v34 =	vor.u32 $0xA, v3;
	v28 =	vld.idx.msk [tilespmem:v28+s19+$0x0], $0xffff  }
0x4d: {  	v35 =	vld.idx.msk [tilespmem:v30+s12+$0x0], $0xffff  }
0x4e: {  	v36 =	vor.u32 $0x4, v3;
	v30 =	vld.idx.msk [tilespmem:v30+s19+$0x0], $0xffff  }
0x4f: {  	v37 =	vld.idx.msk [tilespmem:v32+s12+$0x0], $0xffff  }
0x50: {  	v38 =	vor.u32 $0x5, v3;
	v32 =	vld.idx.msk [tilespmem:v32+s19+$0x0], $0xffff  }
0x51: {  	v39 =	vld.idx.msk [tilespmem:v34+s12+$0x0], $0xffff  }
0x52: {  	v40 =	vor.u32 $0x6, v3;
	v34 =	vld.idx.msk [tilespmem:v34+s19+$0x0], $0xffff  }
0x53: {  	v41 =	vld.idx.msk [tilespmem:v36+s12+$0x0], $0xffff  }
0x54: {  	v36 =	vld.idx.msk [tilespmem:v36+s19+$0x0], $0xffff  }
0x55: {  	v42 =	vld.idx.msk [tilespmem:v38+s12+$0x0], $0xffff  }
0x56: {  	v43 =	vor.u32 $0x1, v3;
	v38 =	vld.idx.msk [tilespmem:v38+s19+$0x0], $0xffff  }
0x57: {  	v44 =	vld.idx.msk [tilespmem:v40+s12+$0x0], $0xffff  }
0x58: {  	v45 =	vor.u32 $0x2, v3;
	v40 =	vld.idx.msk [tilespmem:v40+s19+$0x0], $0xffff  }
0x59: {  	v46 =	vld.idx.msk [tilespmem:v3+s19+$0x0], $0xffff  }
0x5a: {  	v48 =	vor.u32 $0x3, v3;
	v47 =	vld.idx.msk [tilespmem:v3+s12+$0x0], $0xffff  }
0x5b: {  	v49 =	vld.idx.msk [tilespmem:v43+s12+$0x0], $0xffff  }
0x5c: {  	v50 =	vor.u32 $0x7, v3;
	v43 =	vld.idx.msk [tilespmem:v43+s19+$0x0], $0xffff  }
0x5d: {  	v51 =	vld.idx.msk [tilespmem:v45+s12+$0x0], $0xffff;
	v5 =	vmul.f32 v7, v5;
	v7 =	vmul.f32 v10, v8  }
0x5e: {  	v8 =	vld.idx.msk [tilespmem:v45+s19+$0x0], $0xffff;
	v10 =	vor.u32 $0xB, v3;
	v4 =	vmul.f32 v6, v4;
	v6 =	vmul.f32 v9, v13  }
0x5f: {  	v9 =	vld.idx.msk [tilespmem:v48+s12+$0x0], $0xffff;
	v12 =	vmul.f32 v12, v17;
	v13 =	vmul.f32 v14, v19  }
0x60: {  	v14 =	vld.idx.msk [tilespmem:v48+s19+$0x0], $0xffff;
	v17 =	vor.u32 $0xF, v3;
	v18 =	vmul.f32 v18, v23;
	v19 =	vmul.f32 v20, v25  }
0x61: {  	v20 =	vld.idx.msk [tilespmem:v50+s12+$0x0], $0xffff;
	v23 =	vmul.f32 v24, v29;
	v24 =	vmul.f32 v26, v31  }
0x62: {  	v25 =	vld.idx.msk [tilespmem:v50+s19+$0x0], $0xffff;
	v26 =	vor.u32 $0x13, v3;
	v29 =	vmul.f32 v30, v35;
	v30 =	vmul.f32 v32, v37  }
0x63: {  	v52 =	vor.u32 $0x1F, v3;
	v62 =	vmul.f32 v36, v41;
	v63 =	vmul.f32 v38, v42;
	v31 =	vld.idx.msk [tilespmem:v10+s12+$0x0], $0xffff  }
0x64: {  	v45 =	vor.u32 $0x17, v3;
	v48 =	vmul.f32 v46, v47;
	v50 =	vmul.f32 v43, v49;
	v10 =	vld.idx.msk [tilespmem:v10+s19+$0x0], $0xffff  }
0x65: {  	v3 =	vor.u32 $0x1B, v3;
	v53 =	vld.idx.msk [tilespmem:v17+s12+$0x0], $0xffff;
	v8 =	vmul.f32 v8, v51;
	v9 =	vmul.f32 v14, v9  }
0x66: {  	v55 =	vmul.f32 v40, v44;
	v54 =	vadd.f32 $0.0e+00, v50;
	v14 =	vld.idx.msk [tilespmem:v17+s19+$0x0], $0xffff;
	v17 =	vadd.f32 $0.0e+00, v48  }
0x67: {  	v56 =	vld.idx.msk [tilespmem:v26+s12+$0x0], $0xffff;
	v20 =	vmul.f32 v25, v20;
	v8 =	vadd.f32 $0.0e+00, v8;
	v9 =	vadd.f32 $0.0e+00, v9  }
0x68: {  	v57 =	vmul.f32 v34, v39;
	v25 =	vld.idx.msk [tilespmem:v26+s19+$0x0], $0xffff;
	v26 =	vadd.f32 v63, v54;
	v17 =	vadd.f32 v62, v17  }
0x69: {  	v58 =	vld.idx.msk [tilespmem:v45+s12+$0x0], $0xffff;
	v8 =	vadd.f32 v55, v8;
	v9 =	vadd.f32 v20, v9;
	v10 =	vmul.f32 v10, v31  }
0x6a: {  	v28 =	vmul.f32 v28, v33;
	v26 =	vadd.f32 v30, v26;
	v20 =	vld.idx.msk [tilespmem:v45+s19+$0x0], $0xffff;
	v17 =	vadd.f32 v29, v17  }
0x6b: {  	v29 =	vld.idx.msk [tilespmem:v3+s12+$0x0], $0xffff;
	v8 =	vadd.f32 v57, v8;
	v9 =	vadd.f32 v10, v9;
	v10 =	vmul.f32 v14, v53  }
0x6c: {  	v22 =	vmul.f32 v22, v27;
	v3 =	vld.idx.msk [tilespmem:v3+s19+$0x0], $0xffff;
	v14 =	vadd.f32 v23, v17;
	v17 =	vadd.f32 v24, v26  }
0x6d: {  	v23 =	vld.idx.msk [tilespmem:v52+s12+$0x0], $0xffff;
	v8 =	vadd.f32 v28, v8;
	v9 =	vadd.f32 v10, v9;
	v10 =	vmul.f32 v25, v56  }
0x6e: {  	v16 =	vmul.f32 v16, v21;
	v24 =	vld.idx.msk [tilespmem:v52+s19+$0x0], $0xffff;
	v14 =	vadd.f32 v18, v14;
	v17 =	vadd.f32 v19, v17  }
0x6f: {  	v8 =	vadd.f32 v22, v8;
	v9 =	vadd.f32 v10, v9;
	v10 =	vmul.f32 v20, v58  }
0x70: {  	v11 =	vmul.f32 v11, v15;
	v12 =	vadd.f32 v12, v14;
	v13 =	vadd.f32 v13, v17  }
0x71: {  	v3 =	vmul.f32 v3, v29;
	v8 =	vadd.f32 v16, v8;
	v9 =	vadd.f32 v10, v9  }
0x72: {  	v1 =	vmul.f32 v2, v1;
	v4 =	vadd.f32 v4, v12;
	v6 =	vadd.f32 v6, v13  }
0x73: {  	v2 =	vadd.f32 v11, v8;
	v8 =	vmul.f32 v24, v23;
	v3 =	vadd.f32 v3, v9  }
0x74: {  	v4 =	vadd.f32 v5, v4;
	v5 =	vadd.f32 v7, v6  }
0x75: {  	v1 =	vadd.f32 v1, v2;
	v2 =	vadd.f32 v8, v3;
	_ =	sdelay $0x1  }
0x76: {  	v3 =	vadd.f32 v5, v4;
	v1 =	vadd.f32 v2, v1;
	_ =	sdelay $0x1  }
0x77: {  	v1 =	vadd.f32 v1, v3;
	_ =	sdelay $0x1  }
0x78: {  	v1 =	vsub.f32 $0.0e+00, v1;
	_ =	sdelay $0x1  }
0x79: {  	v1 =	vmul.f32 $1.442695020e+00, v1;
	_ =	sdelay $0x1  }
0x7a: {  	(erf) = vpow2.f32 v1;
	_ =	sdelay $0x8  }
0x7b: {  	v1 =	vpop (erf)  }
0x7c: {  	v1 =	vadd.f32 $1.000000000e+00, v1;
	_ =	sdelay $0x1  }
0x7d: {  	(erf) = vrcp.f32 v1;
	_ =	sdelay $0x1  }
0x7e: {  	s20 =	simm.s32 $0x10  }
0x7f: {  	v1 =	vmov s20  }
0x80: {  	v1 =	vshll.u32 v1, $0x5  }
0x81: {  	v5 =	vor.u32 v0, v1  }
0x82: {  	v1 =	vor.u32 $0x1C, v5;
	_ =	sdelay $0x1  }
0x83: {  	v2 =	vor.u32 $0x1D, v5  }
0x84: {  	v3 =	vpop (erf)  }
0x85: {  	v4 =	vor.u32 $0x1E, v5;
	[tilespmem:s14+$0x0] =	vst v3  }
0x86: {  	v11 =	vld.idx.msk [tilespmem:v1+s12+$0x0], $0xffff  }
0x87: {  	v6 =	vor.u32 $0x19, v5;
	v13 =	vld.idx.msk [tilespmem:v1+s19+$0x0], $0xffff  }
0x88: {  	v14 =	vld.idx.msk [tilespmem:v2+s12+$0x0], $0xffff  }
0x89: {  	v7 =	vor.u32 $0x1A, v5;
	v15 =	vld.idx.msk [tilespmem:v2+s19+$0x0], $0xffff  }
0x8a: {  	v8 =	vor.u32 $0x14, v5;
	v1 =	vld.idx.msk [tilespmem:v4+s12+$0x0], $0xffff  }
0x8b: {  	v2 =	vld.idx.msk [tilespmem:v4+s19+$0x0], $0xffff  }
0x8c: {  	v9 =	vor.u32 $0x15, v5;
	v18 =	vld.idx.msk [tilespmem:v6+s12+$0x0], $0xffff  }
0x8d: {  	v19 =	vld.idx.msk [tilespmem:v6+s19+$0x0], $0xffff  }
0x8e: {  	v10 =	vor.u32 $0x16, v5;
	v4 =	vld.idx.msk [tilespmem:v7+s19+$0x0], $0xffff  }
0x8f: {  	v12 =	vor.u32 $0x10, v5;
	v20 =	vld.idx.msk [tilespmem:v8+s12+$0x0], $0xffff  }
0x90: {  	v21 =	vld.idx.msk [tilespmem:v8+s19+$0x0], $0xffff  }
0x91: {  	v25 =	vor.u32 $0x8, v5;
	v22 =	vld.idx.msk [tilespmem:v9+s12+$0x0], $0xffff  }
0x92: {  	v24 =	vld.idx.msk [tilespmem:v9+s19+$0x0], $0xffff  }
0x93: {  	v59 =	vor.u32 $0x9, v5;
	v6 =	vld.idx.msk [tilespmem:v10+s12+$0x0], $0xffff  }
0x94: {  	v26 =	vld.idx.msk [tilespmem:v12+s12+$0x0], $0xffff  }
0x95: {  	v60 =	vor.u32 $0xA, v5;
	v27 =	vld.idx.msk [tilespmem:v12+s19+$0x0], $0xffff  }
0x96: {  	v61 =	vor.u32 $0x4, v5;
	v35 =	vld.idx.msk [tilespmem:v25+s12+$0x0], $0xffff  }
0x97: {  	v36 =	vld.idx.msk [tilespmem:v25+s19+$0x0], $0xffff  }
0x98: {  	v62 =	vor.u32 $0x5, v5;
	v38 =	vld.idx.msk [tilespmem:v59+s12+$0x0], $0xffff  }
0x99: {  	v39 =	vld.idx.msk [tilespmem:v59+s19+$0x0], $0xffff  }
0x9a: {  	v63 =	vor.u32 $0x6, v5;
	v25 =	vld.idx.msk [tilespmem:v60+s19+$0x0], $0xffff  }
0x9b: {  	v40 =	vld.idx.msk [tilespmem:v61+s12+$0x0], $0xffff  }
0x9c: {  	v3 =	vor.u32 $0x18, v5;
	v41 =	vld.idx.msk [tilespmem:v61+s19+$0x0], $0xffff  }
0x9d: {  	v42 =	vld.idx.msk [tilespmem:v62+s12+$0x0], $0xffff  }
0x9e: {  	v43 =	vld.idx.msk [tilespmem:v62+s19+$0x0], $0xffff  }
0x9f: {  	v34 =	vld.idx.msk [tilespmem:v63+s12+$0x0], $0xffff  }
0xa0: {  	v8 =	vor.u32 $0x11, v5;
	v37 =	vld.idx.msk [tilespmem:v63+s19+$0x0], $0xffff  }
0xa1: {  	v16 =	vld.idx.msk [tilespmem:v3+s12+$0x0], $0xffff  }
0xa2: {  	v9 =	vor.u32 $0x12, v5;
	v17 =	vld.idx.msk [tilespmem:v3+s19+$0x0], $0xffff  }
0xa3: {  	v3 =	vld.idx.msk [tilespmem:v7+s12+$0x0], $0xffff  }
0xa4: {  	v12 =	vor.u32 $0xD, v5;
	v7 =	vld.idx.msk [tilespmem:v10+s19+$0x0], $0xffff  }
0xa5: {  	v28 =	vld.idx.msk [tilespmem:v8+s12+$0x0], $0xffff  }
0xa6: {  	v23 =	vor.u32 $0xE, v5;
	v29 =	vld.idx.msk [tilespmem:v8+s19+$0x0], $0xffff  }
0xa7: {  	v10 =	vor.u32 $0xC, v5;
	v8 =	vld.idx.msk [tilespmem:v9+s12+$0x0], $0xffff  }
0xa8: {  	v9 =	vld.idx.msk [tilespmem:v9+s19+$0x0], $0xffff  }
0xa9: {  	v32 =	vld.idx.msk [tilespmem:v12+s12+$0x0], $0xffff  }
0xaa: {  	v33 =	vld.idx.msk [tilespmem:v12+s19+$0x0], $0xffff  }
0xab: {  	v12 =	vld.idx.msk [tilespmem:v23+s19+$0x0], $0xffff  }
0xac: {  	v30 =	vld.idx.msk [tilespmem:v10+s12+$0x0], $0xffff  }
0xad: {  	v45 =	vor.u32 $0x1, v5;
	v31 =	vld.idx.msk [tilespmem:v10+s19+$0x0], $0xffff  }
0xae: {  	v10 =	vld.idx.msk [tilespmem:v23+s12+$0x0], $0xffff  }
0xaf: {  	s17 =	simm.s32 $0x8400;
	s20 =	simm.s32 $0x20;
	v44 =	vor.u32 $0x2, v5;
	v23 =	vld.idx.msk [tilespmem:v60+s12+$0x0], $0xffff  }
.LBB2_2:
0xb0: {  	p0 =	sne.s32 s20, $0x70;
	v46 =	vld.idx.msk [tilespmem:v5+s19+$0x0], $0xffff  }
0xb1: {  	v48 =	vor.u32 $0x3, v5;
	v47 =	vld.idx.msk [tilespmem:v5+s12+$0x0], $0xffff  }
0xb2: {  	v49 =	vld.idx.msk [tilespmem:v45+s12+$0x0], $0xffff  }
0xb3: {  	v50 =	vor.u32 $0x7, v5;
	v45 =	vld.idx.msk [tilespmem:v45+s19+$0x0], $0xffff  }
0xb4: {  	v51 =	vld.idx.msk [tilespmem:v44+s12+$0x0], $0xffff  }
0xb5: {  	v52 =	vor.u32 $0xB, v5;
	v11 =	vmul.f32 v13, v11;
	v13 =	vmul.f32 v15, v14;
	v44 =	vld.idx.msk [tilespmem:v44+s19+$0x0], $0xffff  }
0xb6: {  	v15 =	vmul.f32 v17, v16;
	v16 =	vmul.f32 v19, v18;
	v14 =	vld.idx.msk [tilespmem:v48+s12+$0x0], $0xffff  }
0xb7: {  	v18 =	vor.u32 $0xF, v5;
	v19 =	vmul.f32 v21, v20;
	v20 =	vmul.f32 v24, v22;
	v17 =	vld.idx.msk [tilespmem:v48+s19+$0x0], $0xffff  }
0xb8: {  	v22 =	vmul.f32 v27, v26;
	v24 =	vmul.f32 v29, v28;
	v21 =	vld.idx.msk [tilespmem:v50+s12+$0x0], $0xffff  }
0xb9: {  	v27 =	vmul.f32 v31, v30;
	v28 =	vmul.f32 v33, v32;
	v29 =	vor.u32 $0x13, v5;
	v26 =	vld.idx.msk [tilespmem:v50+s19+$0x0], $0xffff  }
0xba: {  	v30 =	vmul.f32 v36, v35;
	v31 =	vmul.f32 v39, v38;
	v32 =	vld.idx.msk [tilespmem:v52+s12+$0x0], $0xffff  }
0xbb: {  	v33 =	vmul.f32 v41, v40;
	v38 =	vor.u32 $0x17, v5;
	v35 =	vmul.f32 v43, v42;
	v36 =	vld.idx.msk [tilespmem:v52+s19+$0x0], $0xffff  }
0xbc: {  	v42 =	vor.u32 $0x1F, v5;
	v39 =	vmul.f32 v46, v47;
	v40 =	vmul.f32 v45, v49;
	v41 =	vld.idx.msk [tilespmem:v18+s12+$0x0], $0xffff  }
0xbd: {  	v5 =	vor.u32 $0x1B, v5;
	v43 =	vmul.f32 v44, v51;
	v14 =	vmul.f32 v17, v14;
	v17 =	vld.idx.msk [tilespmem:v18+s19+$0x0], $0xffff  }
0xbe: {  	v34 =	vmul.f32 v37, v34;
	v18 =	vadd.f32 $0.0e+00, v39;
	v39 =	vadd.f32 $0.0e+00, v40;
	v37 =	vld.idx.msk [tilespmem:v29+s12+$0x0], $0xffff  }
0xbf: {  	v40 =	vadd.f32 $0.0e+00, v43;
	v14 =	vadd.f32 $0.0e+00, v14;
	v21 =	vmul.f32 v26, v21;
	v26 =	vld.idx.msk [tilespmem:v29+s19+$0x0], $0xffff  }
0xc0: {  	v23 =	vmul.f32 v25, v23;
	v18 =	vadd.f32 v33, v18;
	v29 =	vadd.f32 v35, v39;
	v25 =	vld.idx.msk [tilespmem:v38+s12+$0x0], $0xffff  }
0xc1: {  	v33 =	vadd.f32 v34, v40;
	v14 =	vadd.f32 v21, v14;
	v21 =	vmul.f32 v36, v32;
	v32 =	vld.idx.msk [tilespmem:v38+s19+$0x0], $0xffff  }
0xc2: {  	v10 =	vmul.f32 v12, v10;
	v18 =	vadd.f32 v30, v18;
	v29 =	vadd.f32 v31, v29;
	v12 =	vld.idx.msk [tilespmem:v5+s12+$0x0], $0xffff  }
0xc3: {  	v23 =	vadd.f32 v23, v33;
	v14 =	vadd.f32 v21, v14;
	v17 =	vmul.f32 v17, v41;
	v5 =	vld.idx.msk [tilespmem:v5+s19+$0x0], $0xffff  }
0xc4: {  	v8 =	vmul.f32 v9, v8;
	v18 =	vadd.f32 v27, v18;
	v21 =	vadd.f32 v28, v29;
	v9 =	vld.idx.msk [tilespmem:v42+s12+$0x0], $0xffff  }
0xc5: {  	v10 =	vadd.f32 v10, v23;
	v14 =	vadd.f32 v17, v14;
	v17 =	vmul.f32 v26, v37;
	v23 =	vld.idx.msk [tilespmem:v42+s19+$0x0], $0xffff  }
0xc6: {  	v6 =	vmul.f32 v7, v6;
	v18 =	vadd.f32 v22, v18;
	v21 =	vadd.f32 v24, v21  }
0xc7: {  	v7 =	vadd.f32 v8, v10;
	v8 =	vadd.f32 v17, v14;
	v10 =	vmul.f32 v32, v25  }
0xc8: {  	v3 =	vmul.f32 v4, v3;
	v14 =	vadd.f32 v19, v18;
	v17 =	vadd.f32 v20, v21  }
0xc9: {  	v4 =	vadd.f32 v6, v7;
	v6 =	vadd.f32 v10, v8;
	v5 =	vmul.f32 v5, v12  }
0xca: {  	v1 =	vmul.f32 v2, v1;
	v7 =	vadd.f32 v15, v14;
	v8 =	vadd.f32 v16, v17  }
0xcb: {  	v2 =	vadd.f32 v3, v4;
	v3 =	vadd.f32 v5, v6;
	v4 =	vmul.f32 v23, v9  }
0xcc: {  	v5 =	vadd.f32 v11, v7;
	v6 =	vadd.f32 v13, v8  }
0xcd: {  	v1 =	vadd.f32 v1, v2;
	v2 =	vadd.f32 v4, v3;
	_ =	sdelay $0x1  }
0xce: {  	v3 =	vadd.f32 v6, v5;
	v1 =	vadd.f32 v2, v1;
	_ =	sdelay $0x1  }
0xcf: {  	v1 =	vadd.f32 v1, v3;
	_ =	sdelay $0x1  }
0xd0: {  	v1 =	vsub.f32 $0.0e+00, v1;
	_ =	sdelay $0x1  }
0xd1: {  	v1 =	vmul.f32 $1.442695020e+00, v1;
	_ =	sdelay $0x1  }
0xd2: {  	(erf) = vpow2.f32 v1;
	_ =	sdelay $0x8  }
0xd3: {  	v1 =	vpop (erf)  }
0xd4: {  	v1 =	vadd.f32 $1.000000000e+00, v1;
	_ =	sdelay $0x1  }
0xd5: {  	(erf) = vrcp.f32 v1;
	_ =	sdelay $0x2  }
0xd6: {  	v1 =	vmov s20  }
0xd7: {  	v1 =	vshll.u32 v1, $0x5  }
0xd8: {  	v5 =	vor.u32 v0, v1  }
0xd9: {  	v1 =	vor.u32 $0x1C, v5;
	_ =	sdelay $0x1  }
0xda: {  	v2 =	vor.u32 $0x1D, v5  }
0xdb: {  	s17 =	sadd.s32 $0x10, s17;
	v3 =	vpop (erf)  }
0xdc: {  	v4 =	vor.u32 $0x1E, v5;
	[tilespmem:s17+$0x0] =	vst v3  }
0xdd: {  	v11 =	vld.idx.msk [tilespmem:v1+s12+$0x0], $0xffff  }
0xde: {  	v3 =	vor.u32 $0x18, v5;
	v13 =	vld.idx.msk [tilespmem:v1+s19+$0x0], $0xffff  }
0xdf: {  	v14 =	vld.idx.msk [tilespmem:v2+s12+$0x0], $0xffff  }
0xe0: {  	v6 =	vor.u32 $0x19, v5;
	v15 =	vld.idx.msk [tilespmem:v2+s19+$0x0], $0xffff  }
0xe1: {  	v1 =	vld.idx.msk [tilespmem:v4+s12+$0x0], $0xffff  }
0xe2: {  	v7 =	vor.u32 $0x1A, v5;
	v2 =	vld.idx.msk [tilespmem:v4+s19+$0x0], $0xffff  }
0xe3: {  	v16 =	vld.idx.msk [tilespmem:v3+s12+$0x0], $0xffff  }
0xe4: {  	v8 =	vor.u32 $0x14, v5;
	v17 =	vld.idx.msk [tilespmem:v3+s19+$0x0], $0xffff  }
0xe5: {  	v18 =	vld.idx.msk [tilespmem:v6+s12+$0x0], $0xffff  }
0xe6: {  	v9 =	vor.u32 $0x15, v5;
	v19 =	vld.idx.msk [tilespmem:v6+s19+$0x0], $0xffff  }
0xe7: {  	v3 =	vld.idx.msk [tilespmem:v7+s12+$0x0], $0xffff  }
0xe8: {  	v10 =	vor.u32 $0x16, v5;
	v4 =	vld.idx.msk [tilespmem:v7+s19+$0x0], $0xffff  }
0xe9: {  	v20 =	vld.idx.msk [tilespmem:v8+s12+$0x0], $0xffff  }
0xea: {  	v12 =	vor.u32 $0x10, v5;
	v21 =	vld.idx.msk [tilespmem:v8+s19+$0x0], $0xffff  }
0xeb: {  	v22 =	vld.idx.msk [tilespmem:v9+s12+$0x0], $0xffff  }
0xec: {  	v8 =	vor.u32 $0x11, v5;
	v24 =	vld.idx.msk [tilespmem:v9+s19+$0x0], $0xffff  }
0xed: {  	v6 =	vld.idx.msk [tilespmem:v10+s12+$0x0], $0xffff  }
0xee: {  	v9 =	vor.u32 $0x12, v5;
	v7 =	vld.idx.msk [tilespmem:v10+s19+$0x0], $0xffff  }
0xef: {  	v26 =	vld.idx.msk [tilespmem:v12+s12+$0x0], $0xffff  }
0xf0: {  	v10 =	vor.u32 $0xC, v5;
	v27 =	vld.idx.msk [tilespmem:v12+s19+$0x0], $0xffff  }
0xf1: {  	v28 =	vld.idx.msk [tilespmem:v8+s12+$0x0], $0xffff  }
0xf2: {  	v12 =	vor.u32 $0xD, v5;
	v29 =	vld.idx.msk [tilespmem:v8+s19+$0x0], $0xffff  }
0xf3: {  	v8 =	vld.idx.msk [tilespmem:v9+s12+$0x0], $0xffff  }
0xf4: {  	v23 =	vor.u32 $0xE, v5;
	v9 =	vld.idx.msk [tilespmem:v9+s19+$0x0], $0xffff  }
0xf5: {  	v30 =	vld.idx.msk [tilespmem:v10+s12+$0x0], $0xffff  }
0xf6: {  	v25 =	vor.u32 $0x8, v5;
	v31 =	vld.idx.msk [tilespmem:v10+s19+$0x0], $0xffff  }
0xf7: {  	v32 =	vld.idx.msk [tilespmem:v12+s12+$0x0], $0xffff  }
0xf8: {  	v34 =	vor.u32 $0x9, v5;
	v33 =	vld.idx.msk [tilespmem:v12+s19+$0x0], $0xffff  }
0xf9: {  	v10 =	vld.idx.msk [tilespmem:v23+s12+$0x0], $0xffff  }
0xfa: {  	v37 =	vor.u32 $0xA, v5;
	v12 =	vld.idx.msk [tilespmem:v23+s19+$0x0], $0xffff  }
0xfb: {  	v35 =	vld.idx.msk [tilespmem:v25+s12+$0x0], $0xffff  }
0xfc: {  	v41 =	vor.u32 $0x4, v5;
	v36 =	vld.idx.msk [tilespmem:v25+s19+$0x0], $0xffff  }
0xfd: {  	v38 =	vld.idx.msk [tilespmem:v34+s12+$0x0], $0xffff  }
0xfe: {  	v43 =	vor.u32 $0x5, v5;
	v39 =	vld.idx.msk [tilespmem:v34+s19+$0x0], $0xffff  }
0xff: {  	v23 =	vld.idx.msk [tilespmem:v37+s12+$0x0], $0xffff  }
0x100: {  	v46 =	vor.u32 $0x6, v5;
	v25 =	vld.idx.msk [tilespmem:v37+s19+$0x0], $0xffff  }
0x101: {  	v40 =	vld.idx.msk [tilespmem:v41+s12+$0x0], $0xffff  }
.Ltmp0:
0x102: {  	v41 =	vld.idx.msk [tilespmem:v41+s19+$0x0], $0xffff;
	(pc) =	sbr.rel @p0 .LBB2_2-.Ltmp0, $4  }
0x103: {  	v42 =	vld.idx.msk [tilespmem:v43+s12+$0x0], $0xffff  }
0x104: {  	v45 =	vor.u32 $0x1, v5;
	v43 =	vld.idx.msk [tilespmem:v43+s19+$0x0], $0xffff  }
0x105: {  	v34 =	vld.idx.msk [tilespmem:v46+s12+$0x0], $0xffff  }
0x106: {  	s20 =	sadd.s32 $0x10, s20;
	v44 =	vor.u32 $0x2, v5;
	v37 =	vld.idx.msk [tilespmem:v46+s19+$0x0], $0xffff  }
0x107: {  	_ =	sdelay $0x3  }
0x108: {  	v46 =	vld.idx.msk [tilespmem:v5+s19+$0x0], $0xffff  }
0x109: {  	v47 =	vld.idx.msk [tilespmem:v5+s12+$0x0], $0xffff;
	v48 =	vor.u32 $0x3, v5  }
0x10a: {  	v49 =	vld.idx.msk [tilespmem:v45+s12+$0x0], $0xffff  }
0x10b: {  	v58 =	vld.idx.msk [tilespmem:v45+s19+$0x0], $0xffff;
	v50 =	vor.u32 $0x7, v5;
	v11 =	vmul.f32 v13, v11  }
0x10c: {  	v51 =	vld.idx.msk [tilespmem:v44+s12+$0x0], $0xffff;
	v13 =	vmul.f32 v15, v14;
	v16 =	vmul.f32 v17, v16  }
0x10d: {  	v14 =	vld.idx.msk [tilespmem:v44+s19+$0x0], $0xffff;
	v15 =	vor.u32 $0xB, v5;
	v17 =	vmul.f32 v19, v18;
	v19 =	vmul.f32 v21, v20  }
0x10e: {  	v20 =	vmul.f32 v24, v22;
	v24 =	vmul.f32 v27, v26;
	v18 =	vld.idx.msk [tilespmem:v48+s12+$0x0], $0xffff  }
0x10f: {  	v22 =	vor.u32 $0xF, v5;
	v26 =	vmul.f32 v29, v28;
	v28 =	vmul.f32 v31, v30;
	v21 =	vld.idx.msk [tilespmem:v48+s19+$0x0], $0xffff  }
0x110: {  	v29 =	vmul.f32 v33, v32;
	v59 =	vmul.f32 v36, v35;
	v27 =	vld.idx.msk [tilespmem:v50+s12+$0x0], $0xffff  }
0x111: {  	v31 =	vor.u32 $0x13, v5;
	v60 =	vmul.f32 v39, v38;
	v62 =	vmul.f32 v41, v40;
	v30 =	vld.idx.msk [tilespmem:v50+s19+$0x0], $0xffff  }
0x112: {  	v63 =	vmul.f32 v43, v42;
	v34 =	vmul.f32 v37, v34;
	v61 =	vld.idx.msk [tilespmem:v15+s12+$0x0], $0xffff  }
0x113: {  	v48 =	vor.u32 $0x17, v5;
	v15 =	vld.idx.msk [tilespmem:v15+s19+$0x0], $0xffff;
	v50 =	vmul.f32 v46, v47;
	v14 =	vmul.f32 v14, v51  }
0x114: {  	v53 =	vor.u32 $0x1F, v5;
	v52 =	vmul.f32 v58, v49;
	v54 =	vld.idx.msk [tilespmem:v22+s12+$0x0], $0xffff;
	v18 =	vmul.f32 v21, v18  }
0x115: {  	v5 =	vor.u32 $0x1B, v5;
	v14 =	vadd.f32 $0.0e+00, v14;
	v21 =	vld.idx.msk [tilespmem:v22+s19+$0x0], $0xffff;
	v22 =	vadd.f32 $0.0e+00, v50  }
0x116: {  	v56 =	vld.idx.msk [tilespmem:v31+s12+$0x0], $0xffff;
	v55 =	vadd.f32 $0.0e+00, v52;
	v27 =	vmul.f32 v30, v27;
	v18 =	vadd.f32 $0.0e+00, v18  }
0x117: {  	v23 =	vmul.f32 v25, v23;
	v14 =	vadd.f32 v34, v14;
	v30 =	vld.idx.msk [tilespmem:v31+s19+$0x0], $0xffff;
	v22 =	vadd.f32 v62, v22  }
0x118: {  	v31 =	vadd.f32 v63, v55;
	v25 =	vld.idx.msk [tilespmem:v48+s12+$0x0], $0xffff;
	v15 =	vmul.f32 v15, v61;
	v18 =	vadd.f32 v27, v18  }
0x119: {  	v10 =	vmul.f32 v12, v10;
	v14 =	vadd.f32 v23, v14;
	v27 =	vld.idx.msk [tilespmem:v48+s19+$0x0], $0xffff;
	v22 =	vadd.f32 v59, v22  }
0x11a: {  	v12 =	vld.idx.msk [tilespmem:v5+s12+$0x0], $0xffff;
	v31 =	vadd.f32 v60, v31;
	v15 =	vadd.f32 v15, v18;
	v18 =	vmul.f32 v21, v54  }
0x11b: {  	v8 =	vmul.f32 v9, v8;
	v5 =	vld.idx.msk [tilespmem:v5+s19+$0x0], $0xffff;
	v10 =	vadd.f32 v10, v14;
	v21 =	vadd.f32 v28, v22  }
0x11c: {  	v9 =	vld.idx.msk [tilespmem:v53+s12+$0x0], $0xffff;
	v22 =	vadd.f32 v29, v31;
	v14 =	vadd.f32 v18, v15;
	v15 =	vmul.f32 v30, v56  }
0x11d: {  	v6 =	vmul.f32 v7, v6;
	v7 =	vadd.f32 v8, v10;
	v18 =	vld.idx.msk [tilespmem:v53+s19+$0x0], $0xffff;
	v21 =	vadd.f32 v24, v21  }
0x11e: {  	v22 =	vadd.f32 v26, v22;
	v10 =	vmul.f32 v27, v25;
	v8 =	vadd.f32 v15, v14  }
0x11f: {  	v3 =	vmul.f32 v4, v3;
	v4 =	vadd.f32 v6, v7;
	v14 =	vadd.f32 v19, v21  }
0x120: {  	v5 =	vmul.f32 v5, v12;
	v15 =	vadd.f32 v20, v22;
	v6 =	vadd.f32 v10, v8  }
0x121: {  	v1 =	vmul.f32 v2, v1;
	v2 =	vadd.f32 v3, v4;
	v7 =	vadd.f32 v16, v14  }
0x122: {  	v8 =	vadd.f32 v17, v15;
	v4 =	vmul.f32 v18, v9;
	v3 =	vadd.f32 v5, v6  }
0x123: {  	v1 =	vadd.f32 v1, v2;
	v5 =	vadd.f32 v11, v7  }
0x124: {  	v6 =	vadd.f32 v13, v8;
	v2 =	vadd.f32 v4, v3;
	_ =	sdelay $0x1  }
0x125: {  	v3 =	vadd.f32 v6, v5;
	v1 =	vadd.f32 v2, v1;
	_ =	sdelay $0x1  }
0x126: {  	v1 =	vadd.f32 v1, v3;
	_ =	sdelay $0x1  }
0x127: {  	v1 =	vsub.f32 $0.0e+00, v1;
	_ =	sdelay $0x1  }
0x128: {  	v1 =	vmul.f32 $1.442695020e+00, v1;
	_ =	sdelay $0x1  }
0x129: {  	(erf) = vpow2.f32 v1;
	_ =	sdelay $0x8  }
0x12a: {  	v1 =	vpop (erf)  }
0x12b: {  	v1 =	vadd.f32 $1.000000000e+00, v1;
	_ =	sdelay $0x1  }
0x12c: {  	(erf) = vrcp.f32 v1;
	_ =	sdelay $0x7  }
0x12d: {  	s20 =	simm.s32 $0x80  }
0x12e: {  	s17 =	sadd.s32 $0x10, s17;
	v2 =	vmov s20;
	v1 =	vpop (erf)  }
0x12f: {  	[tilespmem:s17+$0x0] =	vst v1;
	v1 =	vshll.u32 v2, $0x5  }
0x130: {  	_ =	swait.ge [sflag:s29], $0x1000;
	v3 =	vor.u32 v0, v1  }
0x131: {  	[sflag:s29] =	ssyncset.done $0x0;
	v1 =	vor.u32 $0x1C, v3  }
0x132: {  	[sflag:s29] =	ssyncadd.s32 $0xFFFFF000  }
0x133: {  	v2 =	vor.u32 $0x1D, v3;
	_ =	swait.ge [sflag:s30], $0x1000  }
0x134: {  	[sflag:s30] =	ssyncset.done $0x0  }
0x135: {  	v4 =	vor.u32 $0x1E, v3;
	[sflag:s30] =	ssyncadd.s32 $0xFFFFF000  }
0x136: {  	v5 =	vld.idx.msk [tilespmem:v1+s12+$0x0], $0xffff  }
0x137: {  	v6 =	vor.u32 $0x18, v3;
	v7 =	vld.idx.msk [tilespmem:v1+s19+$0x0], $0xffff  }
0x138: {  	v8 =	vld.idx.msk [tilespmem:v2+s12+$0x0], $0xffff  }
0x139: {  	v9 =	vor.u32 $0x19, v3;
	v10 =	vld.idx.msk [tilespmem:v2+s19+$0x0], $0xffff  }
0x13a: {  	v1 =	vld.idx.msk [tilespmem:v4+s12+$0x0], $0xffff  }
0x13b: {  	v11 =	vor.u32 $0x1A, v3;
	v2 =	vld.idx.msk [tilespmem:v4+s19+$0x0], $0xffff  }
0x13c: {  	v4 =	vld.idx.msk [tilespmem:v6+s12+$0x0], $0xffff  }
0x13d: {  	v12 =	vor.u32 $0x14, v3;
	v6 =	vld.idx.msk [tilespmem:v6+s19+$0x0], $0xffff  }
0x13e: {  	v13 =	vld.idx.msk [tilespmem:v9+s12+$0x0], $0xffff  }
0x13f: {  	v14 =	vor.u32 $0x15, v3;
	v9 =	vld.idx.msk [tilespmem:v9+s19+$0x0], $0xffff  }
0x140: {  	v15 =	vld.idx.msk [tilespmem:v11+s12+$0x0], $0xffff  }
0x141: {  	v16 =	vor.u32 $0x16, v3;
	v11 =	vld.idx.msk [tilespmem:v11+s19+$0x0], $0xffff  }
0x142: {  	v17 =	vld.idx.msk [tilespmem:v12+s12+$0x0], $0xffff  }
0x143: {  	v18 =	vor.u32 $0x10, v3;
	v12 =	vld.idx.msk [tilespmem:v12+s19+$0x0], $0xffff  }
0x144: {  	v19 =	vld.idx.msk [tilespmem:v14+s12+$0x0], $0xffff  }
0x145: {  	v20 =	vor.u32 $0x11, v3;
	v14 =	vld.idx.msk [tilespmem:v14+s19+$0x0], $0xffff  }
0x146: {  	v21 =	vld.idx.msk [tilespmem:v16+s12+$0x0], $0xffff  }
0x147: {  	v22 =	vor.u32 $0x12, v3;
	v16 =	vld.idx.msk [tilespmem:v16+s19+$0x0], $0xffff  }
0x148: {  	v23 =	vld.idx.msk [tilespmem:v18+s12+$0x0], $0xffff  }
0x149: {  	v24 =	vor.u32 $0xC, v3;
	v18 =	vld.idx.msk [tilespmem:v18+s19+$0x0], $0xffff  }
0x14a: {  	v25 =	vld.idx.msk [tilespmem:v20+s12+$0x0], $0xffff  }
0x14b: {  	v26 =	vor.u32 $0xD, v3;
	v20 =	vld.idx.msk [tilespmem:v20+s19+$0x0], $0xffff  }
0x14c: {  	v27 =	vld.idx.msk [tilespmem:v22+s12+$0x0], $0xffff  }
0x14d: {  	v28 =	vor.u32 $0xE, v3;
	v22 =	vld.idx.msk [tilespmem:v22+s19+$0x0], $0xffff  }
0x14e: {  	v29 =	vld.idx.msk [tilespmem:v24+s12+$0x0], $0xffff  }
0x14f: {  	v30 =	vor.u32 $0x8, v3;
	v24 =	vld.idx.msk [tilespmem:v24+s19+$0x0], $0xffff  }
0x150: {  	v31 =	vld.idx.msk [tilespmem:v26+s12+$0x0], $0xffff  }
0x151: {  	v57 =	vor.u32 $0x9, v3;
	v26 =	vld.idx.msk [tilespmem:v26+s19+$0x0], $0xffff  }
0x152: {  	v33 =	vld.idx.msk [tilespmem:v28+s12+$0x0], $0xffff  }
0x153: {  	v58 =	vor.u32 $0xA, v3;
	v28 =	vld.idx.msk [tilespmem:v28+s19+$0x0], $0xffff  }
0x154: {  	v35 =	vld.idx.msk [tilespmem:v30+s12+$0x0], $0xffff  }
0x155: {  	v59 =	vor.u32 $0x4, v3;
	v30 =	vld.idx.msk [tilespmem:v30+s19+$0x0], $0xffff  }
0x156: {  	v37 =	vld.idx.msk [tilespmem:v57+s12+$0x0], $0xffff  }
0x157: {  	v60 =	vor.u32 $0x5, v3;
	v32 =	vld.idx.msk [tilespmem:v57+s19+$0x0], $0xffff  }
0x158: {  	v39 =	vld.idx.msk [tilespmem:v58+s12+$0x0], $0xffff  }
0x159: {  	v61 =	vor.u32 $0x6, v3;
	v34 =	vld.idx.msk [tilespmem:v58+s19+$0x0], $0xffff  }
0x15a: {  	v62 =	vld.idx.msk [tilespmem:v59+s12+$0x0], $0xffff  }
0x15b: {  	v36 =	vld.idx.msk [tilespmem:v59+s19+$0x0], $0xffff  }
0x15c: {  	v63 =	vld.idx.msk [tilespmem:v60+s12+$0x0], $0xffff  }
0x15d: {  	v54 =	vor.u32 $0x1, v3;
	v38 =	vld.idx.msk [tilespmem:v60+s19+$0x0], $0xffff  }
0x15e: {  	v44 =	vld.idx.msk [tilespmem:v61+s12+$0x0], $0xffff  }
0x15f: {  	v55 =	vor.u32 $0x2, v3;
	v40 =	vld.idx.msk [tilespmem:v61+s19+$0x0], $0xffff  }
0x160: {  	v56 =	vld.idx.msk [tilespmem:v3+s19+$0x0], $0xffff  }
0x161: {  	v57 =	vld.idx.msk [tilespmem:v3+s12+$0x0], $0xffff;
	v58 =	vor.u32 $0x3, v3  }
0x162: {  	v59 =	vld.idx.msk [tilespmem:v54+s12+$0x0], $0xffff  }
0x163: {  	v43 =	vld.idx.msk [tilespmem:v54+s19+$0x0], $0xffff;
	v60 =	vor.u32 $0x7, v3  }
0x164: {  	v61 =	vld.idx.msk [tilespmem:v55+s12+$0x0], $0xffff;
	v5 =	vmul.f32 v7, v5;
	v7 =	vmul.f32 v10, v8  }
0x165: {  	v8 =	vld.idx.msk [tilespmem:v55+s19+$0x0], $0xffff;
	v10 =	vor.u32 $0xB, v3;
	v4 =	vmul.f32 v6, v4;
	v6 =	vmul.f32 v9, v13  }
0x166: {  	v9 =	vld.idx.msk [tilespmem:v58+s12+$0x0], $0xffff;
	v12 =	vmul.f32 v12, v17;
	v13 =	vmul.f32 v14, v19  }
0x167: {  	v14 =	vld.idx.msk [tilespmem:v58+s19+$0x0], $0xffff;
	v17 =	vor.u32 $0xF, v3;
	v18 =	vmul.f32 v18, v23;
	v19 =	vmul.f32 v20, v25  }
0x168: {  	v20 =	vld.idx.msk [tilespmem:v60+s12+$0x0], $0xffff;
	v23 =	vmul.f32 v24, v29;
	v24 =	vmul.f32 v26, v31  }
0x169: {  	v25 =	vld.idx.msk [tilespmem:v60+s19+$0x0], $0xffff;
	v26 =	vor.u32 $0x13, v3;
	v29 =	vmul.f32 v30, v35;
	v30 =	vmul.f32 v32, v37  }
0x16a: {  	v45 =	vor.u32 $0x17, v3;
	v62 =	vmul.f32 v36, v62;
	v63 =	vmul.f32 v38, v63;
	v31 =	vld.idx.msk [tilespmem:v10+s12+$0x0], $0xffff  }
0x16b: {  	v52 =	vor.u32 $0x1F, v3;
	v48 =	vmul.f32 v56, v57;
	v50 =	vmul.f32 v43, v59;
	v10 =	vld.idx.msk [tilespmem:v10+s19+$0x0], $0xffff  }
0x16c: {  	v3 =	vor.u32 $0x1B, v3;
	v53 =	vld.idx.msk [tilespmem:v17+s12+$0x0], $0xffff;
	v8 =	vmul.f32 v8, v61;
	v9 =	vmul.f32 v14, v9  }
0x16d: {  	v55 =	vmul.f32 v40, v44;
	v54 =	vadd.f32 $0.0e+00, v50;
	v14 =	vld.idx.msk [tilespmem:v17+s19+$0x0], $0xffff;
	v17 =	vadd.f32 $0.0e+00, v48  }
0x16e: {  	v56 =	vld.idx.msk [tilespmem:v26+s12+$0x0], $0xffff;
	v20 =	vmul.f32 v25, v20;
	v8 =	vadd.f32 $0.0e+00, v8;
	v9 =	vadd.f32 $0.0e+00, v9  }
0x16f: {  	v57 =	vmul.f32 v34, v39;
	v25 =	vld.idx.msk [tilespmem:v26+s19+$0x0], $0xffff;
	v26 =	vadd.f32 v63, v54;
	v17 =	vadd.f32 v62, v17  }
0x170: {  	v58 =	vld.idx.msk [tilespmem:v45+s12+$0x0], $0xffff;
	v8 =	vadd.f32 v55, v8;
	v9 =	vadd.f32 v20, v9;
	v10 =	vmul.f32 v10, v31  }
0x171: {  	v28 =	vmul.f32 v28, v33;
	v26 =	vadd.f32 v30, v26;
	v20 =	vld.idx.msk [tilespmem:v45+s19+$0x0], $0xffff;
	v17 =	vadd.f32 v29, v17  }
0x172: {  	v29 =	vld.idx.msk [tilespmem:v3+s12+$0x0], $0xffff;
	v8 =	vadd.f32 v57, v8;
	v9 =	vadd.f32 v10, v9;
	v10 =	vmul.f32 v14, v53  }
0x173: {  	v22 =	vmul.f32 v22, v27;
	v3 =	vld.idx.msk [tilespmem:v3+s19+$0x0], $0xffff;
	v14 =	vadd.f32 v23, v17;
	v17 =	vadd.f32 v24, v26  }
0x174: {  	v23 =	vld.idx.msk [tilespmem:v52+s12+$0x0], $0xffff;
	v8 =	vadd.f32 v28, v8;
	v9 =	vadd.f32 v10, v9;
	v10 =	vmul.f32 v25, v56  }
0x175: {  	v16 =	vmul.f32 v16, v21;
	v24 =	vld.idx.msk [tilespmem:v52+s19+$0x0], $0xffff;
	v14 =	vadd.f32 v18, v14;
	v17 =	vadd.f32 v19, v17  }
0x176: {  	v8 =	vadd.f32 v22, v8;
	v9 =	vadd.f32 v10, v9;
	v10 =	vmul.f32 v20, v58  }
0x177: {  	v11 =	vmul.f32 v11, v15;
	v12 =	vadd.f32 v12, v14;
	v13 =	vadd.f32 v13, v17  }
0x178: {  	v3 =	vmul.f32 v3, v29;
	v8 =	vadd.f32 v16, v8;
	v9 =	vadd.f32 v10, v9  }
0x179: {  	v1 =	vmul.f32 v2, v1;
	v4 =	vadd.f32 v4, v12;
	v6 =	vadd.f32 v6, v13  }
0x17a: {  	v2 =	vadd.f32 v11, v8;
	v8 =	vmul.f32 v24, v23;
	v3 =	vadd.f32 v3, v9  }
0x17b: {  	v4 =	vadd.f32 v5, v4;
	v5 =	vadd.f32 v7, v6  }
0x17c: {  	v1 =	vadd.f32 v1, v2;
	v2 =	vadd.f32 v8, v3;
	_ =	sdelay $0x1  }
0x17d: {  	v3 =	vadd.f32 v5, v4;
	v1 =	vadd.f32 v2, v1;
	_ =	sdelay $0x1  }
0x17e: {  	v1 =	vadd.f32 v1, v3;
	_ =	sdelay $0x1  }
0x17f: {  	v1 =	vsub.f32 $0.0e+00, v1;
	_ =	sdelay $0x1  }
0x180: {  	v1 =	vmul.f32 $1.442695020e+00, v1;
	_ =	sdelay $0x1  }
0x181: {  	(erf) = vpow2.f32 v1;
	_ =	sdelay $0x8  }
0x182: {  	v1 =	vpop (erf)  }
0x183: {  	v1 =	vadd.f32 $1.000000000e+00, v1;
	_ =	sdelay $0x1  }
0x184: {  	(erf) = vrcp.f32 v1;
	_ =	sdelay $0x1  }
0x185: {  	s20 =	simm.s32 $0x90  }
0x186: {  	v1 =	vmov s20  }
0x187: {  	v1 =	vshll.u32 v1, $0x5  }
0x188: {  	v5 =	vor.u32 v0, v1  }
0x189: {  	v1 =	vor.u32 $0x1C, v5;
	_ =	sdelay $0x1  }
0x18a: {  	v2 =	vor.u32 $0x1D, v5  }
0x18b: {  	s17 =	simm.s32 $0x8480;
	v3 =	vpop (erf)  }
0x18c: {  	v4 =	vor.u32 $0x1E, v5;
	[tilespmem:s17+$0x0] =	vst v3  }
0x18d: {  	v11 =	vld.idx.msk [tilespmem:v1+s12+$0x0], $0xffff  }
0x18e: {  	v6 =	vor.u32 $0x19, v5;
	v13 =	vld.idx.msk [tilespmem:v1+s19+$0x0], $0xffff  }
0x18f: {  	v14 =	vld.idx.msk [tilespmem:v2+s12+$0x0], $0xffff  }
0x190: {  	v7 =	vor.u32 $0x1A, v5;
	v15 =	vld.idx.msk [tilespmem:v2+s19+$0x0], $0xffff  }
0x191: {  	v8 =	vor.u32 $0x14, v5;
	v1 =	vld.idx.msk [tilespmem:v4+s12+$0x0], $0xffff  }
0x192: {  	v2 =	vld.idx.msk [tilespmem:v4+s19+$0x0], $0xffff  }
0x193: {  	v9 =	vor.u32 $0x15, v5;
	v18 =	vld.idx.msk [tilespmem:v6+s12+$0x0], $0xffff  }
0x194: {  	v19 =	vld.idx.msk [tilespmem:v6+s19+$0x0], $0xffff  }
0x195: {  	v10 =	vor.u32 $0x16, v5;
	v4 =	vld.idx.msk [tilespmem:v7+s19+$0x0], $0xffff  }
0x196: {  	v12 =	vor.u32 $0x10, v5;
	v20 =	vld.idx.msk [tilespmem:v8+s12+$0x0], $0xffff  }
0x197: {  	v21 =	vld.idx.msk [tilespmem:v8+s19+$0x0], $0xffff  }
0x198: {  	v25 =	vor.u32 $0x8, v5;
	v22 =	vld.idx.msk [tilespmem:v9+s12+$0x0], $0xffff  }
0x199: {  	v24 =	vld.idx.msk [tilespmem:v9+s19+$0x0], $0xffff  }
0x19a: {  	v59 =	vor.u32 $0x9, v5;
	v6 =	vld.idx.msk [tilespmem:v10+s12+$0x0], $0xffff  }
0x19b: {  	v26 =	vld.idx.msk [tilespmem:v12+s12+$0x0], $0xffff  }
0x19c: {  	v60 =	vor.u32 $0xA, v5;
	v27 =	vld.idx.msk [tilespmem:v12+s19+$0x0], $0xffff  }
0x19d: {  	v61 =	vor.u32 $0x4, v5;
	v35 =	vld.idx.msk [tilespmem:v25+s12+$0x0], $0xffff  }
0x19e: {  	v36 =	vld.idx.msk [tilespmem:v25+s19+$0x0], $0xffff  }
0x19f: {  	v62 =	vor.u32 $0x5, v5;
	v38 =	vld.idx.msk [tilespmem:v59+s12+$0x0], $0xffff  }
0x1a0: {  	v39 =	vld.idx.msk [tilespmem:v59+s19+$0x0], $0xffff  }
0x1a1: {  	v63 =	vor.u32 $0x6, v5;
	v25 =	vld.idx.msk [tilespmem:v60+s19+$0x0], $0xffff  }
0x1a2: {  	v40 =	vld.idx.msk [tilespmem:v61+s12+$0x0], $0xffff  }
0x1a3: {  	v3 =	vor.u32 $0x18, v5;
	v41 =	vld.idx.msk [tilespmem:v61+s19+$0x0], $0xffff  }
0x1a4: {  	v42 =	vld.idx.msk [tilespmem:v62+s12+$0x0], $0xffff  }
0x1a5: {  	v43 =	vld.idx.msk [tilespmem:v62+s19+$0x0], $0xffff  }
0x1a6: {  	v34 =	vld.idx.msk [tilespmem:v63+s12+$0x0], $0xffff  }
0x1a7: {  	v8 =	vor.u32 $0x11, v5;
	v37 =	vld.idx.msk [tilespmem:v63+s19+$0x0], $0xffff  }
0x1a8: {  	v16 =	vld.idx.msk [tilespmem:v3+s12+$0x0], $0xffff  }
0x1a9: {  	v9 =	vor.u32 $0x12, v5;
	v17 =	vld.idx.msk [tilespmem:v3+s19+$0x0], $0xffff  }
0x1aa: {  	v3 =	vld.idx.msk [tilespmem:v7+s12+$0x0], $0xffff  }
0x1ab: {  	v12 =	vor.u32 $0xD, v5;
	v7 =	vld.idx.msk [tilespmem:v10+s19+$0x0], $0xffff  }
0x1ac: {  	v28 =	vld.idx.msk [tilespmem:v8+s12+$0x0], $0xffff  }
0x1ad: {  	v23 =	vor.u32 $0xE, v5;
	v29 =	vld.idx.msk [tilespmem:v8+s19+$0x0], $0xffff  }
0x1ae: {  	v10 =	vor.u32 $0xC, v5;
	v8 =	vld.idx.msk [tilespmem:v9+s12+$0x0], $0xffff  }
0x1af: {  	v9 =	vld.idx.msk [tilespmem:v9+s19+$0x0], $0xffff  }
0x1b0: {  	v32 =	vld.idx.msk [tilespmem:v12+s12+$0x0], $0xffff  }
0x1b1: {  	v33 =	vld.idx.msk [tilespmem:v12+s19+$0x0], $0xffff  }
0x1b2: {  	v12 =	vld.idx.msk [tilespmem:v23+s19+$0x0], $0xffff  }
0x1b3: {  	v30 =	vld.idx.msk [tilespmem:v10+s12+$0x0], $0xffff  }
0x1b4: {  	v45 =	vor.u32 $0x1, v5;
	v31 =	vld.idx.msk [tilespmem:v10+s19+$0x0], $0xffff  }
0x1b5: {  	v10 =	vld.idx.msk [tilespmem:v23+s12+$0x0], $0xffff  }
0x1b6: {  	s20 =	simm.s32 $0xA0;
	v44 =	vor.u32 $0x2, v5;
	v23 =	vld.idx.msk [tilespmem:v60+s12+$0x0], $0xffff  }
.LBB2_4:
0x1b7: {  	p0 =	sne.s32 s20, $0xF0;
	v46 =	vld.idx.msk [tilespmem:v5+s19+$0x0], $0xffff  }
0x1b8: {  	v48 =	vor.u32 $0x3, v5;
	v47 =	vld.idx.msk [tilespmem:v5+s12+$0x0], $0xffff  }
0x1b9: {  	v49 =	vld.idx.msk [tilespmem:v45+s12+$0x0], $0xffff  }
0x1ba: {  	v50 =	vor.u32 $0x7, v5;
	v45 =	vld.idx.msk [tilespmem:v45+s19+$0x0], $0xffff  }
0x1bb: {  	v51 =	vld.idx.msk [tilespmem:v44+s12+$0x0], $0xffff  }
0x1bc: {  	v52 =	vor.u32 $0xB, v5;
	v11 =	vmul.f32 v13, v11;
	v13 =	vmul.f32 v15, v14;
	v44 =	vld.idx.msk [tilespmem:v44+s19+$0x0], $0xffff  }
0x1bd: {  	v15 =	vmul.f32 v17, v16;
	v16 =	vmul.f32 v19, v18;
	v14 =	vld.idx.msk [tilespmem:v48+s12+$0x0], $0xffff  }
0x1be: {  	v18 =	vor.u32 $0xF, v5;
	v19 =	vmul.f32 v21, v20;
	v20 =	vmul.f32 v24, v22;
	v17 =	vld.idx.msk [tilespmem:v48+s19+$0x0], $0xffff  }
0x1bf: {  	v22 =	vmul.f32 v27, v26;
	v24 =	vmul.f32 v29, v28;
	v21 =	vld.idx.msk [tilespmem:v50+s12+$0x0], $0xffff  }
0x1c0: {  	v27 =	vmul.f32 v31, v30;
	v28 =	vmul.f32 v33, v32;
	v29 =	vor.u32 $0x13, v5;
	v26 =	vld.idx.msk [tilespmem:v50+s19+$0x0], $0xffff  }
0x1c1: {  	v30 =	vmul.f32 v36, v35;
	v31 =	vmul.f32 v39, v38;
	v32 =	vld.idx.msk [tilespmem:v52+s12+$0x0], $0xffff  }
0x1c2: {  	v33 =	vmul.f32 v41, v40;
	v38 =	vor.u32 $0x17, v5;
	v35 =	vmul.f32 v43, v42;
	v36 =	vld.idx.msk [tilespmem:v52+s19+$0x0], $0xffff  }
0x1c3: {  	v42 =	vor.u32 $0x1F, v5;
	v39 =	vmul.f32 v46, v47;
	v40 =	vmul.f32 v45, v49;
	v41 =	vld.idx.msk [tilespmem:v18+s12+$0x0], $0xffff  }
0x1c4: {  	v5 =	vor.u32 $0x1B, v5;
	v43 =	vmul.f32 v44, v51;
	v14 =	vmul.f32 v17, v14;
	v17 =	vld.idx.msk [tilespmem:v18+s19+$0x0], $0xffff  }
0x1c5: {  	v34 =	vmul.f32 v37, v34;
	v18 =	vadd.f32 $0.0e+00, v39;
	v39 =	vadd.f32 $0.0e+00, v40;
	v37 =	vld.idx.msk [tilespmem:v29+s12+$0x0], $0xffff  }
0x1c6: {  	v40 =	vadd.f32 $0.0e+00, v43;
	v14 =	vadd.f32 $0.0e+00, v14;
	v21 =	vmul.f32 v26, v21;
	v26 =	vld.idx.msk [tilespmem:v29+s19+$0x0], $0xffff  }
0x1c7: {  	v23 =	vmul.f32 v25, v23;
	v18 =	vadd.f32 v33, v18;
	v29 =	vadd.f32 v35, v39;
	v25 =	vld.idx.msk [tilespmem:v38+s12+$0x0], $0xffff  }
0x1c8: {  	v33 =	vadd.f32 v34, v40;
	v14 =	vadd.f32 v21, v14;
	v21 =	vmul.f32 v36, v32;
	v32 =	vld.idx.msk [tilespmem:v38+s19+$0x0], $0xffff  }
0x1c9: {  	v10 =	vmul.f32 v12, v10;
	v18 =	vadd.f32 v30, v18;
	v29 =	vadd.f32 v31, v29;
	v12 =	vld.idx.msk [tilespmem:v5+s12+$0x0], $0xffff  }
0x1ca: {  	v23 =	vadd.f32 v23, v33;
	v14 =	vadd.f32 v21, v14;
	v17 =	vmul.f32 v17, v41;
	v5 =	vld.idx.msk [tilespmem:v5+s19+$0x0], $0xffff  }
0x1cb: {  	v8 =	vmul.f32 v9, v8;
	v18 =	vadd.f32 v27, v18;
	v21 =	vadd.f32 v28, v29;
	v9 =	vld.idx.msk [tilespmem:v42+s12+$0x0], $0xffff  }
0x1cc: {  	v10 =	vadd.f32 v10, v23;
	v14 =	vadd.f32 v17, v14;
	v17 =	vmul.f32 v26, v37;
	v23 =	vld.idx.msk [tilespmem:v42+s19+$0x0], $0xffff  }
0x1cd: {  	v6 =	vmul.f32 v7, v6;
	v18 =	vadd.f32 v22, v18;
	v21 =	vadd.f32 v24, v21  }
0x1ce: {  	v7 =	vadd.f32 v8, v10;
	v8 =	vadd.f32 v17, v14;
	v10 =	vmul.f32 v32, v25  }
0x1cf: {  	v3 =	vmul.f32 v4, v3;
	v14 =	vadd.f32 v19, v18;
	v17 =	vadd.f32 v20, v21  }
0x1d0: {  	v4 =	vadd.f32 v6, v7;
	v6 =	vadd.f32 v10, v8;
	v5 =	vmul.f32 v5, v12  }
0x1d1: {  	v1 =	vmul.f32 v2, v1;
	v7 =	vadd.f32 v15, v14;
	v8 =	vadd.f32 v16, v17  }
0x1d2: {  	v2 =	vadd.f32 v3, v4;
	v3 =	vadd.f32 v5, v6;
	v4 =	vmul.f32 v23, v9  }
0x1d3: {  	v5 =	vadd.f32 v11, v7;
	v6 =	vadd.f32 v13, v8  }
0x1d4: {  	v1 =	vadd.f32 v1, v2;
	v2 =	vadd.f32 v4, v3;
	_ =	sdelay $0x1  }
0x1d5: {  	v3 =	vadd.f32 v6, v5;
	v1 =	vadd.f32 v2, v1;
	_ =	sdelay $0x1  }
0x1d6: {  	v1 =	vadd.f32 v1, v3;
	_ =	sdelay $0x1  }
0x1d7: {  	v1 =	vsub.f32 $0.0e+00, v1;
	_ =	sdelay $0x1  }
0x1d8: {  	v1 =	vmul.f32 $1.442695020e+00, v1;
	_ =	sdelay $0x1  }
0x1d9: {  	(erf) = vpow2.f32 v1;
	_ =	sdelay $0x8  }
0x1da: {  	v1 =	vpop (erf)  }
0x1db: {  	v1 =	vadd.f32 $1.000000000e+00, v1;
	_ =	sdelay $0x1  }
0x1dc: {  	(erf) = vrcp.f32 v1;
	_ =	sdelay $0x2  }
0x1dd: {  	v1 =	vmov s20  }
0x1de: {  	v1 =	vshll.u32 v1, $0x5  }
0x1df: {  	v5 =	vor.u32 v0, v1  }
0x1e0: {  	v1 =	vor.u32 $0x1C, v5;
	_ =	sdelay $0x1  }
0x1e1: {  	v2 =	vor.u32 $0x1D, v5  }
0x1e2: {  	s17 =	sadd.s32 $0x10, s17;
	v3 =	vpop (erf)  }
0x1e3: {  	v4 =	vor.u32 $0x1E, v5;
	[tilespmem:s17+$0x0] =	vst v3  }
0x1e4: {  	v11 =	vld.idx.msk [tilespmem:v1+s12+$0x0], $0xffff  }
0x1e5: {  	v3 =	vor.u32 $0x18, v5;
	v13 =	vld.idx.msk [tilespmem:v1+s19+$0x0], $0xffff  }
0x1e6: {  	v14 =	vld.idx.msk [tilespmem:v2+s12+$0x0], $0xffff  }
0x1e7: {  	v6 =	vor.u32 $0x19, v5;
	v15 =	vld.idx.msk [tilespmem:v2+s19+$0x0], $0xffff  }
0x1e8: {  	v1 =	vld.idx.msk [tilespmem:v4+s12+$0x0], $0xffff  }
0x1e9: {  	v7 =	vor.u32 $0x1A, v5;
	v2 =	vld.idx.msk [tilespmem:v4+s19+$0x0], $0xffff  }
0x1ea: {  	v16 =	vld.idx.msk [tilespmem:v3+s12+$0x0], $0xffff  }
0x1eb: {  	v8 =	vor.u32 $0x14, v5;
	v17 =	vld.idx.msk [tilespmem:v3+s19+$0x0], $0xffff  }
0x1ec: {  	v18 =	vld.idx.msk [tilespmem:v6+s12+$0x0], $0xffff  }
0x1ed: {  	v9 =	vor.u32 $0x15, v5;
	v19 =	vld.idx.msk [tilespmem:v6+s19+$0x0], $0xffff  }
0x1ee: {  	v3 =	vld.idx.msk [tilespmem:v7+s12+$0x0], $0xffff  }
0x1ef: {  	v10 =	vor.u32 $0x16, v5;
	v4 =	vld.idx.msk [tilespmem:v7+s19+$0x0], $0xffff  }
0x1f0: {  	v20 =	vld.idx.msk [tilespmem:v8+s12+$0x0], $0xffff  }
0x1f1: {  	v12 =	vor.u32 $0x10, v5;
	v21 =	vld.idx.msk [tilespmem:v8+s19+$0x0], $0xffff  }
0x1f2: {  	v22 =	vld.idx.msk [tilespmem:v9+s12+$0x0], $0xffff  }
0x1f3: {  	v8 =	vor.u32 $0x11, v5;
	v24 =	vld.idx.msk [tilespmem:v9+s19+$0x0], $0xffff  }
0x1f4: {  	v6 =	vld.idx.msk [tilespmem:v10+s12+$0x0], $0xffff  }
0x1f5: {  	v9 =	vor.u32 $0x12, v5;
	v7 =	vld.idx.msk [tilespmem:v10+s19+$0x0], $0xffff  }
0x1f6: {  	v26 =	vld.idx.msk [tilespmem:v12+s12+$0x0], $0xffff  }
0x1f7: {  	v10 =	vor.u32 $0xC, v5;
	v27 =	vld.idx.msk [tilespmem:v12+s19+$0x0], $0xffff  }
0x1f8: {  	v28 =	vld.idx.msk [tilespmem:v8+s12+$0x0], $0xffff  }
0x1f9: {  	v12 =	vor.u32 $0xD, v5;
	v29 =	vld.idx.msk [tilespmem:v8+s19+$0x0], $0xffff  }
0x1fa: {  	v8 =	vld.idx.msk [tilespmem:v9+s12+$0x0], $0xffff  }
0x1fb: {  	v23 =	vor.u32 $0xE, v5;
	v9 =	vld.idx.msk [tilespmem:v9+s19+$0x0], $0xffff  }
0x1fc: {  	v30 =	vld.idx.msk [tilespmem:v10+s12+$0x0], $0xffff  }
0x1fd: {  	v25 =	vor.u32 $0x8, v5;
	v31 =	vld.idx.msk [tilespmem:v10+s19+$0x0], $0xffff  }
0x1fe: {  	v32 =	vld.idx.msk [tilespmem:v12+s12+$0x0], $0xffff  }
0x1ff: {  	v34 =	vor.u32 $0x9, v5;
	v33 =	vld.idx.msk [tilespmem:v12+s19+$0x0], $0xffff  }
0x200: {  	v10 =	vld.idx.msk [tilespmem:v23+s12+$0x0], $0xffff  }
0x201: {  	v37 =	vor.u32 $0xA, v5;
	v12 =	vld.idx.msk [tilespmem:v23+s19+$0x0], $0xffff  }
0x202: {  	v35 =	vld.idx.msk [tilespmem:v25+s12+$0x0], $0xffff  }
0x203: {  	v41 =	vor.u32 $0x4, v5;
	v36 =	vld.idx.msk [tilespmem:v25+s19+$0x0], $0xffff  }
0x204: {  	v38 =	vld.idx.msk [tilespmem:v34+s12+$0x0], $0xffff  }
0x205: {  	v43 =	vor.u32 $0x5, v5;
	v39 =	vld.idx.msk [tilespmem:v34+s19+$0x0], $0xffff  }
0x206: {  	v23 =	vld.idx.msk [tilespmem:v37+s12+$0x0], $0xffff  }
0x207: {  	v46 =	vor.u32 $0x6, v5;
	v25 =	vld.idx.msk [tilespmem:v37+s19+$0x0], $0xffff  }
0x208: {  	v40 =	vld.idx.msk [tilespmem:v41+s12+$0x0], $0xffff  }
.Ltmp1:
0x209: {  	v41 =	vld.idx.msk [tilespmem:v41+s19+$0x0], $0xffff;
	(pc) =	sbr.rel @p0 .LBB2_4-.Ltmp1, $4  }
0x20a: {  	v42 =	vld.idx.msk [tilespmem:v43+s12+$0x0], $0xffff  }
0x20b: {  	v45 =	vor.u32 $0x1, v5;
	v43 =	vld.idx.msk [tilespmem:v43+s19+$0x0], $0xffff  }
0x20c: {  	v34 =	vld.idx.msk [tilespmem:v46+s12+$0x0], $0xffff  }
0x20d: {  	s20 =	sadd.s32 $0x10, s20;
	v44 =	vor.u32 $0x2, v5;
	v37 =	vld.idx.msk [tilespmem:v46+s19+$0x0], $0xffff  }
0x20e: {  	_ =	sdelay $0x3  }
0x20f: {  	v46 =	vld.idx.msk [tilespmem:v5+s19+$0x0], $0xffff  }
0x210: {  	v47 =	vld.idx.msk [tilespmem:v5+s12+$0x0], $0xffff;
	v48 =	vor.u32 $0x3, v5  }
0x211: {  	v49 =	vld.idx.msk [tilespmem:v45+s12+$0x0], $0xffff  }
0x212: {  	v58 =	vld.idx.msk [tilespmem:v45+s19+$0x0], $0xffff;
	v50 =	vor.u32 $0x7, v5;
	v11 =	vmul.f32 v13, v11  }
0x213: {  	v51 =	vld.idx.msk [tilespmem:v44+s12+$0x0], $0xffff;
	v13 =	vmul.f32 v15, v14;
	v16 =	vmul.f32 v17, v16  }
0x214: {  	v14 =	vld.idx.msk [tilespmem:v44+s19+$0x0], $0xffff;
	v15 =	vor.u32 $0xB, v5;
	v17 =	vmul.f32 v19, v18;
	v19 =	vmul.f32 v21, v20  }
0x215: {  	v20 =	vmul.f32 v24, v22;
	v24 =	vmul.f32 v27, v26;
	v18 =	vld.idx.msk [tilespmem:v48+s12+$0x0], $0xffff  }
0x216: {  	v22 =	vor.u32 $0xF, v5;
	v26 =	vmul.f32 v29, v28;
	v28 =	vmul.f32 v31, v30;
	v21 =	vld.idx.msk [tilespmem:v48+s19+$0x0], $0xffff  }
0x217: {  	v29 =	vmul.f32 v33, v32;
	v59 =	vmul.f32 v36, v35;
	v27 =	vld.idx.msk [tilespmem:v50+s12+$0x0], $0xffff  }
0x218: {  	v31 =	vor.u32 $0x13, v5;
	v60 =	vmul.f32 v39, v38;
	v62 =	vmul.f32 v41, v40;
	v30 =	vld.idx.msk [tilespmem:v50+s19+$0x0], $0xffff  }
0x219: {  	v63 =	vmul.f32 v43, v42;
	v34 =	vmul.f32 v37, v34;
	v61 =	vld.idx.msk [tilespmem:v15+s12+$0x0], $0xffff  }
0x21a: {  	v48 =	vor.u32 $0x17, v5;
	v15 =	vld.idx.msk [tilespmem:v15+s19+$0x0], $0xffff;
	v50 =	vmul.f32 v46, v47;
	v14 =	vmul.f32 v14, v51  }
0x21b: {  	v53 =	vor.u32 $0x1F, v5;
	v52 =	vmul.f32 v58, v49;
	v54 =	vld.idx.msk [tilespmem:v22+s12+$0x0], $0xffff;
	v18 =	vmul.f32 v21, v18  }
0x21c: {  	v5 =	vor.u32 $0x1B, v5;
	v14 =	vadd.f32 $0.0e+00, v14;
	v21 =	vld.idx.msk [tilespmem:v22+s19+$0x0], $0xffff;
	v22 =	vadd.f32 $0.0e+00, v50  }
0x21d: {  	v56 =	vld.idx.msk [tilespmem:v31+s12+$0x0], $0xffff;
	v55 =	vadd.f32 $0.0e+00, v52;
	v27 =	vmul.f32 v30, v27;
	v18 =	vadd.f32 $0.0e+00, v18  }
0x21e: {  	v23 =	vmul.f32 v25, v23;
	v14 =	vadd.f32 v34, v14;
	v30 =	vld.idx.msk [tilespmem:v31+s19+$0x0], $0xffff;
	v22 =	vadd.f32 v62, v22  }
0x21f: {  	v31 =	vadd.f32 v63, v55;
	v25 =	vld.idx.msk [tilespmem:v48+s12+$0x0], $0xffff;
	v15 =	vmul.f32 v15, v61;
	v18 =	vadd.f32 v27, v18  }
0x220: {  	v10 =	vmul.f32 v12, v10;
	v14 =	vadd.f32 v23, v14;
	v27 =	vld.idx.msk [tilespmem:v48+s19+$0x0], $0xffff;
	v22 =	vadd.f32 v59, v22  }
0x221: {  	v12 =	vld.idx.msk [tilespmem:v5+s12+$0x0], $0xffff;
	v31 =	vadd.f32 v60, v31;
	v15 =	vadd.f32 v15, v18;
	v18 =	vmul.f32 v21, v54  }
0x222: {  	v8 =	vmul.f32 v9, v8;
	v5 =	vld.idx.msk [tilespmem:v5+s19+$0x0], $0xffff;
	v10 =	vadd.f32 v10, v14;
	v21 =	vadd.f32 v28, v22  }
0x223: {  	v9 =	vld.idx.msk [tilespmem:v53+s12+$0x0], $0xffff;
	v22 =	vadd.f32 v29, v31;
	v14 =	vadd.f32 v18, v15;
	v15 =	vmul.f32 v30, v56  }
0x224: {  	v6 =	vmul.f32 v7, v6;
	v7 =	vadd.f32 v8, v10;
	v18 =	vld.idx.msk [tilespmem:v53+s19+$0x0], $0xffff;
	v21 =	vadd.f32 v24, v21  }
0x225: {  	v22 =	vadd.f32 v26, v22;
	v10 =	vmul.f32 v27, v25;
	v8 =	vadd.f32 v15, v14  }
0x226: {  	v3 =	vmul.f32 v4, v3;
	v4 =	vadd.f32 v6, v7;
	v14 =	vadd.f32 v19, v21  }
0x227: {  	v5 =	vmul.f32 v5, v12;
	v15 =	vadd.f32 v20, v22;
	v6 =	vadd.f32 v10, v8  }
0x228: {  	v1 =	vmul.f32 v2, v1;
	v2 =	vadd.f32 v3, v4;
	v7 =	vadd.f32 v16, v14  }
0x229: {  	v8 =	vadd.f32 v17, v15;
	v4 =	vmul.f32 v18, v9;
	v3 =	vadd.f32 v5, v6  }
0x22a: {  	v1 =	vadd.f32 v1, v2;
	v5 =	vadd.f32 v11, v7  }
0x22b: {  	v6 =	vadd.f32 v13, v8;
	v2 =	vadd.f32 v4, v3;
	_ =	sdelay $0x1  }
0x22c: {  	v3 =	vadd.f32 v6, v5;
	v1 =	vadd.f32 v2, v1;
	_ =	sdelay $0x1  }
0x22d: {  	v1 =	vadd.f32 v1, v3;
	_ =	sdelay $0x1  }
0x22e: {  	v1 =	vsub.f32 $0.0e+00, v1;
	_ =	sdelay $0x1  }
0x22f: {  	v1 =	vmul.f32 $1.442695020e+00, v1;
	_ =	sdelay $0x1  }
0x230: {  	(erf) = vpow2.f32 v1;
	_ =	sdelay $0x8  }
0x231: {  	v1 =	vpop (erf)  }
0x232: {  	v1 =	vadd.f32 $1.000000000e+00, v1;
	_ =	sdelay $0x1  }
0x233: {  	(erf) = vrcp.f32 v1;
	_ =	sdelay $0x7  }
0x234: {  	s20 =	simm.s32 $0x100  }
0x235: {  	s17 =	sadd.s32 $0x10, s17;
	v2 =	vmov s20;
	v1 =	vpop (erf)  }
0x236: {  	[tilespmem:s17+$0x0] =	vst v1;
	v1 =	vshll.u32 v2, $0x5  }
0x237: {  	_ =	swait.ge [sflag:s31], $0x1000;
	v3 =	vor.u32 v0, v1  }
0x238: {  	[sflag:s31] =	ssyncset.done $0x0;
	v1 =	vor.u32 $0x1C, v3  }
0x239: {  	[sflag:s31] =	ssyncadd.s32 $0xFFFFF000  }
0x23a: {  	v2 =	vor.u32 $0x1D, v3;
	_ =	swait.ge [sflag:s0], $0x1000  }
0x23b: {  	[sflag:s0] =	ssyncset.done $0x0  }
0x23c: {  	v4 =	vor.u32 $0x1E, v3;
	[sflag:s0] =	ssyncadd.s32 $0xFFFFF000  }
0x23d: {  	v5 =	vld.idx.msk [tilespmem:v1+s12+$0x0], $0xffff  }
0x23e: {  	v6 =	vor.u32 $0x18, v3;
	v7 =	vld.idx.msk [tilespmem:v1+s19+$0x0], $0xffff  }
0x23f: {  	v8 =	vld.idx.msk [tilespmem:v2+s12+$0x0], $0xffff  }
0x240: {  	v9 =	vor.u32 $0x19, v3;
	v10 =	vld.idx.msk [tilespmem:v2+s19+$0x0], $0xffff  }
0x241: {  	v1 =	vld.idx.msk [tilespmem:v4+s12+$0x0], $0xffff  }
0x242: {  	v11 =	vor.u32 $0x1A, v3;
	v2 =	vld.idx.msk [tilespmem:v4+s19+$0x0], $0xffff  }
0x243: {  	v4 =	vld.idx.msk [tilespmem:v6+s12+$0x0], $0xffff  }
0x244: {  	v12 =	vor.u32 $0x14, v3;
	v6 =	vld.idx.msk [tilespmem:v6+s19+$0x0], $0xffff  }
0x245: {  	v13 =	vld.idx.msk [tilespmem:v9+s12+$0x0], $0xffff  }
0x246: {  	v14 =	vor.u32 $0x15, v3;
	v9 =	vld.idx.msk [tilespmem:v9+s19+$0x0], $0xffff  }
0x247: {  	v15 =	vld.idx.msk [tilespmem:v11+s12+$0x0], $0xffff  }
0x248: {  	v16 =	vor.u32 $0x16, v3;
	v11 =	vld.idx.msk [tilespmem:v11+s19+$0x0], $0xffff  }
0x249: {  	v17 =	vld.idx.msk [tilespmem:v12+s12+$0x0], $0xffff  }
0x24a: {  	v18 =	vor.u32 $0x10, v3;
	v12 =	vld.idx.msk [tilespmem:v12+s19+$0x0], $0xffff  }
0x24b: {  	v19 =	vld.idx.msk [tilespmem:v14+s12+$0x0], $0xffff  }
0x24c: {  	v20 =	vor.u32 $0x11, v3;
	v14 =	vld.idx.msk [tilespmem:v14+s19+$0x0], $0xffff  }
0x24d: {  	v21 =	vld.idx.msk [tilespmem:v16+s12+$0x0], $0xffff  }
0x24e: {  	v22 =	vor.u32 $0x12, v3;
	v16 =	vld.idx.msk [tilespmem:v16+s19+$0x0], $0xffff  }
0x24f: {  	v23 =	vld.idx.msk [tilespmem:v18+s12+$0x0], $0xffff  }
0x250: {  	v24 =	vor.u32 $0xC, v3;
	v18 =	vld.idx.msk [tilespmem:v18+s19+$0x0], $0xffff  }
0x251: {  	v25 =	vld.idx.msk [tilespmem:v20+s12+$0x0], $0xffff  }
0x252: {  	v26 =	vor.u32 $0xD, v3;
	v20 =	vld.idx.msk [tilespmem:v20+s19+$0x0], $0xffff  }
0x253: {  	v27 =	vld.idx.msk [tilespmem:v22+s12+$0x0], $0xffff  }
0x254: {  	v28 =	vor.u32 $0xE, v3;
	v22 =	vld.idx.msk [tilespmem:v22+s19+$0x0], $0xffff  }
0x255: {  	v29 =	vld.idx.msk [tilespmem:v24+s12+$0x0], $0xffff  }
0x256: {  	v30 =	vor.u32 $0x8, v3;
	v24 =	vld.idx.msk [tilespmem:v24+s19+$0x0], $0xffff  }
0x257: {  	v31 =	vld.idx.msk [tilespmem:v26+s12+$0x0], $0xffff  }
0x258: {  	v57 =	vor.u32 $0x9, v3;
	v26 =	vld.idx.msk [tilespmem:v26+s19+$0x0], $0xffff  }
0x259: {  	v33 =	vld.idx.msk [tilespmem:v28+s12+$0x0], $0xffff  }
0x25a: {  	v58 =	vor.u32 $0xA, v3;
	v28 =	vld.idx.msk [tilespmem:v28+s19+$0x0], $0xffff  }
0x25b: {  	v35 =	vld.idx.msk [tilespmem:v30+s12+$0x0], $0xffff  }
0x25c: {  	v59 =	vor.u32 $0x4, v3;
	v30 =	vld.idx.msk [tilespmem:v30+s19+$0x0], $0xffff  }
0x25d: {  	v37 =	vld.idx.msk [tilespmem:v57+s12+$0x0], $0xffff  }
0x25e: {  	v60 =	vor.u32 $0x5, v3;
	v32 =	vld.idx.msk [tilespmem:v57+s19+$0x0], $0xffff  }
0x25f: {  	v39 =	vld.idx.msk [tilespmem:v58+s12+$0x0], $0xffff  }
0x260: {  	v61 =	vor.u32 $0x6, v3;
	v34 =	vld.idx.msk [tilespmem:v58+s19+$0x0], $0xffff  }
0x261: {  	v62 =	vld.idx.msk [tilespmem:v59+s12+$0x0], $0xffff  }
0x262: {  	v36 =	vld.idx.msk [tilespmem:v59+s19+$0x0], $0xffff  }
0x263: {  	v63 =	vld.idx.msk [tilespmem:v60+s12+$0x0], $0xffff  }
0x264: {  	v54 =	vor.u32 $0x1, v3;
	v38 =	vld.idx.msk [tilespmem:v60+s19+$0x0], $0xffff  }
0x265: {  	v44 =	vld.idx.msk [tilespmem:v61+s12+$0x0], $0xffff  }
0x266: {  	v55 =	vor.u32 $0x2, v3;
	v40 =	vld.idx.msk [tilespmem:v61+s19+$0x0], $0xffff  }
0x267: {  	v56 =	vld.idx.msk [tilespmem:v3+s19+$0x0], $0xffff  }
0x268: {  	v57 =	vld.idx.msk [tilespmem:v3+s12+$0x0], $0xffff;
	v58 =	vor.u32 $0x3, v3  }
0x269: {  	v59 =	vld.idx.msk [tilespmem:v54+s12+$0x0], $0xffff  }
0x26a: {  	v43 =	vld.idx.msk [tilespmem:v54+s19+$0x0], $0xffff;
	v60 =	vor.u32 $0x7, v3  }
0x26b: {  	v61 =	vld.idx.msk [tilespmem:v55+s12+$0x0], $0xffff;
	v5 =	vmul.f32 v7, v5;
	v7 =	vmul.f32 v10, v8  }
0x26c: {  	v8 =	vld.idx.msk [tilespmem:v55+s19+$0x0], $0xffff;
	v10 =	vor.u32 $0xB, v3;
	v4 =	vmul.f32 v6, v4;
	v6 =	vmul.f32 v9, v13  }
0x26d: {  	v9 =	vld.idx.msk [tilespmem:v58+s12+$0x0], $0xffff;
	v12 =	vmul.f32 v12, v17;
	v13 =	vmul.f32 v14, v19  }
0x26e: {  	v14 =	vld.idx.msk [tilespmem:v58+s19+$0x0], $0xffff;
	v17 =	vor.u32 $0xF, v3;
	v18 =	vmul.f32 v18, v23;
	v19 =	vmul.f32 v20, v25  }
0x26f: {  	v20 =	vld.idx.msk [tilespmem:v60+s12+$0x0], $0xffff;
	v23 =	vmul.f32 v24, v29;
	v24 =	vmul.f32 v26, v31  }
0x270: {  	v25 =	vld.idx.msk [tilespmem:v60+s19+$0x0], $0xffff;
	v26 =	vor.u32 $0x13, v3;
	v29 =	vmul.f32 v30, v35;
	v30 =	vmul.f32 v32, v37  }
0x271: {  	v45 =	vor.u32 $0x17, v3;
	v62 =	vmul.f32 v36, v62;
	v63 =	vmul.f32 v38, v63;
	v31 =	vld.idx.msk [tilespmem:v10+s12+$0x0], $0xffff  }
0x272: {  	v52 =	vor.u32 $0x1F, v3;
	v48 =	vmul.f32 v56, v57;
	v50 =	vmul.f32 v43, v59;
	v10 =	vld.idx.msk [tilespmem:v10+s19+$0x0], $0xffff  }
0x273: {  	v3 =	vor.u32 $0x1B, v3;
	v53 =	vld.idx.msk [tilespmem:v17+s12+$0x0], $0xffff;
	v8 =	vmul.f32 v8, v61;
	v9 =	vmul.f32 v14, v9  }
0x274: {  	v55 =	vmul.f32 v40, v44;
	v54 =	vadd.f32 $0.0e+00, v50;
	v14 =	vld.idx.msk [tilespmem:v17+s19+$0x0], $0xffff;
	v17 =	vadd.f32 $0.0e+00, v48  }
0x275: {  	v56 =	vld.idx.msk [tilespmem:v26+s12+$0x0], $0xffff;
	v20 =	vmul.f32 v25, v20;
	v8 =	vadd.f32 $0.0e+00, v8;
	v9 =	vadd.f32 $0.0e+00, v9  }
0x276: {  	v57 =	vmul.f32 v34, v39;
	v25 =	vld.idx.msk [tilespmem:v26+s19+$0x0], $0xffff;
	v26 =	vadd.f32 v63, v54;
	v17 =	vadd.f32 v62, v17  }
0x277: {  	v58 =	vld.idx.msk [tilespmem:v45+s12+$0x0], $0xffff;
	v8 =	vadd.f32 v55, v8;
	v9 =	vadd.f32 v20, v9;
	v10 =	vmul.f32 v10, v31  }
0x278: {  	v28 =	vmul.f32 v28, v33;
	v26 =	vadd.f32 v30, v26;
	v20 =	vld.idx.msk [tilespmem:v45+s19+$0x0], $0xffff;
	v17 =	vadd.f32 v29, v17  }
0x279: {  	v29 =	vld.idx.msk [tilespmem:v3+s12+$0x0], $0xffff;
	v8 =	vadd.f32 v57, v8;
	v9 =	vadd.f32 v10, v9;
	v10 =	vmul.f32 v14, v53  }
0x27a: {  	v22 =	vmul.f32 v22, v27;
	v3 =	vld.idx.msk [tilespmem:v3+s19+$0x0], $0xffff;
	v14 =	vadd.f32 v23, v17;
	v17 =	vadd.f32 v24, v26  }
0x27b: {  	v23 =	vld.idx.msk [tilespmem:v52+s12+$0x0], $0xffff;
	v8 =	vadd.f32 v28, v8;
	v9 =	vadd.f32 v10, v9;
	v10 =	vmul.f32 v25, v56  }
0x27c: {  	v16 =	vmul.f32 v16, v21;
	v24 =	vld.idx.msk [tilespmem:v52+s19+$0x0], $0xffff;
	v14 =	vadd.f32 v18, v14;
	v17 =	vadd.f32 v19, v17  }
0x27d: {  	v8 =	vadd.f32 v22, v8;
	v9 =	vadd.f32 v10, v9;
	v10 =	vmul.f32 v20, v58  }
0x27e: {  	v11 =	vmul.f32 v11, v15;
	v12 =	vadd.f32 v12, v14;
	v13 =	vadd.f32 v13, v17  }
0x27f: {  	v3 =	vmul.f32 v3, v29;
	v8 =	vadd.f32 v16, v8;
	v9 =	vadd.f32 v10, v9  }
0x280: {  	v1 =	vmul.f32 v2, v1;
	v4 =	vadd.f32 v4, v12;
	v6 =	vadd.f32 v6, v13  }
0x281: {  	v2 =	vadd.f32 v11, v8;
	v8 =	vmul.f32 v24, v23;
	v3 =	vadd.f32 v3, v9  }
0x282: {  	v4 =	vadd.f32 v5, v4;
	v5 =	vadd.f32 v7, v6  }
0x283: {  	v1 =	vadd.f32 v1, v2;
	v2 =	vadd.f32 v8, v3;
	_ =	sdelay $0x1  }
0x284: {  	v3 =	vadd.f32 v5, v4;
	v1 =	vadd.f32 v2, v1;
	_ =	sdelay $0x1  }
0x285: {  	v1 =	vadd.f32 v1, v3;
	_ =	sdelay $0x1  }
0x286: {  	v1 =	vsub.f32 $0.0e+00, v1;
	_ =	sdelay $0x1  }
0x287: {  	v1 =	vmul.f32 $1.442695020e+00, v1;
	_ =	sdelay $0x1  }
0x288: {  	(erf) = vpow2.f32 v1;
	_ =	sdelay $0x8  }
0x289: {  	v1 =	vpop (erf)  }
0x28a: {  	v1 =	vadd.f32 $1.000000000e+00, v1;
	_ =	sdelay $0x1  }
0x28b: {  	(erf) = vrcp.f32 v1;
	_ =	sdelay $0x1  }
0x28c: {  	s20 =	simm.s32 $0x110  }
0x28d: {  	v1 =	vmov s20  }
0x28e: {  	v1 =	vshll.u32 v1, $0x5  }
0x28f: {  	v5 =	vor.u32 v0, v1  }
0x290: {  	v1 =	vor.u32 $0x1C, v5;
	_ =	sdelay $0x1  }
0x291: {  	v2 =	vor.u32 $0x1D, v5  }
0x292: {  	s17 =	simm.s32 $0x8500;
	v3 =	vpop (erf)  }
0x293: {  	v4 =	vor.u32 $0x1E, v5;
	[tilespmem:s17+$0x0] =	vst v3  }
0x294: {  	v11 =	vld.idx.msk [tilespmem:v1+s12+$0x0], $0xffff  }
0x295: {  	v6 =	vor.u32 $0x19, v5;
	v13 =	vld.idx.msk [tilespmem:v1+s19+$0x0], $0xffff  }
0x296: {  	v14 =	vld.idx.msk [tilespmem:v2+s12+$0x0], $0xffff  }
0x297: {  	v7 =	vor.u32 $0x1A, v5;
	v15 =	vld.idx.msk [tilespmem:v2+s19+$0x0], $0xffff  }
0x298: {  	v8 =	vor.u32 $0x14, v5;
	v1 =	vld.idx.msk [tilespmem:v4+s12+$0x0], $0xffff  }
0x299: {  	v2 =	vld.idx.msk [tilespmem:v4+s19+$0x0], $0xffff  }
0x29a: {  	v9 =	vor.u32 $0x15, v5;
	v18 =	vld.idx.msk [tilespmem:v6+s12+$0x0], $0xffff  }
0x29b: {  	v19 =	vld.idx.msk [tilespmem:v6+s19+$0x0], $0xffff  }
0x29c: {  	v10 =	vor.u32 $0x16, v5;
	v4 =	vld.idx.msk [tilespmem:v7+s19+$0x0], $0xffff  }
0x29d: {  	v12 =	vor.u32 $0x10, v5;
	v20 =	vld.idx.msk [tilespmem:v8+s12+$0x0], $0xffff  }
0x29e: {  	v21 =	vld.idx.msk [tilespmem:v8+s19+$0x0], $0xffff  }
0x29f: {  	v25 =	vor.u32 $0x8, v5;
	v22 =	vld.idx.msk [tilespmem:v9+s12+$0x0], $0xffff  }
0x2a0: {  	v24 =	vld.idx.msk [tilespmem:v9+s19+$0x0], $0xffff  }
0x2a1: {  	v59 =	vor.u32 $0x9, v5;
	v6 =	vld.idx.msk [tilespmem:v10+s12+$0x0], $0xffff  }
0x2a2: {  	v26 =	vld.idx.msk [tilespmem:v12+s12+$0x0], $0xffff  }
0x2a3: {  	v60 =	vor.u32 $0xA, v5;
	v27 =	vld.idx.msk [tilespmem:v12+s19+$0x0], $0xffff  }
0x2a4: {  	v61 =	vor.u32 $0x4, v5;
	v35 =	vld.idx.msk [tilespmem:v25+s12+$0x0], $0xffff  }
0x2a5: {  	v36 =	vld.idx.msk [tilespmem:v25+s19+$0x0], $0xffff  }
0x2a6: {  	v62 =	vor.u32 $0x5, v5;
	v38 =	vld.idx.msk [tilespmem:v59+s12+$0x0], $0xffff  }
0x2a7: {  	v39 =	vld.idx.msk [tilespmem:v59+s19+$0x0], $0xffff  }
0x2a8: {  	v63 =	vor.u32 $0x6, v5;
	v25 =	vld.idx.msk [tilespmem:v60+s19+$0x0], $0xffff  }
0x2a9: {  	v40 =	vld.idx.msk [tilespmem:v61+s12+$0x0], $0xffff  }
0x2aa: {  	v3 =	vor.u32 $0x18, v5;
	v41 =	vld.idx.msk [tilespmem:v61+s19+$0x0], $0xffff  }
0x2ab: {  	v42 =	vld.idx.msk [tilespmem:v62+s12+$0x0], $0xffff  }
0x2ac: {  	v43 =	vld.idx.msk [tilespmem:v62+s19+$0x0], $0xffff  }
0x2ad: {  	v34 =	vld.idx.msk [tilespmem:v63+s12+$0x0], $0xffff  }
0x2ae: {  	v8 =	vor.u32 $0x11, v5;
	v37 =	vld.idx.msk [tilespmem:v63+s19+$0x0], $0xffff  }
0x2af: {  	v16 =	vld.idx.msk [tilespmem:v3+s12+$0x0], $0xffff  }
0x2b0: {  	v9 =	vor.u32 $0x12, v5;
	v17 =	vld.idx.msk [tilespmem:v3+s19+$0x0], $0xffff  }
0x2b1: {  	v3 =	vld.idx.msk [tilespmem:v7+s12+$0x0], $0xffff  }
0x2b2: {  	v12 =	vor.u32 $0xD, v5;
	v7 =	vld.idx.msk [tilespmem:v10+s19+$0x0], $0xffff  }
0x2b3: {  	v28 =	vld.idx.msk [tilespmem:v8+s12+$0x0], $0xffff  }
0x2b4: {  	v23 =	vor.u32 $0xE, v5;
	v29 =	vld.idx.msk [tilespmem:v8+s19+$0x0], $0xffff  }
0x2b5: {  	v10 =	vor.u32 $0xC, v5;
	v8 =	vld.idx.msk [tilespmem:v9+s12+$0x0], $0xffff  }
0x2b6: {  	v9 =	vld.idx.msk [tilespmem:v9+s19+$0x0], $0xffff  }
0x2b7: {  	v32 =	vld.idx.msk [tilespmem:v12+s12+$0x0], $0xffff  }
0x2b8: {  	v33 =	vld.idx.msk [tilespmem:v12+s19+$0x0], $0xffff  }
0x2b9: {  	v12 =	vld.idx.msk [tilespmem:v23+s19+$0x0], $0xffff  }
0x2ba: {  	v30 =	vld.idx.msk [tilespmem:v10+s12+$0x0], $0xffff  }
0x2bb: {  	v45 =	vor.u32 $0x1, v5;
	v31 =	vld.idx.msk [tilespmem:v10+s19+$0x0], $0xffff  }
0x2bc: {  	v10 =	vld.idx.msk [tilespmem:v23+s12+$0x0], $0xffff  }
0x2bd: {  	s20 =	simm.s32 $0x120;
	v44 =	vor.u32 $0x2, v5;
	v23 =	vld.idx.msk [tilespmem:v60+s12+$0x0], $0xffff  }
.LBB2_6:
0x2be: {  	p0 =	sne.s32 s20, $0x170;
	v46 =	vld.idx.msk [tilespmem:v5+s19+$0x0], $0xffff  }
0x2bf: {  	v48 =	vor.u32 $0x3, v5;
	v47 =	vld.idx.msk [tilespmem:v5+s12+$0x0], $0xffff  }
0x2c0: {  	v49 =	vld.idx.msk [tilespmem:v45+s12+$0x0], $0xffff  }
0x2c1: {  	v50 =	vor.u32 $0x7, v5;
	v45 =	vld.idx.msk [tilespmem:v45+s19+$0x0], $0xffff  }
0x2c2: {  	v51 =	vld.idx.msk [tilespmem:v44+s12+$0x0], $0xffff  }
0x2c3: {  	v52 =	vor.u32 $0xB, v5;
	v11 =	vmul.f32 v13, v11;
	v13 =	vmul.f32 v15, v14;
	v44 =	vld.idx.msk [tilespmem:v44+s19+$0x0], $0xffff  }
0x2c4: {  	v15 =	vmul.f32 v17, v16;
	v16 =	vmul.f32 v19, v18;
	v14 =	vld.idx.msk [tilespmem:v48+s12+$0x0], $0xffff  }
0x2c5: {  	v18 =	vor.u32 $0xF, v5;
	v19 =	vmul.f32 v21, v20;
	v20 =	vmul.f32 v24, v22;
	v17 =	vld.idx.msk [tilespmem:v48+s19+$0x0], $0xffff  }
0x2c6: {  	v22 =	vmul.f32 v27, v26;
	v24 =	vmul.f32 v29, v28;
	v21 =	vld.idx.msk [tilespmem:v50+s12+$0x0], $0xffff  }
0x2c7: {  	v27 =	vmul.f32 v31, v30;
	v28 =	vmul.f32 v33, v32;
	v29 =	vor.u32 $0x13, v5;
	v26 =	vld.idx.msk [tilespmem:v50+s19+$0x0], $0xffff  }
0x2c8: {  	v30 =	vmul.f32 v36, v35;
	v31 =	vmul.f32 v39, v38;
	v32 =	vld.idx.msk [tilespmem:v52+s12+$0x0], $0xffff  }
0x2c9: {  	v33 =	vmul.f32 v41, v40;
	v38 =	vor.u32 $0x17, v5;
	v35 =	vmul.f32 v43, v42;
	v36 =	vld.idx.msk [tilespmem:v52+s19+$0x0], $0xffff  }
0x2ca: {  	v42 =	vor.u32 $0x1F, v5;
	v39 =	vmul.f32 v46, v47;
	v40 =	vmul.f32 v45, v49;
	v41 =	vld.idx.msk [tilespmem:v18+s12+$0x0], $0xffff  }
0x2cb: {  	v5 =	vor.u32 $0x1B, v5;
	v43 =	vmul.f32 v44, v51;
	v14 =	vmul.f32 v17, v14;
	v17 =	vld.idx.msk [tilespmem:v18+s19+$0x0], $0xffff  }
0x2cc: {  	v34 =	vmul.f32 v37, v34;
	v18 =	vadd.f32 $0.0e+00, v39;
	v39 =	vadd.f32 $0.0e+00, v40;
	v37 =	vld.idx.msk [tilespmem:v29+s12+$0x0], $0xffff  }
0x2cd: {  	v40 =	vadd.f32 $0.0e+00, v43;
	v14 =	vadd.f32 $0.0e+00, v14;
	v21 =	vmul.f32 v26, v21;
	v26 =	vld.idx.msk [tilespmem:v29+s19+$0x0], $0xffff  }
0x2ce: {  	v23 =	vmul.f32 v25, v23;
	v18 =	vadd.f32 v33, v18;
	v29 =	vadd.f32 v35, v39;
	v25 =	vld.idx.msk [tilespmem:v38+s12+$0x0], $0xffff  }
0x2cf: {  	v33 =	vadd.f32 v34, v40;
	v14 =	vadd.f32 v21, v14;
	v21 =	vmul.f32 v36, v32;
	v32 =	vld.idx.msk [tilespmem:v38+s19+$0x0], $0xffff  }
0x2d0: {  	v10 =	vmul.f32 v12, v10;
	v18 =	vadd.f32 v30, v18;
	v29 =	vadd.f32 v31, v29;
	v12 =	vld.idx.msk [tilespmem:v5+s12+$0x0], $0xffff  }
0x2d1: {  	v23 =	vadd.f32 v23, v33;
	v14 =	vadd.f32 v21, v14;
	v17 =	vmul.f32 v17, v41;
	v5 =	vld.idx.msk [tilespmem:v5+s19+$0x0], $0xffff  }
0x2d2: {  	v8 =	vmul.f32 v9, v8;
	v18 =	vadd.f32 v27, v18;
	v21 =	vadd.f32 v28, v29;
	v9 =	vld.idx.msk [tilespmem:v42+s12+$0x0], $0xffff  }
0x2d3: {  	v10 =	vadd.f32 v10, v23;
	v14 =	vadd.f32 v17, v14;
	v17 =	vmul.f32 v26, v37;
	v23 =	vld.idx.msk [tilespmem:v42+s19+$0x0], $0xffff  }
0x2d4: {  	v6 =	vmul.f32 v7, v6;
	v18 =	vadd.f32 v22, v18;
	v21 =	vadd.f32 v24, v21  }
0x2d5: {  	v7 =	vadd.f32 v8, v10;
	v8 =	vadd.f32 v17, v14;
	v10 =	vmul.f32 v32, v25  }
0x2d6: {  	v3 =	vmul.f32 v4, v3;
	v14 =	vadd.f32 v19, v18;
	v17 =	vadd.f32 v20, v21  }
0x2d7: {  	v4 =	vadd.f32 v6, v7;
	v6 =	vadd.f32 v10, v8;
	v5 =	vmul.f32 v5, v12  }
0x2d8: {  	v1 =	vmul.f32 v2, v1;
	v7 =	vadd.f32 v15, v14;
	v8 =	vadd.f32 v16, v17  }
0x2d9: {  	v2 =	vadd.f32 v3, v4;
	v3 =	vadd.f32 v5, v6;
	v4 =	vmul.f32 v23, v9  }
0x2da: {  	v5 =	vadd.f32 v11, v7;
	v6 =	vadd.f32 v13, v8  }
0x2db: {  	v1 =	vadd.f32 v1, v2;
	v2 =	vadd.f32 v4, v3;
	_ =	sdelay $0x1  }
0x2dc: {  	v3 =	vadd.f32 v6, v5;
	v1 =	vadd.f32 v2, v1;
	_ =	sdelay $0x1  }
0x2dd: {  	v1 =	vadd.f32 v1, v3;
	_ =	sdelay $0x1  }
0x2de: {  	v1 =	vsub.f32 $0.0e+00, v1;
	_ =	sdelay $0x1  }
0x2df: {  	v1 =	vmul.f32 $1.442695020e+00, v1;
	_ =	sdelay $0x1  }
0x2e0: {  	(erf) = vpow2.f32 v1;
	_ =	sdelay $0x8  }
0x2e1: {  	v1 =	vpop (erf)  }
0x2e2: {  	v1 =	vadd.f32 $1.000000000e+00, v1;
	_ =	sdelay $0x1  }
0x2e3: {  	(erf) = vrcp.f32 v1;
	_ =	sdelay $0x2  }
0x2e4: {  	v1 =	vmov s20  }
0x2e5: {  	v1 =	vshll.u32 v1, $0x5  }
0x2e6: {  	v5 =	vor.u32 v0, v1  }
0x2e7: {  	v1 =	vor.u32 $0x1C, v5;
	_ =	sdelay $0x1  }
0x2e8: {  	v2 =	vor.u32 $0x1D, v5  }
0x2e9: {  	s17 =	sadd.s32 $0x10, s17;
	v3 =	vpop (erf)  }
0x2ea: {  	v4 =	vor.u32 $0x1E, v5;
	[tilespmem:s17+$0x0] =	vst v3  }
0x2eb: {  	v11 =	vld.idx.msk [tilespmem:v1+s12+$0x0], $0xffff  }
0x2ec: {  	v3 =	vor.u32 $0x18, v5;
	v13 =	vld.idx.msk [tilespmem:v1+s19+$0x0], $0xffff  }
0x2ed: {  	v14 =	vld.idx.msk [tilespmem:v2+s12+$0x0], $0xffff  }
0x2ee: {  	v6 =	vor.u32 $0x19, v5;
	v15 =	vld.idx.msk [tilespmem:v2+s19+$0x0], $0xffff  }
0x2ef: {  	v1 =	vld.idx.msk [tilespmem:v4+s12+$0x0], $0xffff  }
0x2f0: {  	v7 =	vor.u32 $0x1A, v5;
	v2 =	vld.idx.msk [tilespmem:v4+s19+$0x0], $0xffff  }
0x2f1: {  	v16 =	vld.idx.msk [tilespmem:v3+s12+$0x0], $0xffff  }
0x2f2: {  	v8 =	vor.u32 $0x14, v5;
	v17 =	vld.idx.msk [tilespmem:v3+s19+$0x0], $0xffff  }
0x2f3: {  	v18 =	vld.idx.msk [tilespmem:v6+s12+$0x0], $0xffff  }
0x2f4: {  	v9 =	vor.u32 $0x15, v5;
	v19 =	vld.idx.msk [tilespmem:v6+s19+$0x0], $0xffff  }
0x2f5: {  	v3 =	vld.idx.msk [tilespmem:v7+s12+$0x0], $0xffff  }
0x2f6: {  	v10 =	vor.u32 $0x16, v5;
	v4 =	vld.idx.msk [tilespmem:v7+s19+$0x0], $0xffff  }
0x2f7: {  	v20 =	vld.idx.msk [tilespmem:v8+s12+$0x0], $0xffff  }
0x2f8: {  	v12 =	vor.u32 $0x10, v5;
	v21 =	vld.idx.msk [tilespmem:v8+s19+$0x0], $0xffff  }
0x2f9: {  	v22 =	vld.idx.msk [tilespmem:v9+s12+$0x0], $0xffff  }
0x2fa: {  	v8 =	vor.u32 $0x11, v5;
	v24 =	vld.idx.msk [tilespmem:v9+s19+$0x0], $0xffff  }
0x2fb: {  	v6 =	vld.idx.msk [tilespmem:v10+s12+$0x0], $0xffff  }
0x2fc: {  	v9 =	vor.u32 $0x12, v5;
	v7 =	vld.idx.msk [tilespmem:v10+s19+$0x0], $0xffff  }
0x2fd: {  	v26 =	vld.idx.msk [tilespmem:v12+s12+$0x0], $0xffff  }
0x2fe: {  	v10 =	vor.u32 $0xC, v5;
	v27 =	vld.idx.msk [tilespmem:v12+s19+$0x0], $0xffff  }
0x2ff: {  	v28 =	vld.idx.msk [tilespmem:v8+s12+$0x0], $0xffff  }
0x300: {  	v12 =	vor.u32 $0xD, v5;
	v29 =	vld.idx.msk [tilespmem:v8+s19+$0x0], $0xffff  }
0x301: {  	v8 =	vld.idx.msk [tilespmem:v9+s12+$0x0], $0xffff  }
0x302: {  	v23 =	vor.u32 $0xE, v5;
	v9 =	vld.idx.msk [tilespmem:v9+s19+$0x0], $0xffff  }
0x303: {  	v30 =	vld.idx.msk [tilespmem:v10+s12+$0x0], $0xffff  }
0x304: {  	v25 =	vor.u32 $0x8, v5;
	v31 =	vld.idx.msk [tilespmem:v10+s19+$0x0], $0xffff  }
0x305: {  	v32 =	vld.idx.msk [tilespmem:v12+s12+$0x0], $0xffff  }
0x306: {  	v34 =	vor.u32 $0x9, v5;
	v33 =	vld.idx.msk [tilespmem:v12+s19+$0x0], $0xffff  }
0x307: {  	v10 =	vld.idx.msk [tilespmem:v23+s12+$0x0], $0xffff  }
0x308: {  	v37 =	vor.u32 $0xA, v5;
	v12 =	vld.idx.msk [tilespmem:v23+s19+$0x0], $0xffff  }
0x309: {  	v35 =	vld.idx.msk [tilespmem:v25+s12+$0x0], $0xffff  }
0x30a: {  	v41 =	vor.u32 $0x4, v5;
	v36 =	vld.idx.msk [tilespmem:v25+s19+$0x0], $0xffff  }
0x30b: {  	v38 =	vld.idx.msk [tilespmem:v34+s12+$0x0], $0xffff  }
0x30c: {  	v43 =	vor.u32 $0x5, v5;
	v39 =	vld.idx.msk [tilespmem:v34+s19+$0x0], $0xffff  }
0x30d: {  	v23 =	vld.idx.msk [tilespmem:v37+s12+$0x0], $0xffff  }
0x30e: {  	v46 =	vor.u32 $0x6, v5;
	v25 =	vld.idx.msk [tilespmem:v37+s19+$0x0], $0xffff  }
0x30f: {  	v40 =	vld.idx.msk [tilespmem:v41+s12+$0x0], $0xffff  }
.Ltmp2:
0x310: {  	v41 =	vld.idx.msk [tilespmem:v41+s19+$0x0], $0xffff;
	(pc) =	sbr.rel @p0 .LBB2_6-.Ltmp2, $4  }
0x311: {  	v42 =	vld.idx.msk [tilespmem:v43+s12+$0x0], $0xffff  }
0x312: {  	v45 =	vor.u32 $0x1, v5;
	v43 =	vld.idx.msk [tilespmem:v43+s19+$0x0], $0xffff  }
0x313: {  	v34 =	vld.idx.msk [tilespmem:v46+s12+$0x0], $0xffff  }
0x314: {  	s20 =	sadd.s32 $0x10, s20;
	v44 =	vor.u32 $0x2, v5;
	v37 =	vld.idx.msk [tilespmem:v46+s19+$0x0], $0xffff  }
0x315: {  	_ =	sdelay $0x3  }
0x316: {  	v46 =	vld.idx.msk [tilespmem:v5+s19+$0x0], $0xffff  }
0x317: {  	v47 =	vld.idx.msk [tilespmem:v5+s12+$0x0], $0xffff;
	v48 =	vor.u32 $0x3, v5  }
0x318: {  	v49 =	vld.idx.msk [tilespmem:v45+s12+$0x0], $0xffff  }
0x319: {  	v58 =	vld.idx.msk [tilespmem:v45+s19+$0x0], $0xffff;
	v50 =	vor.u32 $0x7, v5;
	v11 =	vmul.f32 v13, v11  }
0x31a: {  	v51 =	vld.idx.msk [tilespmem:v44+s12+$0x0], $0xffff;
	v13 =	vmul.f32 v15, v14;
	v16 =	vmul.f32 v17, v16  }
0x31b: {  	v14 =	vld.idx.msk [tilespmem:v44+s19+$0x0], $0xffff;
	v15 =	vor.u32 $0xB, v5;
	v17 =	vmul.f32 v19, v18;
	v19 =	vmul.f32 v21, v20  }
0x31c: {  	v20 =	vmul.f32 v24, v22;
	v24 =	vmul.f32 v27, v26;
	v18 =	vld.idx.msk [tilespmem:v48+s12+$0x0], $0xffff  }
0x31d: {  	v22 =	vor.u32 $0xF, v5;
	v26 =	vmul.f32 v29, v28;
	v28 =	vmul.f32 v31, v30;
	v21 =	vld.idx.msk [tilespmem:v48+s19+$0x0], $0xffff  }
0x31e: {  	v29 =	vmul.f32 v33, v32;
	v59 =	vmul.f32 v36, v35;
	v27 =	vld.idx.msk [tilespmem:v50+s12+$0x0], $0xffff  }
0x31f: {  	v31 =	vor.u32 $0x13, v5;
	v60 =	vmul.f32 v39, v38;
	v62 =	vmul.f32 v41, v40;
	v30 =	vld.idx.msk [tilespmem:v50+s19+$0x0], $0xffff  }
0x320: {  	v63 =	vmul.f32 v43, v42;
	v34 =	vmul.f32 v37, v34;
	v61 =	vld.idx.msk [tilespmem:v15+s12+$0x0], $0xffff  }
0x321: {  	v48 =	vor.u32 $0x17, v5;
	v15 =	vld.idx.msk [tilespmem:v15+s19+$0x0], $0xffff;
	v50 =	vmul.f32 v46, v47;
	v14 =	vmul.f32 v14, v51  }
0x322: {  	v53 =	vor.u32 $0x1F, v5;
	v52 =	vmul.f32 v58, v49;
	v54 =	vld.idx.msk [tilespmem:v22+s12+$0x0], $0xffff;
	v18 =	vmul.f32 v21, v18  }
0x323: {  	v5 =	vor.u32 $0x1B, v5;
	v14 =	vadd.f32 $0.0e+00, v14;
	v21 =	vld.idx.msk [tilespmem:v22+s19+$0x0], $0xffff;
	v22 =	vadd.f32 $0.0e+00, v50  }
0x324: {  	v56 =	vld.idx.msk [tilespmem:v31+s12+$0x0], $0xffff;
	v55 =	vadd.f32 $0.0e+00, v52;
	v27 =	vmul.f32 v30, v27;
	v18 =	vadd.f32 $0.0e+00, v18  }
0x325: {  	v23 =	vmul.f32 v25, v23;
	v14 =	vadd.f32 v34, v14;
	v30 =	vld.idx.msk [tilespmem:v31+s19+$0x0], $0xffff;
	v22 =	vadd.f32 v62, v22  }
0x326: {  	v31 =	vadd.f32 v63, v55;
	v25 =	vld.idx.msk [tilespmem:v48+s12+$0x0], $0xffff;
	v15 =	vmul.f32 v15, v61;
	v18 =	vadd.f32 v27, v18  }
0x327: {  	v10 =	vmul.f32 v12, v10;
	v14 =	vadd.f32 v23, v14;
	v27 =	vld.idx.msk [tilespmem:v48+s19+$0x0], $0xffff;
	v22 =	vadd.f32 v59, v22  }
0x328: {  	v12 =	vld.idx.msk [tilespmem:v5+s12+$0x0], $0xffff;
	v31 =	vadd.f32 v60, v31;
	v15 =	vadd.f32 v15, v18;
	v18 =	vmul.f32 v21, v54  }
0x329: {  	v8 =	vmul.f32 v9, v8;
	v5 =	vld.idx.msk [tilespmem:v5+s19+$0x0], $0xffff;
	v10 =	vadd.f32 v10, v14;
	v21 =	vadd.f32 v28, v22  }
0x32a: {  	v9 =	vld.idx.msk [tilespmem:v53+s12+$0x0], $0xffff;
	v22 =	vadd.f32 v29, v31;
	v14 =	vadd.f32 v18, v15;
	v15 =	vmul.f32 v30, v56  }
0x32b: {  	v6 =	vmul.f32 v7, v6;
	v7 =	vadd.f32 v8, v10;
	v18 =	vld.idx.msk [tilespmem:v53+s19+$0x0], $0xffff;
	v21 =	vadd.f32 v24, v21  }
0x32c: {  	v22 =	vadd.f32 v26, v22;
	v10 =	vmul.f32 v27, v25;
	v8 =	vadd.f32 v15, v14  }
0x32d: {  	v3 =	vmul.f32 v4, v3;
	v4 =	vadd.f32 v6, v7;
	v14 =	vadd.f32 v19, v21  }
0x32e: {  	v5 =	vmul.f32 v5, v12;
	v15 =	vadd.f32 v20, v22;
	v6 =	vadd.f32 v10, v8  }
0x32f: {  	v1 =	vmul.f32 v2, v1;
	v2 =	vadd.f32 v3, v4;
	v7 =	vadd.f32 v16, v14  }
0x330: {  	v8 =	vadd.f32 v17, v15;
	v4 =	vmul.f32 v18, v9;
	v3 =	vadd.f32 v5, v6  }
0x331: {  	v1 =	vadd.f32 v1, v2;
	v5 =	vadd.f32 v11, v7  }
0x332: {  	v6 =	vadd.f32 v13, v8;
	v2 =	vadd.f32 v4, v3;
	_ =	sdelay $0x1  }
0x333: {  	v3 =	vadd.f32 v6, v5;
	v1 =	vadd.f32 v2, v1;
	_ =	sdelay $0x1  }
0x334: {  	v1 =	vadd.f32 v1, v3;
	_ =	sdelay $0x1  }
0x335: {  	v1 =	vsub.f32 $0.0e+00, v1;
	_ =	sdelay $0x1  }
0x336: {  	v1 =	vmul.f32 $1.442695020e+00, v1;
	_ =	sdelay $0x1  }
0x337: {  	(erf) = vpow2.f32 v1;
	_ =	sdelay $0x8  }
0x338: {  	v1 =	vpop (erf)  }
0x339: {  	v1 =	vadd.f32 $1.000000000e+00, v1;
	_ =	sdelay $0x1  }
0x33a: {  	(erf) = vrcp.f32 v1;
	_ =	sdelay $0x7  }
0x33b: {  	s20 =	simm.s32 $0x180  }
0x33c: {  	s17 =	sadd.s32 $0x10, s17;
	v2 =	vmov s20;
	v1 =	vpop (erf)  }
0x33d: {  	[tilespmem:s17+$0x0] =	vst v1;
	v1 =	vshll.u32 v2, $0x5  }
0x33e: {  	_ =	swait.ge [sflag:s2], $0x1000;
	v3 =	vor.u32 v0, v1  }
0x33f: {  	[sflag:s2] =	ssyncset.done $0x0;
	v1 =	vor.u32 $0x1C, v3  }
0x340: {  	[sflag:s2] =	ssyncadd.s32 $0xFFFFF000  }
0x341: {  	v2 =	vor.u32 $0x1D, v3;
	_ =	swait.ge [sflag:s13], $0x1000  }
0x342: {  	[sflag:s13] =	ssyncset.done $0x0  }
0x343: {  	v4 =	vor.u32 $0x1E, v3;
	[sflag:s13] =	ssyncadd.s32 $0xFFFFF000  }
0x344: {  	v5 =	vld.idx.msk [tilespmem:v1+s12+$0x0], $0xffff  }
0x345: {  	v6 =	vor.u32 $0x18, v3;
	v7 =	vld.idx.msk [tilespmem:v1+s19+$0x0], $0xffff  }
0x346: {  	v8 =	vld.idx.msk [tilespmem:v2+s12+$0x0], $0xffff  }
0x347: {  	v9 =	vor.u32 $0x19, v3;
	v10 =	vld.idx.msk [tilespmem:v2+s19+$0x0], $0xffff  }
0x348: {  	v1 =	vld.idx.msk [tilespmem:v4+s12+$0x0], $0xffff  }
0x349: {  	v11 =	vor.u32 $0x1A, v3;
	v2 =	vld.idx.msk [tilespmem:v4+s19+$0x0], $0xffff  }
0x34a: {  	v4 =	vld.idx.msk [tilespmem:v6+s12+$0x0], $0xffff  }
0x34b: {  	v12 =	vor.u32 $0x14, v3;
	v6 =	vld.idx.msk [tilespmem:v6+s19+$0x0], $0xffff  }
0x34c: {  	v13 =	vld.idx.msk [tilespmem:v9+s12+$0x0], $0xffff  }
0x34d: {  	v14 =	vor.u32 $0x15, v3;
	v9 =	vld.idx.msk [tilespmem:v9+s19+$0x0], $0xffff  }
0x34e: {  	v15 =	vld.idx.msk [tilespmem:v11+s12+$0x0], $0xffff  }
0x34f: {  	v16 =	vor.u32 $0x16, v3;
	v11 =	vld.idx.msk [tilespmem:v11+s19+$0x0], $0xffff  }
0x350: {  	v17 =	vld.idx.msk [tilespmem:v12+s12+$0x0], $0xffff  }
0x351: {  	v18 =	vor.u32 $0x10, v3;
	v12 =	vld.idx.msk [tilespmem:v12+s19+$0x0], $0xffff  }
0x352: {  	v19 =	vld.idx.msk [tilespmem:v14+s12+$0x0], $0xffff  }
0x353: {  	v20 =	vor.u32 $0x11, v3;
	v14 =	vld.idx.msk [tilespmem:v14+s19+$0x0], $0xffff  }
0x354: {  	v21 =	vld.idx.msk [tilespmem:v16+s12+$0x0], $0xffff  }
0x355: {  	v22 =	vor.u32 $0x12, v3;
	v16 =	vld.idx.msk [tilespmem:v16+s19+$0x0], $0xffff  }
0x356: {  	v23 =	vld.idx.msk [tilespmem:v18+s12+$0x0], $0xffff  }
0x357: {  	v24 =	vor.u32 $0xC, v3;
	v18 =	vld.idx.msk [tilespmem:v18+s19+$0x0], $0xffff  }
0x358: {  	v25 =	vld.idx.msk [tilespmem:v20+s12+$0x0], $0xffff  }
0x359: {  	v26 =	vor.u32 $0xD, v3;
	v20 =	vld.idx.msk [tilespmem:v20+s19+$0x0], $0xffff  }
0x35a: {  	v27 =	vld.idx.msk [tilespmem:v22+s12+$0x0], $0xffff  }
0x35b: {  	v28 =	vor.u32 $0xE, v3;
	v22 =	vld.idx.msk [tilespmem:v22+s19+$0x0], $0xffff  }
0x35c: {  	v29 =	vld.idx.msk [tilespmem:v24+s12+$0x0], $0xffff  }
0x35d: {  	v30 =	vor.u32 $0x8, v3;
	v24 =	vld.idx.msk [tilespmem:v24+s19+$0x0], $0xffff  }
0x35e: {  	v31 =	vld.idx.msk [tilespmem:v26+s12+$0x0], $0xffff  }
0x35f: {  	v57 =	vor.u32 $0x9, v3;
	v26 =	vld.idx.msk [tilespmem:v26+s19+$0x0], $0xffff  }
0x360: {  	v33 =	vld.idx.msk [tilespmem:v28+s12+$0x0], $0xffff  }
0x361: {  	v58 =	vor.u32 $0xA, v3;
	v28 =	vld.idx.msk [tilespmem:v28+s19+$0x0], $0xffff  }
0x362: {  	v35 =	vld.idx.msk [tilespmem:v30+s12+$0x0], $0xffff  }
0x363: {  	v59 =	vor.u32 $0x4, v3;
	v30 =	vld.idx.msk [tilespmem:v30+s19+$0x0], $0xffff  }
0x364: {  	v37 =	vld.idx.msk [tilespmem:v57+s12+$0x0], $0xffff  }
0x365: {  	v60 =	vor.u32 $0x5, v3;
	v32 =	vld.idx.msk [tilespmem:v57+s19+$0x0], $0xffff  }
0x366: {  	v39 =	vld.idx.msk [tilespmem:v58+s12+$0x0], $0xffff  }
0x367: {  	v61 =	vor.u32 $0x6, v3;
	v34 =	vld.idx.msk [tilespmem:v58+s19+$0x0], $0xffff  }
0x368: {  	v62 =	vld.idx.msk [tilespmem:v59+s12+$0x0], $0xffff  }
0x369: {  	v36 =	vld.idx.msk [tilespmem:v59+s19+$0x0], $0xffff  }
0x36a: {  	v63 =	vld.idx.msk [tilespmem:v60+s12+$0x0], $0xffff  }
0x36b: {  	v54 =	vor.u32 $0x1, v3;
	v38 =	vld.idx.msk [tilespmem:v60+s19+$0x0], $0xffff  }
0x36c: {  	v44 =	vld.idx.msk [tilespmem:v61+s12+$0x0], $0xffff  }
0x36d: {  	v55 =	vor.u32 $0x2, v3;
	v40 =	vld.idx.msk [tilespmem:v61+s19+$0x0], $0xffff  }
0x36e: {  	v56 =	vld.idx.msk [tilespmem:v3+s19+$0x0], $0xffff  }
0x36f: {  	v57 =	vld.idx.msk [tilespmem:v3+s12+$0x0], $0xffff;
	v58 =	vor.u32 $0x3, v3  }
0x370: {  	v59 =	vld.idx.msk [tilespmem:v54+s12+$0x0], $0xffff  }
0x371: {  	v43 =	vld.idx.msk [tilespmem:v54+s19+$0x0], $0xffff;
	v60 =	vor.u32 $0x7, v3  }
0x372: {  	v61 =	vld.idx.msk [tilespmem:v55+s12+$0x0], $0xffff;
	v5 =	vmul.f32 v7, v5;
	v7 =	vmul.f32 v10, v8  }
0x373: {  	v8 =	vld.idx.msk [tilespmem:v55+s19+$0x0], $0xffff;
	v10 =	vor.u32 $0xB, v3;
	v4 =	vmul.f32 v6, v4;
	v6 =	vmul.f32 v9, v13  }
0x374: {  	v9 =	vld.idx.msk [tilespmem:v58+s12+$0x0], $0xffff;
	v12 =	vmul.f32 v12, v17;
	v13 =	vmul.f32 v14, v19  }
0x375: {  	v14 =	vld.idx.msk [tilespmem:v58+s19+$0x0], $0xffff;
	v17 =	vor.u32 $0xF, v3;
	v18 =	vmul.f32 v18, v23;
	v19 =	vmul.f32 v20, v25  }
0x376: {  	v20 =	vld.idx.msk [tilespmem:v60+s12+$0x0], $0xffff;
	v23 =	vmul.f32 v24, v29;
	v24 =	vmul.f32 v26, v31  }
0x377: {  	v25 =	vld.idx.msk [tilespmem:v60+s19+$0x0], $0xffff;
	v26 =	vor.u32 $0x13, v3;
	v29 =	vmul.f32 v30, v35;
	v30 =	vmul.f32 v32, v37  }
0x378: {  	v45 =	vor.u32 $0x17, v3;
	v62 =	vmul.f32 v36, v62;
	v63 =	vmul.f32 v38, v63;
	v31 =	vld.idx.msk [tilespmem:v10+s12+$0x0], $0xffff  }
0x379: {  	v52 =	vor.u32 $0x1F, v3;
	v48 =	vmul.f32 v56, v57;
	v50 =	vmul.f32 v43, v59;
	v10 =	vld.idx.msk [tilespmem:v10+s19+$0x0], $0xffff  }
0x37a: {  	v3 =	vor.u32 $0x1B, v3;
	v53 =	vld.idx.msk [tilespmem:v17+s12+$0x0], $0xffff;
	v8 =	vmul.f32 v8, v61;
	v9 =	vmul.f32 v14, v9  }
0x37b: {  	v55 =	vmul.f32 v40, v44;
	v54 =	vadd.f32 $0.0e+00, v50;
	v14 =	vld.idx.msk [tilespmem:v17+s19+$0x0], $0xffff;
	v17 =	vadd.f32 $0.0e+00, v48  }
0x37c: {  	v56 =	vld.idx.msk [tilespmem:v26+s12+$0x0], $0xffff;
	v20 =	vmul.f32 v25, v20;
	v8 =	vadd.f32 $0.0e+00, v8;
	v9 =	vadd.f32 $0.0e+00, v9  }
0x37d: {  	v57 =	vmul.f32 v34, v39;
	v25 =	vld.idx.msk [tilespmem:v26+s19+$0x0], $0xffff;
	v26 =	vadd.f32 v63, v54;
	v17 =	vadd.f32 v62, v17  }
0x37e: {  	v58 =	vld.idx.msk [tilespmem:v45+s12+$0x0], $0xffff;
	v8 =	vadd.f32 v55, v8;
	v9 =	vadd.f32 v20, v9;
	v10 =	vmul.f32 v10, v31  }
0x37f: {  	v28 =	vmul.f32 v28, v33;
	v26 =	vadd.f32 v30, v26;
	v20 =	vld.idx.msk [tilespmem:v45+s19+$0x0], $0xffff;
	v17 =	vadd.f32 v29, v17  }
0x380: {  	v29 =	vld.idx.msk [tilespmem:v3+s12+$0x0], $0xffff;
	v8 =	vadd.f32 v57, v8;
	v9 =	vadd.f32 v10, v9;
	v10 =	vmul.f32 v14, v53  }
0x381: {  	v22 =	vmul.f32 v22, v27;
	v3 =	vld.idx.msk [tilespmem:v3+s19+$0x0], $0xffff;
	v14 =	vadd.f32 v23, v17;
	v17 =	vadd.f32 v24, v26  }
0x382: {  	v23 =	vld.idx.msk [tilespmem:v52+s12+$0x0], $0xffff;
	v8 =	vadd.f32 v28, v8;
	v9 =	vadd.f32 v10, v9;
	v10 =	vmul.f32 v25, v56  }
0x383: {  	v16 =	vmul.f32 v16, v21;
	v24 =	vld.idx.msk [tilespmem:v52+s19+$0x0], $0xffff;
	v14 =	vadd.f32 v18, v14;
	v17 =	vadd.f32 v19, v17  }
0x384: {  	v8 =	vadd.f32 v22, v8;
	v9 =	vadd.f32 v10, v9;
	v10 =	vmul.f32 v20, v58  }
0x385: {  	v11 =	vmul.f32 v11, v15;
	v12 =	vadd.f32 v12, v14;
	v13 =	vadd.f32 v13, v17  }
0x386: {  	v3 =	vmul.f32 v3, v29;
	v8 =	vadd.f32 v16, v8;
	v9 =	vadd.f32 v10, v9  }
0x387: {  	v1 =	vmul.f32 v2, v1;
	v4 =	vadd.f32 v4, v12;
	v6 =	vadd.f32 v6, v13  }
0x388: {  	v2 =	vadd.f32 v11, v8;
	v8 =	vmul.f32 v24, v23;
	v3 =	vadd.f32 v3, v9  }
0x389: {  	v4 =	vadd.f32 v5, v4;
	v5 =	vadd.f32 v7, v6  }
0x38a: {  	v1 =	vadd.f32 v1, v2;
	v2 =	vadd.f32 v8, v3;
	_ =	sdelay $0x1  }
0x38b: {  	v3 =	vadd.f32 v5, v4;
	v1 =	vadd.f32 v2, v1;
	_ =	sdelay $0x1  }
0x38c: {  	v1 =	vadd.f32 v1, v3;
	_ =	sdelay $0x1  }
0x38d: {  	v1 =	vsub.f32 $0.0e+00, v1;
	_ =	sdelay $0x1  }
0x38e: {  	v1 =	vmul.f32 $1.442695020e+00, v1;
	_ =	sdelay $0x1  }
0x38f: {  	(erf) = vpow2.f32 v1;
	_ =	sdelay $0x8  }
0x390: {  	v1 =	vpop (erf)  }
0x391: {  	v1 =	vadd.f32 $1.000000000e+00, v1;
	_ =	sdelay $0x1  }
0x392: {  	(erf) = vrcp.f32 v1;
	_ =	sdelay $0x1  }
0x393: {  	s20 =	simm.s32 $0x190  }
0x394: {  	v1 =	vmov s20  }
0x395: {  	v1 =	vshll.u32 v1, $0x5  }
0x396: {  	v5 =	vor.u32 v0, v1  }
0x397: {  	v1 =	vor.u32 $0x1C, v5;
	_ =	sdelay $0x1  }
0x398: {  	v2 =	vor.u32 $0x1D, v5  }
0x399: {  	s17 =	simm.s32 $0x8580;
	v3 =	vpop (erf)  }
0x39a: {  	v4 =	vor.u32 $0x1E, v5;
	[tilespmem:s17+$0x0] =	vst v3  }
0x39b: {  	v11 =	vld.idx.msk [tilespmem:v1+s12+$0x0], $0xffff  }
0x39c: {  	v6 =	vor.u32 $0x19, v5;
	v13 =	vld.idx.msk [tilespmem:v1+s19+$0x0], $0xffff  }
0x39d: {  	v14 =	vld.idx.msk [tilespmem:v2+s12+$0x0], $0xffff  }
0x39e: {  	v7 =	vor.u32 $0x1A, v5;
	v15 =	vld.idx.msk [tilespmem:v2+s19+$0x0], $0xffff  }
0x39f: {  	v8 =	vor.u32 $0x14, v5;
	v1 =	vld.idx.msk [tilespmem:v4+s12+$0x0], $0xffff  }
0x3a0: {  	v2 =	vld.idx.msk [tilespmem:v4+s19+$0x0], $0xffff  }
0x3a1: {  	v9 =	vor.u32 $0x15, v5;
	v18 =	vld.idx.msk [tilespmem:v6+s12+$0x0], $0xffff  }
0x3a2: {  	v19 =	vld.idx.msk [tilespmem:v6+s19+$0x0], $0xffff  }
0x3a3: {  	v10 =	vor.u32 $0x16, v5;
	v4 =	vld.idx.msk [tilespmem:v7+s19+$0x0], $0xffff  }
0x3a4: {  	v12 =	vor.u32 $0x10, v5;
	v20 =	vld.idx.msk [tilespmem:v8+s12+$0x0], $0xffff  }
0x3a5: {  	v21 =	vld.idx.msk [tilespmem:v8+s19+$0x0], $0xffff  }
0x3a6: {  	v25 =	vor.u32 $0x8, v5;
	v22 =	vld.idx.msk [tilespmem:v9+s12+$0x0], $0xffff  }
0x3a7: {  	v24 =	vld.idx.msk [tilespmem:v9+s19+$0x0], $0xffff  }
0x3a8: {  	v59 =	vor.u32 $0x9, v5;
	v6 =	vld.idx.msk [tilespmem:v10+s12+$0x0], $0xffff  }
0x3a9: {  	v26 =	vld.idx.msk [tilespmem:v12+s12+$0x0], $0xffff  }
0x3aa: {  	v60 =	vor.u32 $0xA, v5;
	v27 =	vld.idx.msk [tilespmem:v12+s19+$0x0], $0xffff  }
0x3ab: {  	v61 =	vor.u32 $0x4, v5;
	v35 =	vld.idx.msk [tilespmem:v25+s12+$0x0], $0xffff  }
0x3ac: {  	v36 =	vld.idx.msk [tilespmem:v25+s19+$0x0], $0xffff  }
0x3ad: {  	v62 =	vor.u32 $0x5, v5;
	v38 =	vld.idx.msk [tilespmem:v59+s12+$0x0], $0xffff  }
0x3ae: {  	v39 =	vld.idx.msk [tilespmem:v59+s19+$0x0], $0xffff  }
0x3af: {  	v63 =	vor.u32 $0x6, v5;
	v25 =	vld.idx.msk [tilespmem:v60+s19+$0x0], $0xffff  }
0x3b0: {  	v40 =	vld.idx.msk [tilespmem:v61+s12+$0x0], $0xffff  }
0x3b1: {  	v3 =	vor.u32 $0x18, v5;
	v41 =	vld.idx.msk [tilespmem:v61+s19+$0x0], $0xffff  }
0x3b2: {  	v42 =	vld.idx.msk [tilespmem:v62+s12+$0x0], $0xffff  }
0x3b3: {  	v43 =	vld.idx.msk [tilespmem:v62+s19+$0x0], $0xffff  }
0x3b4: {  	v34 =	vld.idx.msk [tilespmem:v63+s12+$0x0], $0xffff  }
0x3b5: {  	v8 =	vor.u32 $0x11, v5;
	v37 =	vld.idx.msk [tilespmem:v63+s19+$0x0], $0xffff  }
0x3b6: {  	v16 =	vld.idx.msk [tilespmem:v3+s12+$0x0], $0xffff  }
0x3b7: {  	v9 =	vor.u32 $0x12, v5;
	v17 =	vld.idx.msk [tilespmem:v3+s19+$0x0], $0xffff  }
0x3b8: {  	v3 =	vld.idx.msk [tilespmem:v7+s12+$0x0], $0xffff  }
0x3b9: {  	v12 =	vor.u32 $0xD, v5;
	v7 =	vld.idx.msk [tilespmem:v10+s19+$0x0], $0xffff  }
0x3ba: {  	v28 =	vld.idx.msk [tilespmem:v8+s12+$0x0], $0xffff  }
0x3bb: {  	v23 =	vor.u32 $0xE, v5;
	v29 =	vld.idx.msk [tilespmem:v8+s19+$0x0], $0xffff  }
0x3bc: {  	v10 =	vor.u32 $0xC, v5;
	v8 =	vld.idx.msk [tilespmem:v9+s12+$0x0], $0xffff  }
0x3bd: {  	v9 =	vld.idx.msk [tilespmem:v9+s19+$0x0], $0xffff  }
0x3be: {  	v32 =	vld.idx.msk [tilespmem:v12+s12+$0x0], $0xffff  }
0x3bf: {  	v33 =	vld.idx.msk [tilespmem:v12+s19+$0x0], $0xffff  }
0x3c0: {  	v12 =	vld.idx.msk [tilespmem:v23+s19+$0x0], $0xffff  }
0x3c1: {  	v30 =	vld.idx.msk [tilespmem:v10+s12+$0x0], $0xffff  }
0x3c2: {  	v45 =	vor.u32 $0x1, v5;
	v31 =	vld.idx.msk [tilespmem:v10+s19+$0x0], $0xffff  }
0x3c3: {  	v10 =	vld.idx.msk [tilespmem:v23+s12+$0x0], $0xffff  }
0x3c4: {  	s20 =	simm.s32 $0x1A0;
	v44 =	vor.u32 $0x2, v5;
	v23 =	vld.idx.msk [tilespmem:v60+s12+$0x0], $0xffff  }
.LBB2_8:
0x3c5: {  	p0 =	sne.s32 s20, $0x1F0;
	v46 =	vld.idx.msk [tilespmem:v5+s19+$0x0], $0xffff  }
0x3c6: {  	v48 =	vor.u32 $0x3, v5;
	v47 =	vld.idx.msk [tilespmem:v5+s12+$0x0], $0xffff  }
0x3c7: {  	v49 =	vld.idx.msk [tilespmem:v45+s12+$0x0], $0xffff  }
0x3c8: {  	v50 =	vor.u32 $0x7, v5;
	v45 =	vld.idx.msk [tilespmem:v45+s19+$0x0], $0xffff  }
0x3c9: {  	v51 =	vld.idx.msk [tilespmem:v44+s12+$0x0], $0xffff  }
0x3ca: {  	v52 =	vor.u32 $0xB, v5;
	v11 =	vmul.f32 v13, v11;
	v13 =	vmul.f32 v15, v14;
	v44 =	vld.idx.msk [tilespmem:v44+s19+$0x0], $0xffff  }
0x3cb: {  	v15 =	vmul.f32 v17, v16;
	v16 =	vmul.f32 v19, v18;
	v14 =	vld.idx.msk [tilespmem:v48+s12+$0x0], $0xffff  }
0x3cc: {  	v18 =	vor.u32 $0xF, v5;
	v19 =	vmul.f32 v21, v20;
	v20 =	vmul.f32 v24, v22;
	v17 =	vld.idx.msk [tilespmem:v48+s19+$0x0], $0xffff  }
0x3cd: {  	v22 =	vmul.f32 v27, v26;
	v24 =	vmul.f32 v29, v28;
	v21 =	vld.idx.msk [tilespmem:v50+s12+$0x0], $0xffff  }
0x3ce: {  	v27 =	vmul.f32 v31, v30;
	v28 =	vmul.f32 v33, v32;
	v29 =	vor.u32 $0x13, v5;
	v26 =	vld.idx.msk [tilespmem:v50+s19+$0x0], $0xffff  }
0x3cf: {  	v30 =	vmul.f32 v36, v35;
	v31 =	vmul.f32 v39, v38;
	v32 =	vld.idx.msk [tilespmem:v52+s12+$0x0], $0xffff  }
0x3d0: {  	v33 =	vmul.f32 v41, v40;
	v38 =	vor.u32 $0x17, v5;
	v35 =	vmul.f32 v43, v42;
	v36 =	vld.idx.msk [tilespmem:v52+s19+$0x0], $0xffff  }
0x3d1: {  	v42 =	vor.u32 $0x1F, v5;
	v39 =	vmul.f32 v46, v47;
	v40 =	vmul.f32 v45, v49;
	v41 =	vld.idx.msk [tilespmem:v18+s12+$0x0], $0xffff  }
0x3d2: {  	v5 =	vor.u32 $0x1B, v5;
	v43 =	vmul.f32 v44, v51;
	v14 =	vmul.f32 v17, v14;
	v17 =	vld.idx.msk [tilespmem:v18+s19+$0x0], $0xffff  }
0x3d3: {  	v34 =	vmul.f32 v37, v34;
	v18 =	vadd.f32 $0.0e+00, v39;
	v39 =	vadd.f32 $0.0e+00, v40;
	v37 =	vld.idx.msk [tilespmem:v29+s12+$0x0], $0xffff  }
0x3d4: {  	v40 =	vadd.f32 $0.0e+00, v43;
	v14 =	vadd.f32 $0.0e+00, v14;
	v21 =	vmul.f32 v26, v21;
	v26 =	vld.idx.msk [tilespmem:v29+s19+$0x0], $0xffff  }
0x3d5: {  	v23 =	vmul.f32 v25, v23;
	v18 =	vadd.f32 v33, v18;
	v29 =	vadd.f32 v35, v39;
	v25 =	vld.idx.msk [tilespmem:v38+s12+$0x0], $0xffff  }
0x3d6: {  	v33 =	vadd.f32 v34, v40;
	v14 =	vadd.f32 v21, v14;
	v21 =	vmul.f32 v36, v32;
	v32 =	vld.idx.msk [tilespmem:v38+s19+$0x0], $0xffff  }
0x3d7: {  	v10 =	vmul.f32 v12, v10;
	v18 =	vadd.f32 v30, v18;
	v29 =	vadd.f32 v31, v29;
	v12 =	vld.idx.msk [tilespmem:v5+s12+$0x0], $0xffff  }
0x3d8: {  	v23 =	vadd.f32 v23, v33;
	v14 =	vadd.f32 v21, v14;
	v17 =	vmul.f32 v17, v41;
	v5 =	vld.idx.msk [tilespmem:v5+s19+$0x0], $0xffff  }
0x3d9: {  	v8 =	vmul.f32 v9, v8;
	v18 =	vadd.f32 v27, v18;
	v21 =	vadd.f32 v28, v29;
	v9 =	vld.idx.msk [tilespmem:v42+s12+$0x0], $0xffff  }
0x3da: {  	v10 =	vadd.f32 v10, v23;
	v14 =	vadd.f32 v17, v14;
	v17 =	vmul.f32 v26, v37;
	v23 =	vld.idx.msk [tilespmem:v42+s19+$0x0], $0xffff  }
0x3db: {  	v6 =	vmul.f32 v7, v6;
	v18 =	vadd.f32 v22, v18;
	v21 =	vadd.f32 v24, v21  }
0x3dc: {  	v7 =	vadd.f32 v8, v10;
	v8 =	vadd.f32 v17, v14;
	v10 =	vmul.f32 v32, v25  }
0x3dd: {  	v3 =	vmul.f32 v4, v3;
	v14 =	vadd.f32 v19, v18;
	v17 =	vadd.f32 v20, v21  }
0x3de: {  	v4 =	vadd.f32 v6, v7;
	v6 =	vadd.f32 v10, v8;
	v5 =	vmul.f32 v5, v12  }
0x3df: {  	v1 =	vmul.f32 v2, v1;
	v7 =	vadd.f32 v15, v14;
	v8 =	vadd.f32 v16, v17  }
0x3e0: {  	v2 =	vadd.f32 v3, v4;
	v3 =	vadd.f32 v5, v6;
	v4 =	vmul.f32 v23, v9  }
0x3e1: {  	v5 =	vadd.f32 v11, v7;
	v6 =	vadd.f32 v13, v8  }
0x3e2: {  	v1 =	vadd.f32 v1, v2;
	v2 =	vadd.f32 v4, v3;
	_ =	sdelay $0x1  }
0x3e3: {  	v3 =	vadd.f32 v6, v5;
	v1 =	vadd.f32 v2, v1;
	_ =	sdelay $0x1  }
0x3e4: {  	v1 =	vadd.f32 v1, v3;
	_ =	sdelay $0x1  }
0x3e5: {  	v1 =	vsub.f32 $0.0e+00, v1;
	_ =	sdelay $0x1  }
0x3e6: {  	v1 =	vmul.f32 $1.442695020e+00, v1;
	_ =	sdelay $0x1  }
0x3e7: {  	(erf) = vpow2.f32 v1;
	_ =	sdelay $0x8  }
0x3e8: {  	v1 =	vpop (erf)  }
0x3e9: {  	v1 =	vadd.f32 $1.000000000e+00, v1;
	_ =	sdelay $0x1  }
0x3ea: {  	(erf) = vrcp.f32 v1;
	_ =	sdelay $0x2  }
0x3eb: {  	v1 =	vmov s20  }
0x3ec: {  	v1 =	vshll.u32 v1, $0x5  }
0x3ed: {  	v5 =	vor.u32 v0, v1  }
0x3ee: {  	v1 =	vor.u32 $0x1C, v5;
	_ =	sdelay $0x1  }
0x3ef: {  	v2 =	vor.u32 $0x1D, v5  }
0x3f0: {  	s17 =	sadd.s32 $0x10, s17;
	v3 =	vpop (erf)  }
0x3f1: {  	v4 =	vor.u32 $0x1E, v5;
	[tilespmem:s17+$0x0] =	vst v3  }
0x3f2: {  	v11 =	vld.idx.msk [tilespmem:v1+s12+$0x0], $0xffff  }
0x3f3: {  	v3 =	vor.u32 $0x18, v5;
	v13 =	vld.idx.msk [tilespmem:v1+s19+$0x0], $0xffff  }
0x3f4: {  	v14 =	vld.idx.msk [tilespmem:v2+s12+$0x0], $0xffff  }
0x3f5: {  	v6 =	vor.u32 $0x19, v5;
	v15 =	vld.idx.msk [tilespmem:v2+s19+$0x0], $0xffff  }
0x3f6: {  	v1 =	vld.idx.msk [tilespmem:v4+s12+$0x0], $0xffff  }
0x3f7: {  	v7 =	vor.u32 $0x1A, v5;
	v2 =	vld.idx.msk [tilespmem:v4+s19+$0x0], $0xffff  }
0x3f8: {  	v16 =	vld.idx.msk [tilespmem:v3+s12+$0x0], $0xffff  }
0x3f9: {  	v8 =	vor.u32 $0x14, v5;
	v17 =	vld.idx.msk [tilespmem:v3+s19+$0x0], $0xffff  }
0x3fa: {  	v18 =	vld.idx.msk [tilespmem:v6+s12+$0x0], $0xffff  }
0x3fb: {  	v9 =	vor.u32 $0x15, v5;
	v19 =	vld.idx.msk [tilespmem:v6+s19+$0x0], $0xffff  }
0x3fc: {  	v3 =	vld.idx.msk [tilespmem:v7+s12+$0x0], $0xffff  }
0x3fd: {  	v10 =	vor.u32 $0x16, v5;
	v4 =	vld.idx.msk [tilespmem:v7+s19+$0x0], $0xffff  }
0x3fe: {  	v20 =	vld.idx.msk [tilespmem:v8+s12+$0x0], $0xffff  }
0x3ff: {  	v12 =	vor.u32 $0x10, v5;
	v21 =	vld.idx.msk [tilespmem:v8+s19+$0x0], $0xffff  }
0x400: {  	v22 =	vld.idx.msk [tilespmem:v9+s12+$0x0], $0xffff  }
0x401: {  	v8 =	vor.u32 $0x11, v5;
	v24 =	vld.idx.msk [tilespmem:v9+s19+$0x0], $0xffff  }
0x402: {  	v6 =	vld.idx.msk [tilespmem:v10+s12+$0x0], $0xffff  }
0x403: {  	v9 =	vor.u32 $0x12, v5;
	v7 =	vld.idx.msk [tilespmem:v10+s19+$0x0], $0xffff  }
0x404: {  	v26 =	vld.idx.msk [tilespmem:v12+s12+$0x0], $0xffff  }
0x405: {  	v10 =	vor.u32 $0xC, v5;
	v27 =	vld.idx.msk [tilespmem:v12+s19+$0x0], $0xffff  }
0x406: {  	v28 =	vld.idx.msk [tilespmem:v8+s12+$0x0], $0xffff  }
0x407: {  	v12 =	vor.u32 $0xD, v5;
	v29 =	vld.idx.msk [tilespmem:v8+s19+$0x0], $0xffff  }
0x408: {  	v8 =	vld.idx.msk [tilespmem:v9+s12+$0x0], $0xffff  }
0x409: {  	v23 =	vor.u32 $0xE, v5;
	v9 =	vld.idx.msk [tilespmem:v9+s19+$0x0], $0xffff  }
0x40a: {  	v30 =	vld.idx.msk [tilespmem:v10+s12+$0x0], $0xffff  }
0x40b: {  	v25 =	vor.u32 $0x8, v5;
	v31 =	vld.idx.msk [tilespmem:v10+s19+$0x0], $0xffff  }
0x40c: {  	v32 =	vld.idx.msk [tilespmem:v12+s12+$0x0], $0xffff  }
0x40d: {  	v34 =	vor.u32 $0x9, v5;
	v33 =	vld.idx.msk [tilespmem:v12+s19+$0x0], $0xffff  }
0x40e: {  	v10 =	vld.idx.msk [tilespmem:v23+s12+$0x0], $0xffff  }
0x40f: {  	v37 =	vor.u32 $0xA, v5;
	v12 =	vld.idx.msk [tilespmem:v23+s19+$0x0], $0xffff  }
0x410: {  	v35 =	vld.idx.msk [tilespmem:v25+s12+$0x0], $0xffff  }
0x411: {  	v41 =	vor.u32 $0x4, v5;
	v36 =	vld.idx.msk [tilespmem:v25+s19+$0x0], $0xffff  }
0x412: {  	v38 =	vld.idx.msk [tilespmem:v34+s12+$0x0], $0xffff  }
0x413: {  	v43 =	vor.u32 $0x5, v5;
	v39 =	vld.idx.msk [tilespmem:v34+s19+$0x0], $0xffff  }
0x414: {  	v23 =	vld.idx.msk [tilespmem:v37+s12+$0x0], $0xffff  }
0x415: {  	v46 =	vor.u32 $0x6, v5;
	v25 =	vld.idx.msk [tilespmem:v37+s19+$0x0], $0xffff  }
0x416: {  	v40 =	vld.idx.msk [tilespmem:v41+s12+$0x0], $0xffff  }
.Ltmp3:
0x417: {  	v41 =	vld.idx.msk [tilespmem:v41+s19+$0x0], $0xffff;
	(pc) =	sbr.rel @p0 .LBB2_8-.Ltmp3, $4  }
0x418: {  	v42 =	vld.idx.msk [tilespmem:v43+s12+$0x0], $0xffff  }
0x419: {  	v45 =	vor.u32 $0x1, v5;
	v43 =	vld.idx.msk [tilespmem:v43+s19+$0x0], $0xffff  }
0x41a: {  	v34 =	vld.idx.msk [tilespmem:v46+s12+$0x0], $0xffff  }
0x41b: {  	s20 =	sadd.s32 $0x10, s20;
	v44 =	vor.u32 $0x2, v5;
	v37 =	vld.idx.msk [tilespmem:v46+s19+$0x0], $0xffff  }
0x41c: {  	_ =	sdelay $0x3  }
0x41d: {  	v46 =	vld.idx.msk [tilespmem:v5+s19+$0x0], $0xffff  }
0x41e: {  	v47 =	vld.idx.msk [tilespmem:v5+s12+$0x0], $0xffff;
	v48 =	vor.u32 $0x3, v5  }
0x41f: {  	v49 =	vld.idx.msk [tilespmem:v45+s12+$0x0], $0xffff  }
0x420: {  	v57 =	vld.idx.msk [tilespmem:v45+s19+$0x0], $0xffff;
	v50 =	vor.u32 $0x7, v5;
	v11 =	vmul.f32 v13, v11  }
0x421: {  	v51 =	vld.idx.msk [tilespmem:v44+s12+$0x0], $0xffff;
	v13 =	vmul.f32 v15, v14;
	v16 =	vmul.f32 v17, v16  }
0x422: {  	v58 =	vld.idx.msk [tilespmem:v44+s19+$0x0], $0xffff;
	v59 =	vor.u32 $0xB, v5;
	v17 =	vmul.f32 v19, v18;
	v19 =	vmul.f32 v21, v20  }
0x423: {  	v20 =	vmul.f32 v24, v22;
	v24 =	vmul.f32 v27, v26;
	v60 =	vld.idx.msk [tilespmem:v48+s12+$0x0], $0xffff  }
0x424: {  	v62 =	vor.u32 $0xF, v5;
	v26 =	vmul.f32 v29, v28;
	v28 =	vmul.f32 v31, v30;
	v61 =	vld.idx.msk [tilespmem:v48+s19+$0x0], $0xffff  }
0x425: {  	v29 =	vmul.f32 v33, v32;
	v32 =	vmul.f32 v36, v35;
	v27 =	vld.idx.msk [tilespmem:v50+s12+$0x0], $0xffff  }
0x426: {  	v63 =	vor.u32 $0x13, v5;
	v33 =	vmul.f32 v39, v38;
	v52 =	vmul.f32 v43, v42;
	v30 =	vld.idx.msk [tilespmem:v50+s19+$0x0], $0xffff  }
0x427: {  	v34 =	vmul.f32 v37, v34;
	v48 =	vld.idx.msk [tilespmem:v59+s12+$0x0], $0xffff;
	v50 =	vmul.f32 v41, v40  }
0x428: {  	v53 =	vor.u32 $0x17, v5;
	v15 =	vld.idx.msk [tilespmem:v59+s19+$0x0], $0xffff;
	v54 =	vmul.f32 v46, v47;
	v14 =	vmul.f32 v58, v51  }
0x429: {  	v56 =	vor.u32 $0x1F, v5;
	v55 =	vmul.f32 v57, v49;
	v57 =	vld.idx.msk [tilespmem:v62+s12+$0x0], $0xffff;
	v18 =	vmul.f32 v61, v60  }
0x42a: {  	v58 =	vor.u32 $0x1B, v5;
	v59 =	vld.idx.msk [tilespmem:v62+s19+$0x0], $0xffff;
	v14 =	vadd.f32 $0.0e+00, v14;
	v60 =	vadd.f32 $0.0e+00, v54  }
0x42b: {  	v62 =	vld.idx.msk [tilespmem:v63+s12+$0x0], $0xffff;
	v61 =	vadd.f32 $0.0e+00, v55;
	v27 =	vmul.f32 v30, v27;
	v18 =	vadd.f32 $0.0e+00, v18  }
0x42c: {  	v23 =	vmul.f32 v25, v23;
	v63 =	vld.idx.msk [tilespmem:v63+s19+$0x0], $0xffff;
	v14 =	vadd.f32 v34, v14;
	v22 =	vadd.f32 v50, v60  }
0x42d: {  	v40 =	vld.idx.msk [tilespmem:v53+s12+$0x0], $0xffff;
	v15 =	vmul.f32 v15, v48;
	v38 =	vadd.f32 v52, v61;
	v18 =	vadd.f32 v27, v18  }
0x42e: {  	v10 =	vmul.f32 v12, v10;
	v41 =	vld.idx.msk [tilespmem:v53+s19+$0x0], $0xffff;
	v14 =	vadd.f32 v23, v14;
	v22 =	vadd.f32 v32, v22  }
0x42f: {  	v44 =	vld.idx.msk [tilespmem:v58+s12+$0x0], $0xffff;
	v45 =	vmul.f32 v59, v57;
	v31 =	vadd.f32 v33, v38;
	v15 =	vadd.f32 v15, v18  }
0x430: {  	v8 =	vmul.f32 v9, v8;
	v5 =	vld.idx.msk [tilespmem:v58+s19+$0x0], $0xffff;
	v10 =	vadd.f32 v10, v14;
	v46 =	vadd.f32 v28, v22  }
0x431: {  	v51 =	vld.idx.msk [tilespmem:v56+s19+$0x0], $0xffff;
	v50 =	vmul.f32 v63, v62;
	v47 =	vadd.f32 v29, v31;
	v49 =	vadd.f32 v45, v15  }
0x432: {  	v6 =	vmul.f32 v7, v6;
	v48 =	vld.idx.msk [tilespmem:v56+s12+$0x0], $0xffff;
	v52 =	vadd.f32 v8, v10;
	v21 =	vadd.f32 v24, v46  }
0x433: {  	v54 =	vmul.f32 v41, v40;
	v22 =	vadd.f32 v26, v47;
	v53 =	vadd.f32 v50, v49  }
0x434: {  	v3 =	vmul.f32 v4, v3;
	v57 =	vadd.f32 v6, v52;
	v55 =	vadd.f32 v19, v21  }
0x435: {  	v5 =	vmul.f32 v5, v44;
	v56 =	vadd.f32 v20, v22;
	v58 =	vadd.f32 v54, v53  }
0x436: {  	v1 =	vmul.f32 v2, v1;
	v2 =	vadd.f32 v3, v57;
	v59 =	vadd.f32 v16, v55  }
0x437: {  	v61 =	vmul.f32 v51, v48;
	v60 =	vadd.f32 v17, v56;
	v3 =	vadd.f32 v5, v58  }
0x438: {  	v1 =	vadd.f32 v1, v2;
	v62 =	vadd.f32 v11, v59  }
0x439: {  	v63 =	vadd.f32 v13, v60;
	v2 =	vadd.f32 v61, v3;
	_ =	sdelay $0x1  }
0x43a: {  	v3 =	vadd.f32 v63, v62;
	v1 =	vadd.f32 v2, v1;
	_ =	sdelay $0x1  }
0x43b: {  	v1 =	vadd.f32 v1, v3;
	_ =	sdelay $0x1  }
0x43c: {  	v1 =	vsub.f32 $0.0e+00, v1;
	_ =	sdelay $0x1  }
0x43d: {  	v1 =	vmul.f32 $1.442695020e+00, v1;
	_ =	sdelay $0x1  }
0x43e: {  	(erf) = vpow2.f32 v1;
	_ =	sdelay $0x8  }
0x43f: {  	v1 =	vpop (erf)  }
0x440: {  	v1 =	vadd.f32 $1.000000000e+00, v1;
	_ =	sdelay $0x1  }
0x441: {  	(erf) = vrcp.f32 v1;
	_ =	sdelay $0x7  }
0x442: {  	s16 =	sadd.s32 $0x1, s16  }
0x443: {  	s17 =	sadd.s32 $0x10, s17;
	p0 =	sne.s32 s16, s8;
	v1 =	vpop (erf)  }
.Ltmp4:
0x444: {  	[tilespmem:s17+$0x0] =	vst v1;
	(pc) =	sbr.rel @p0 .LBB2_1-.Ltmp4, $4  }
0x445: {  	[hbm4b:s7+s1] =	stream.linear.scatter [tilespmem:s14], [sflag:$0xB], $0x200, $0x38;
	[tilespmem:$0x8600] =	vst v63  }
0x446: {  	_ =	swait.ge [sflag:s15], $0x200  }
0x447: {  	[sflag:s15] =	ssyncset.done $0x0  }
0x448: {  	[sflag:s15] =	ssyncadd.s32 $0xFFFFFE00  }
0x449: {  	_ =	sfence.sel $0x180000  }
0x44a: {  	[bflag:$0x0] =	sbarrier.arrive $0xFFFF  }
0x44b: {  	_ =	strace $0x90000047  }
0x44c: {  	s0 =	stileid.u32;
	[bflag:$0x2] =	sbarrier.arrive $0xFFFF  }
0x44d: {  	p0 =	sne.s32 s0, $0x0;
	s0 =	rddreg [dreg:$0x4]  }
0x44e: {  	s0 =	sadd.s32 @!p0 $0x100000, s0  }
0x44f: {  	[sflag:s0] =	ssyncadd.tile.s32 @!p0 $0x1;
	_ =	shalt  }
.Lfunc_end2:
_tile_overlayer_lowered:
.L_overlay_start_2:
0x450: {  	(tag) =	ssettag $0x2  }
0x451: {  	s0 =	rddreg [dreg:$0x0];
	s2 =	stileid.u32  }
0x452: {  	s1 =	rddreg [dreg:$0x1];
	p0 =	sne.s32 s2, $0x0  }
0x453: {  	s3 =	rddreg [dreg:$0x2];
	[bflag:$0x3] =	sbarrier.arrive $0xFFFF;
	s2 =	simm.s32 @!p0 $0x1C0B  }
0x454: {  	[timem:s3], [sflag:s2] =	dma.local @!p0 [hbm:s0], s1  }
0x455: {  	s0 =	simm.s32 @!p0 $0xB  }
0x456: {  	_ =	swait.ge @!p0 [sflag:s0], s1  }
0x457: {  	s1 =	ssub.s32 @!p0 $0x0, s1;
	[sflag:s0] =	ssyncset.done @!p0 $0x0  }
0x458: {  	[sflag:s0] =	ssyncadd.s32 @!p0 s1  }
0x459: {  	[bflag:$0x3] =	sbarrier.arrive $0xFFFF  }
0x45a: {  	_ =	shalt  }

</sc_bundles>
